<compile_context>
chip_gen: v7x
topology: tpu7x:2x2x1
jax: 0.10.2.dev20260603
libtpu: 0.0.44.dev20260713+nightly
codegen_flags: <defaults>
</compile_context>

<pallas_src>
import functools

import jax
import jax.numpy as jnp
from jax import lax
from jax.experimental import pallas as pl
from jax.experimental.pallas import tpu as pltpu
from jax.experimental.pallas import tpu_sc as plsc

N = 10000
E = 320000
D = 128
A = 16
MW = 144
NPAD = 10240

NC = 2
NS = 16
NW = NC * NS
NSLICE = 1
ES = E // NSLICE
EPW = ES // NW
C = 80
NCHUNK = EPW // C

_SIGMAS = (0.1, 0.5, 1.0)


def _prep_body(x_ref, ws_ref, wd_ref, b_ref, tp_ref, tq_ref):
    xb = x_ref[...]
    tp_ref[...] = (
        jnp.dot(xb, ws_ref[...], preferred_element_type=jnp.float32) + b_ref[...]
    )
    tq_ref[...] = jnp.dot(xb, wd_ref[...], preferred_element_type=jnp.float32)


def _prep(x, w_src, w_dst, b1e):
    bn = 1000
    return pl.pallas_call(
        _prep_body,
        grid=(N // bn,),
        in_specs=[
            pl.BlockSpec((bn, D), lambda i: (i, 0)),
            pl.BlockSpec((D, D), lambda i: (0, 0)),
            pl.BlockSpec((D, D), lambda i: (0, 0)),
            pl.BlockSpec((1, D), lambda i: (0, 0)),
        ],
        out_specs=[
            pl.BlockSpec((bn, D), lambda i: (i, 0)),
            pl.BlockSpec((bn, D), lambda i: (i, 0)),
        ],
        out_shape=[
            jax.ShapeDtypeStruct((N, D), jnp.float32),
            jax.ShapeDtypeStruct((N, D), jnp.float32),
        ],
    )(x, w_src, w_dst, b1e)


@functools.lru_cache(maxsize=None)
def _make_mesh():
    return plsc.VectorSubcoreMesh(
        core_axis_name="c", subcore_axis_name="s",
        num_cores=NC, num_subcores=NS)


@functools.lru_cache(maxsize=None)
def _make_sc_gather():
    return functools.partial(
        pl.kernel,
        out_type=(
            jax.ShapeDtypeStruct((ES, D), jnp.float32),
            jax.ShapeDtypeStruct((ES,), jnp.float32),
        ),
        mesh=_make_mesh(),
        compiler_params=pltpu.CompilerParams(needs_layout_passes=False),
        scratch_types=[
            pltpu.VMEM((N,), jnp.float32),
            pltpu.VMEM((N,), jnp.float32),
            pltpu.VMEM((N,), jnp.float32),
            pltpu.VMEM((C,), jnp.int32),
            pltpu.VMEM((C,), jnp.int32),
            pltpu.VMEM((C, D), jnp.float32),
            pltpu.VMEM((C, D), jnp.float32),
            pltpu.VMEM((C,), jnp.float32),
            pltpu.VMEM((C,), jnp.int32),
            pltpu.VMEM((C,), jnp.int32),
            pltpu.VMEM((C, D), jnp.float32),
            pltpu.VMEM((C, D), jnp.float32),
            pltpu.VMEM((C,), jnp.float32),
            pltpu.SemaphoreType.DMA,
            pltpu.SemaphoreType.DMA,
        ],
    )(_sc_gather_body)


def _sc_gather_body(tp_hbm, tq_hbm, cx_hbm, cy_hbm, cz_hbm, src_hbm, dst_hbm,
                    sum_out, rd_out,
                    cx_v, cy_v, cz_v,
                    src0, dst0, bufp0, bufq0, rd0,
                    src1, dst1, bufp1, bufq1, rd1,
                    sem0, sem1):
    wid = lax.axis_index("s") * NC + lax.axis_index("c")
    pltpu.sync_copy(cx_hbm, cx_v)
    pltpu.sync_copy(cy_hbm, cy_v)
    pltpu.sync_copy(cz_hbm, cz_v)
    sets = ((src0, dst0, bufp0, bufq0, rd0, sem0),
            (src1, dst1, bufp1, bufq1, rd1, sem1))

    def stage_in(c, s):
        src_v, dst_v, bufp, bufq, _, sem = sets[s]
        base = wid * EPW + c * C
        pltpu.sync_copy(src_hbm.at[pl.ds(base, C)], src_v)
        pltpu.sync_copy(dst_hbm.at[pl.ds(base, C)], dst_v)
        pltpu.async_copy(tp_hbm.at[src_v], bufp, sem)
        pltpu.async_copy(tq_hbm.at[dst_v], bufq, sem)

    def process(c, s):
        src_v, dst_v, bufp, bufq, rd_v, sem = sets[s]
        base = wid * EPW + c * C
        for g in range(C // 16):
            s16 = src_v[pl.ds(g * 16, 16)]
            d16 = dst_v[pl.ds(g * 16, 16)]
            acc = jnp.zeros((16,), jnp.float32)
            for cv in (cx_v, cy_v, cz_v):
                r = plsc.load_gather(cv, [s16]) - plsc.load_gather(cv, [d16])
                acc = acc + r * r
            rd_v[pl.ds(g * 16, 16)] = acc
        pltpu.make_async_copy(tp_hbm.at[src_v], bufp, sem).wait()
        pltpu.make_async_copy(tq_hbm.at[dst_v], bufq, sem).wait()

        def row(i, _):
            for k in range(D // 16):
                sl = pl.ds(k * 16, 16)
                plsc.addupdate(bufp.at[i, sl], bufq[i, sl])
            return 0

        lax.fori_loop(0, C, row, 0, unroll=False)
        pltpu.sync_copy(bufp, sum_out.at[pl.ds(base, C)])
        pltpu.sync_copy(rd_v, rd_out.at[pl.ds(base, C)])

    stage_in(0, 0)

    def group(g, _):
        c0 = 2 * g
        stage_in(c0 + 1, 1)
        process(c0, 0)
        stage_in(c0 + 2, 0)
        process(c0 + 1, 1)
        return 0

    lax.fori_loop(0, (NCHUNK - 1) // 2, group, 0, unroll=False)
    process(NCHUNK - 1, 0)


def _edge_body(sum_ref, rd_ref, ea_ref, wea_ref, wrbf_ref, g1_ref, be1_ref,
               w2_ref, b2_ref, wse_ref, bse_ref, out_ref):
    h1 = sum_ref[...].astype(jnp.float32) + jnp.dot(
        ea_ref[...], wea_ref[...], preferred_element_type=jnp.float32)
    d2 = rd_ref[...] + 1e-8
    wr = wrbf_ref[...]
    for k, sig in enumerate(_SIGMAS):
        h1 = h1 + jnp.exp(d2 * (-1.0 / (2.0 * sig * sig))) * wr[k:k + 1, :]
    h = h1 * jax.nn.sigmoid(h1)
    mu = jnp.mean(h, axis=-1, keepdims=True)
    var = jnp.mean((h - mu) ** 2, axis=-1, keepdims=True)
    h = (h - mu) * lax.rsqrt(var + 1e-5) * g1_ref[...] + be1_ref[...]
    m = jnp.dot(h.astype(jnp.bfloat16), w2_ref[...].astype(jnp.bfloat16),
                preferred_element_type=jnp.float32) + b2_ref[...]
    w = jax.nn.sigmoid(
        jnp.dot(m, wse_ref[...], preferred_element_type=jnp.float32) + bse_ref[...])
    m = m * w
    out_ref[...] = m


def _edge(summ, rd, ea, wea, wrbf, g1, be1, w2, b2, wse, bse):
    blk = 4000
    return pl.pallas_call(
        _edge_body,
        grid=(ES // blk,),
        in_specs=[
            pl.BlockSpec((blk, D), lambda i: (i, 0)),
            pl.BlockSpec((blk, 1), lambda i: (i, 0)),
            pl.BlockSpec((blk, A), lambda i: (i, 0)),
            pl.BlockSpec((A, D), lambda i: (0, 0)),
            pl.BlockSpec((3, D), lambda i: (0, 0)),
            pl.BlockSpec((1, D), lambda i: (0, 0)),
            pl.BlockSpec((1, D), lambda i: (0, 0)),
            pl.BlockSpec((D, D), lambda i: (0, 0)),
            pl.BlockSpec((1, D), lambda i: (0, 0)),
            pl.BlockSpec((D, 1), lambda i: (0, 0)),
            pl.BlockSpec((1, 1), lambda i: (0, 0)),
        ],
        out_specs=pl.BlockSpec((blk, D), lambda i: (i, 0)),
        out_shape=jax.ShapeDtypeStruct((ES, D), jnp.float32),
    )(summ, rd, ea, wea, wrbf, g1, be1, w2, b2, wse, bse)


@functools.lru_cache(maxsize=None)
def _make_sc_scatter():
    return functools.partial(
        pl.kernel,
        out_type=(
            jax.ShapeDtypeStruct((NC, NPAD, D), jnp.float32),
            jax.ShapeDtypeStruct((NW, NPAD), jnp.int32),
        ),
        mesh=_make_mesh(),
        compiler_params=pltpu.CompilerParams(needs_layout_passes=False),
        scratch_types=[
            pltpu.VMEM((C, D), jnp.float32),
            pltpu.VMEM((C,), jnp.int32),
            pltpu.VMEM((C, D), jnp.float32),
            pltpu.VMEM((C,), jnp.int32),
            pltpu.VMEM((NPAD,), jnp.int32),
            pltpu.VMEM_SHARED((NPAD, D), jnp.float32),
            pltpu.SemaphoreType.DMA,
            pltpu.SemaphoreType.DMA,
        ],
    )(_sc_scatter_body)


def _sc_scatter_body(m_hbm, dst_hbm, out_hbm, cnt_hbm,
                     m0, di0, m1, di1, cnt_v, acc_sh, sem0, sem1):
    cid = lax.axis_index("c")
    sid = lax.axis_index("s")
    wid = sid * NC + cid
    rows_per_tile = NPAD // NS
    sets = ((m0, di0, sem0), (m1, di1, sem1))

    def zrow(i, _):
        for k in range(D // 16):
            m0[i, pl.ds(k * 16, 16)] = jnp.zeros((16,), jnp.float32)
        return 0

    lax.fori_loop(0, C, zrow, 0, unroll=False)

    def zcnt(i, _):
        cnt_v[pl.ds(i * 16, 16)] = jnp.zeros((16,), jnp.int32)
        return 0

    lax.fori_loop(0, NPAD // 16, zcnt, 0, unroll=False)

    def zcp(b, _):
        pltpu.sync_copy(m0, acc_sh.at[pl.ds(sid * rows_per_tile + b * C, C)])
        return 0

    lax.fori_loop(0, rows_per_tile // C, zcp, 0, unroll=False)
    plsc.subcore_barrier()

    def stage_in(c, s):
        m_v, dsti_v, sem = sets[s]
        base = wid * EPW + c * C
        pltpu.sync_copy(dst_hbm.at[pl.ds(base, C)], dsti_v)
        pltpu.async_copy(m_hbm.at[pl.ds(base, C)], m_v, sem)

    def process(c, s):
        m_v, dsti_v, sem = sets[s]
        base = wid * EPW + c * C
        for g in range(C // 16):
            v16 = dsti_v[pl.ds(g * 16, 16)]
            cnts, last = plsc.scan_count(v16)
            cur = plsc.load_gather(cnt_v, [v16])
            plsc.store_scatter(cnt_v, [v16], cur + cnts, mask=last)
        pltpu.make_async_copy(m_hbm.at[pl.ds(base, C)], m_v, sem).wait()
        pltpu.sync_copy(m_v, acc_sh.at[dsti_v], add=True)

    stage_in(0, 0)

    def group(g, _):
        c0 = 2 * g
        stage_in(c0 + 1, 1)
        process(c0, 0)
        stage_in(c0 + 2, 0)
        process(c0 + 1, 1)
        return 0

    lax.fori_loop(0, (NCHUNK - 1) // 2, group, 0, unroll=False)
    process(NCHUNK - 1, 0)
    pltpu.sync_copy(cnt_v, cnt_hbm.at[wid])
    plsc.subcore_barrier()

    def ocp(b, _):
        r0 = sid * rows_per_tile + b * C
        pltpu.sync_copy(acc_sh.at[pl.ds(r0, C)], m0)
        pltpu.sync_copy(m0, out_hbm.at[cid].at[pl.ds(r0, C)])
        return 0

    lax.fori_loop(0, rows_per_tile // C, ocp, 0, unroll=False)


def _node_body(x_ref, parts_ref, cnt_ref, w1x_ref, w1a_ref, b1_ref, g1_ref,
               be1_ref, w2_ref, b2_ref, gn_ref, bn_ref, out_ref):
    xb = x_ref[...]
    p = parts_ref[0] + parts_ref[1]
    cnt = jnp.sum(cnt_ref[...], axis=0).astype(jnp.float32)[:, None]
    agg = p / jnp.maximum(cnt, 1.0)
    h = (jnp.dot(xb, w1x_ref[...], preferred_element_type=jnp.float32)
         + jnp.dot(agg, w1a_ref[...], preferred_element_type=jnp.float32)
         + b1_ref[...])
    h = h * jax.nn.sigmoid(h)
    mu = jnp.mean(h, axis=-1, keepdims=True)
    var = jnp.mean((h - mu) ** 2, axis=-1, keepdims=True)
    h = (h - mu) * lax.rsqrt(var + 1e-5) * g1_ref[...] + be1_ref[...]
    h = jnp.dot(h, w2_ref[...], preferred_element_type=jnp.float32) + b2_ref[...]
    mu = jnp.mean(h, axis=-1, keepdims=True)
    var = jnp.mean((h - mu) ** 2, axis=-1, keepdims=True)
    h = (h - mu) * lax.rsqrt(var + 1e-5) * gn_ref[...] + bn_ref[...]
    out_ref[...] = xb + h


def _node(x, parts, cnth, w1x, w1a, b1, g1, be1, w2, b2, gn, bn):
    bn_blk = 1024
    return pl.pallas_call(
        _node_body,
        grid=(NPAD // bn_blk,),
        in_specs=[
            pl.BlockSpec((bn_blk, D), lambda i: (i, 0)),
            pl.BlockSpec((NC, bn_blk, D), lambda i: (0, i, 0)),
            pl.BlockSpec((NW, bn_blk), lambda i: (0, i)),
            pl.BlockSpec((D, D), lambda i: (0, 0)),
            pl.BlockSpec((D, D), lambda i: (0, 0)),
            pl.BlockSpec((1, D), lambda i: (0, 0)),
            pl.BlockSpec((1, D), lambda i: (0, 0)),
            pl.BlockSpec((1, D), lambda i: (0, 0)),
            pl.BlockSpec((D, D), lambda i: (0, 0)),
            pl.BlockSpec((1, D), lambda i: (0, 0)),
            pl.BlockSpec((1, D), lambda i: (0, 0)),
            pl.BlockSpec((1, D), lambda i: (0, 0)),
        ],
        out_specs=pl.BlockSpec((bn_blk, D), lambda i: (i, 0)),
        out_shape=jax.ShapeDtypeStruct((NPAD, D), jnp.float32),
    )(x, parts, cnth, w1x, w1a, b1, g1, be1, w2, b2, gn, bn)


def kernel(x, coords, edge_index, edge_attr,
           W1e, b1e, g1e, be1e, W2e, b2e, Wse, bse,
           W1n, b1n, g1n, be1n, W2n, b2n, gnn, bnn):
    src = edge_index[0].astype(jnp.int32)
    dst = edge_index[1].astype(jnp.int32)
    w_src = W1e[:D]
    w_dst = W1e[D:2 * D]
    w_ea = W1e[2 * D:2 * D + A]
    w_rbf = W1e[2 * D + A:]

    tp, tq = _prep(x, w_src, w_dst, b1e.reshape(1, D))
    cx, cy, cz = coords[:, 0], coords[:, 1], coords[:, 2]
    gather = _make_sc_gather()
    scatter = _make_sc_scatter()
    summ, rd = gather(tp, tq, cx, cy, cz, src, dst)
    m = _edge(summ, rd.reshape(ES, 1), edge_attr,
              w_ea, w_rbf, g1e.reshape(1, D), be1e.reshape(1, D),
              W2e, b2e.reshape(1, D), Wse, bse.reshape(1, 1))
    parts, cnth = scatter(m, dst)
    x_pad = jnp.pad(x, ((0, NPAD - N), (0, 0)))
    out = _node(x_pad, parts, cnth,
                W1n[:D], W1n[D:], b1n.reshape(1, D),
                g1n.reshape(1, D), be1n.reshape(1, D),
                W2n, b2n.reshape(1, D), gnn.reshape(1, D), bnn.reshape(1, D))
    return out[:N]

# --- scband reference (transcript-rebuilt; emitter-appended) ---
"""Pipeline reference for scband-extract3-dfeatures-26757646254166 (READ-ONLY COPY).

The authoritative reference and input builder live on the scoring server;
editing this copy changes nothing except your own understanding.
"""

import jax, jax.numpy as jnp
import numpy as np

N = 10000
E = 320000
D = 128      # node_feats_dim
H = 128      # node_mlp_hidden_dim
HE = 128     # edge_mlp_hidden_dim
A = 16       # edge_attr_dim
EF = A + 3   # edge feats after rbf concat


def _silu(x):
    return x * jax.nn.sigmoid(x)


def _layernorm(x, g, b, eps=1e-5):
    m = jnp.mean(x, axis=-1, keepdims=True)
    v = jnp.var(x, axis=-1, keepdims=True)
    return (x - m) / jnp.sqrt(v + eps) * g + b


def setup_inputs(seed: int = 0) -> dict:
    key = jax.random.key(seed)
    ks = [jax.random.fold_in(key, i) for i in range(32)]
    s = 0.05
    inp = {
        'x': jax.random.normal(ks[0], (N, D), jnp.float32),
        'coords': jax.random.normal(ks[1], (N, 3), jnp.float32),
        'edge_index': jax.random.randint(ks[2], (2, E), 0, N, dtype=jnp.int64),
        'edge_attr': jax.random.normal(ks[3], (E, A), jnp.float32),
        # edge_mlp: Linear(2D+EF, HE), SiLU, LN(HE), Linear(HE, HE)
        'W1e': jax.random.normal(ks[4], (2 * D + EF, HE), jnp.float32) * s,
        'b1e': jnp.zeros((HE,), jnp.float32),
        'g1e': jnp.ones((HE,), jnp.float32),
        'be1e': jnp.zeros((HE,), jnp.float32),
        'W2e': jax.random.normal(ks[5], (HE, HE), jnp.float32) * s,
        'b2e': jnp.zeros((HE,), jnp.float32),
        # soft edge weight: Linear(HE, 1), Sigmoid
        'Wse': jax.random.normal(ks[6], (HE, 1), jnp.float32) * s,
        'bse': jnp.zeros((1,), jnp.float32),
        # node_mlp: Linear(D+H, H), SiLU, LN(H), Linear(H, D)
        'W1n': jax.random.normal(ks[7], (D + H, H), jnp.float32) * s,
        'b1n': jnp.zeros((H,), jnp.float32),
        'g1n': jnp.ones((H,), jnp.float32),
        'be1n': jnp.zeros((H,), jnp.float32),
        'W2n': jax.random.normal(ks[8], (H, D), jnp.float32) * s,
        'b2n': jnp.zeros((D,), jnp.float32),
        # node_norm: LN(D)
        'gnn': jnp.ones((D,), jnp.float32),
        'bnn': jnp.zeros((D,), jnp.float32),
    }
    return inp


def reference(x, coords, edge_index, edge_attr,
              W1e, b1e, g1e, be1e, W2e, b2e, Wse, bse,
              W1n, b1n, g1n, be1n, W2n, b2n, gnn, bnn):
    src = edge_index[0]
    dst = edge_index[1]
    # relative coords / rbf distance feats
    rel_coors = coords[src] - coords[dst]
    rel_dist = jnp.sum(rel_coors ** 2, axis=-1, keepdims=True)  # [E,1]
    dist = jnp.sqrt(rel_dist + 1e-8)
    rbf = jnp.concatenate(
        [jnp.exp(-dist ** 2 / (2.0 * sigma ** 2)) for sigma in (0.1, 0.5, 1.0)],
        axis=-1)  # [E,3]
    edge_attr_feats = jnp.concatenate([edge_attr, rbf], axis=-1)  # [E, A+3]
    # message function (edge mlp)
    src_feats = x[src]
    dst_feats = x[dst]
    h = jnp.concatenate([src_feats, dst_feats, edge_attr_feats], axis=-1)
    h = _silu(h @ W1e + b1e)
    h = _layernorm(h, g1e, be1e)
    m_ij = h @ W2e + b2e
    # soft edge gating
    w = jax.nn.sigmoid(m_ij @ Wse + bse)
    m_ij = m_ij * w
    # reduce: mean over incoming edges per dst node (DGL mailbox mean)
    agg_sum = jnp.zeros((N, HE), m_ij.dtype).at[dst].add(m_ij)
    cnt = jnp.zeros((N,), m_ij.dtype).at[dst].add(1.0)
    agg = agg_sum / jnp.clip(cnt, 1.0, None)[:, None]
    # node update (update_feats=True)
    hn = jnp.concatenate([x, agg], axis=-1)
    hn = _silu(hn @ W1n + b1n)
    hn = _layernorm(hn, g1n, be1n)
    hn = hn @ W2n + b2n
    hn = _layernorm(hn, gnn, bnn)
    out = x + hn
    return out

if __name__ == "__main__":
    import jax
    _d = setup_inputs()
    print(jax.jit(kernel)(*tuple(_d.values())))

</pallas_src>

<mosaic_0001>
#map = affine_map<(d0, d1) -> (0, 0)>
#map1 = affine_map<(d0, d1) -> (0)>
#map2 = affine_map<(d0, d1) -> (0, 0, 0)>
module attributes {stable_mosaic.version = 14 : i64} {
  func.func @_sc_scatter_body(%arg0: i32, %arg1: i32, %arg2: memref<320000x128xf32, #tpu.memory_space<hbm>>, %arg3: memref<320000xi32, #tpu.memory_space<hbm>>, %arg4: memref<2x10240x128xf32, #tpu.memory_space<hbm>>, %arg5: memref<32x10240xi32, #tpu.memory_space<hbm>>, %arg6: memref<80x128xf32, #tpu.memory_space<vmem>>, %arg7: memref<80xi32, #tpu.memory_space<vmem>>, %arg8: memref<80x128xf32, #tpu.memory_space<vmem>>, %arg9: memref<80xi32, #tpu.memory_space<vmem>>, %arg10: memref<10240xi32, #tpu.memory_space<vmem>>, %arg11: memref<10240x128xf32, #tpu.memory_space<vmem_shared>>, %arg12: memref<!tpu.dma_semaphore, #tpu.memory_space<semaphore_mem>>, %arg13: memref<!tpu.dma_semaphore, #tpu.memory_space<semaphore_mem>>) attributes {dimension_semantics = [#tpu.dimension_semantics<core_parallel>, #tpu.dimension_semantics<subcore_parallel>], iteration_bounds = array<i64: 2, 16>, scalar_prefetch = 0 : i64, scratch_operands = 8 : i64, tpu.core_type = #tpu.core_type<sc_vector_subcore>, window_params = [{transform_indices = #map}, {transform_indices = #map1}, {transform_indices = #map2}, {transform_indices = #map}]} {
    %mul3A = arith.constant 2 : i32
    %mul3A_0 = arith.muli %arg1, %mul3A : i32
    %add3A = arith.addi %mul3A_0, %arg0 : i32
    %scan3A = arith.constant 0 : i32
    %scan3A_1 = arith.constant 0 : i32
    %scan3A_2 = arith.constant 80 : i32
    %scan3A_3 = arith.addi %scan3A_1, %scan3A_2 : i32
    %scan3A_4 = arith.constant 1 : i32
    %scan3A_5 = scf.for %scan3A_86 = %scan3A_1 to %scan3A_3 step %scan3A_4 iter_args(%scan3A_87 = %scan3A) -> (i32)  : i32 {
      %broadcast_in_dim3A_88 = arith.constant 0.000000e+00 : f32
      %broadcast_in_dim3A_89 = vector.broadcast %broadcast_in_dim3A_88 : f32 to vector<16xf32>
      %swap3A = arith.index_cast %scan3A_86 : i32 to index
      %swap3A_90 = arith.constant 0 : index
      %swap3A_91 = tpu.vector_load %arg6[%swap3A, %swap3A_90] {strides = array<i32>} : memref<80x128xf32, #tpu.memory_space<vmem>>, vector<16xf32>,
      tpu.vector_store %arg6[%swap3A, %swap3A_90], %broadcast_in_dim3A_89 {strides = array<i32>} : memref<80x128xf32, #tpu.memory_space<vmem>>, vector<16xf32>,
      %broadcast_in_dim3A_92 = arith.constant 0.000000e+00 : f32
      %broadcast_in_dim3A_93 = vector.broadcast %broadcast_in_dim3A_92 : f32 to vector<16xf32>
      %swap3A_94 = arith.index_cast %scan3A_86 : i32 to index
      %swap3A_95 = arith.constant 16 : index
      %swap3A_96 = tpu.vector_load %arg6[%swap3A_94, %swap3A_95] {strides = array<i32>} : memref<80x128xf32, #tpu.memory_space<vmem>>, vector<16xf32>,
      tpu.vector_store %arg6[%swap3A_94, %swap3A_95], %broadcast_in_dim3A_93 {strides = array<i32>} : memref<80x128xf32, #tpu.memory_space<vmem>>, vector<16xf32>,
      %broadcast_in_dim3A_97 = arith.constant 0.000000e+00 : f32
      %broadcast_in_dim3A_98 = vector.broadcast %broadcast_in_dim3A_97 : f32 to vector<16xf32>
      %swap3A_99 = arith.index_cast %scan3A_86 : i32 to index
      %swap3A_100 = arith.constant 32 : index
      %swap3A_101 = tpu.vector_load %arg6[%swap3A_99, %swap3A_100] {strides = array<i32>} : memref<80x128xf32, #tpu.memory_space<vmem>>, vector<16xf32>,
      tpu.vector_store %arg6[%swap3A_99, %swap3A_100], %broadcast_in_dim3A_98 {strides = array<i32>} : memref<80x128xf32, #tpu.memory_space<vmem>>, vector<16xf32>,
      %broadcast_in_dim3A_102 = arith.constant 0.000000e+00 : f32
      %broadcast_in_dim3A_103 = vector.broadcast %broadcast_in_dim3A_102 : f32 to vector<16xf32>
      %swap3A_104 = arith.index_cast %scan3A_86 : i32 to index
      %swap3A_105 = arith.constant 48 : index
      %swap3A_106 = tpu.vector_load %arg6[%swap3A_104, %swap3A_105] {strides = array<i32>} : memref<80x128xf32, #tpu.memory_space<vmem>>, vector<16xf32>,
      tpu.vector_store %arg6[%swap3A_104, %swap3A_105], %broadcast_in_dim3A_103 {strides = array<i32>} : memref<80x128xf32, #tpu.memory_space<vmem>>, vector<16xf32>,
      %broadcast_in_dim3A_107 = arith.constant 0.000000e+00 : f32
      %broadcast_in_dim3A_108 = vector.broadcast %broadcast_in_dim3A_107 : f32 to vector<16xf32>
      %swap3A_109 = arith.index_cast %scan3A_86 : i32 to index
      %swap3A_110 = arith.constant 64 : index
      %swap3A_111 = tpu.vector_load %arg6[%swap3A_109, %swap3A_110] {strides = array<i32>} : memref<80x128xf32, #tpu.memory_space<vmem>>, vector<16xf32>,
      tpu.vector_store %arg6[%swap3A_109, %swap3A_110], %broadcast_in_dim3A_108 {strides = array<i32>} : memref<80x128xf32, #tpu.memory_space<vmem>>, vector<16xf32>,
      %broadcast_in_dim3A_112 = arith.constant 0.000000e+00 : f32
      %broadcast_in_dim3A_113 = vector.broadcast %broadcast_in_dim3A_112 : f32 to vector<16xf32>
      %swap3A_114 = arith.index_cast %scan3A_86 : i32 to index
      %swap3A_115 = arith.constant 80 : index
      %swap3A_116 = tpu.vector_load %arg6[%swap3A_114, %swap3A_115] {strides = array<i32>} : memref<80x128xf32, #tpu.memory_space<vmem>>, vector<16xf32>,
      tpu.vector_store %arg6[%swap3A_114, %swap3A_115], %broadcast_in_dim3A_113 {strides = array<i32>} : memref<80x128xf32, #tpu.memory_space<vmem>>, vector<16xf32>,
      %broadcast_in_dim3A_117 = arith.constant 0.000000e+00 : f32
      %broadcast_in_dim3A_118 = vector.broadcast %broadcast_in_dim3A_117 : f32 to vector<16xf32>
      %swap3A_119 = arith.index_cast %scan3A_86 : i32 to index
      %swap3A_120 = arith.constant 96 : index
      %swap3A_121 = tpu.vector_load %arg6[%swap3A_119, %swap3A_120] {strides = array<i32>} : memref<80x128xf32, #tpu.memory_space<vmem>>, vector<16xf32>,
      tpu.vector_store %arg6[%swap3A_119, %swap3A_120], %broadcast_in_dim3A_118 {strides = array<i32>} : memref<80x128xf32, #tpu.memory_space<vmem>>, vector<16xf32>,
      %broadcast_in_dim3A_122 = arith.constant 0.000000e+00 : f32
      %broadcast_in_dim3A_123 = vector.broadcast %broadcast_in_dim3A_122 : f32 to vector<16xf32>
      %swap3A_124 = arith.index_cast %scan3A_86 : i32 to index
      %swap3A_125 = arith.constant 112 : index
      %swap3A_126 = tpu.vector_load %arg6[%swap3A_124, %swap3A_125] {strides = array<i32>} : memref<80x128xf32, #tpu.memory_space<vmem>>, vector<16xf32>,
      tpu.vector_store %arg6[%swap3A_124, %swap3A_125], %broadcast_in_dim3A_123 {strides = array<i32>} : memref<80x128xf32, #tpu.memory_space<vmem>>, vector<16xf32>,
      %scan3A_127 = arith.constant 0 : i32
      scf.yield %scan3A_127 : i32
    }
    %scan3A_6 = arith.constant 80 : i32
    %scan3A_7 = arith.constant 0 : i32
    %scan3A_8 = arith.constant 0 : i32
    %scan3A_9 = arith.constant 640 : i32
    %scan3A_10 = arith.addi %scan3A_8, %scan3A_9 : i32
    %scan3A_11 = arith.constant 1 : i32
    %scan3A_12 = scf.for %scan3A_86 = %scan3A_8 to %scan3A_10 step %scan3A_11 iter_args(%scan3A_87 = %scan3A_7) -> (i32)  : i32 {
      %broadcast_in_dim3A_88 = arith.constant 0 : i32
      %broadcast_in_dim3A_89 = vector.broadcast %broadcast_in_dim3A_88 : i32 to vector<16xi32>
      %mul3A_90 = arith.constant 16 : i32
      %mul3A_91 = arith.muli %scan3A_86, %mul3A_90 : i32
      %swap3A = arith.index_cast %mul3A_91 : i32 to index
      %swap3A_92 = tpu.vector_load %arg10[%swap3A] {strides = array<i32>} : memref<10240xi32, #tpu.memory_space<vmem>>, vector<16xi32>,
      tpu.vector_store %arg10[%swap3A], %broadcast_in_dim3A_89 {strides = array<i32>} : memref<10240xi32, #tpu.memory_space<vmem>>, vector<16xi32>,
      %scan3A_93 = arith.constant 0 : i32
      scf.yield %scan3A_93 : i32
    }
    %scan3A_13 = arith.constant 640 : i32
    %scan3A_14 = arith.constant 0 : i32
    %scan3A_15 = arith.constant 0 : i32
    %scan3A_16 = arith.constant 8 : i32
    %scan3A_17 = arith.addi %scan3A_15, %scan3A_16 : i32
    %scan3A_18 = arith.constant 1 : i32
    %scan3A_19 = scf.for %scan3A_86 = %scan3A_15 to %scan3A_17 step %scan3A_18 iter_args(%scan3A_87 = %scan3A_14) -> (i32)  : i32 {
      %mul3A_88 = arith.constant 640 : i32
      %mul3A_89 = arith.muli %arg1, %mul3A_88 : i32
      %mul3A_90 = arith.constant 80 : i32
      %mul3A_91 = arith.muli %scan3A_86, %mul3A_90 : i32
      %add3A_92 = arith.addi %mul3A_89, %mul3A_91 : i32
      "tpu.region"() ({
        %run_scoped3A = tpu.sem_alloc : memref<!tpu.dma_semaphore, #tpu.memory_space<semaphore_mem>>
        %dma_start3A_94 = arith.constant 0 : i32
        %dma_start3A_95 = tpu.memref_slice %arg11[%add3A_92, %dma_start3A_94] : memref<10240x128xf32, #tpu.memory_space<vmem_shared>> -> memref<80x128xf32, #tpu.memory_space<vmem_shared>>
        %dma_start3A_96 = arith.constant 0 : i32
        %dma_start3A_97 = tpu.memref_slice %arg11[%add3A_92, %dma_start3A_96] : memref<10240x128xf32, #tpu.memory_space<vmem_shared>> -> memref<80x128xf32, #tpu.memory_space<vmem_shared>>
        tpu.enqueue_dma source(%arg6 : memref<80x128xf32, #tpu.memory_space<vmem>>) target(%dma_start3A_97 : memref<80x128xf32, #tpu.memory_space<vmem_shared>>) target_semaphore(%run_scoped3A : memref<!tpu.dma_semaphore, #tpu.memory_space<semaphore_mem>>)
        %dma_wait3A_98 = arith.constant 0 : i32
        %dma_wait3A_99 = tpu.memref_slice %arg11[%add3A_92, %dma_wait3A_98] : memref<10240x128xf32, #tpu.memory_space<vmem_shared>> -> memref<80x128xf32, #tpu.memory_space<vmem_shared>>
        %dma_wait3A_100 = arith.constant 0 : i32
        %dma_wait3A_101 = tpu.memref_slice %arg11[%add3A_92, %dma_wait3A_100] : memref<10240x128xf32, #tpu.memory_space<vmem_shared>> -> memref<80x128xf32, #tpu.memory_space<vmem_shared>>
        tpu.wait_dma2 semaphore(%run_scoped3A : memref<!tpu.dma_semaphore, #tpu.memory_space<semaphore_mem>>) src(%arg6 : memref<80x128xf32, #tpu.memory_space<vmem>>) dst(%dma_wait3A_101 : memref<80x128xf32, #tpu.memory_space<vmem_shared>>)
        tpu.yield
      }) : () -> ()
      %scan3A_93 = arith.constant 0 : i32
      scf.yield %scan3A_93 : i32
    }
    %scan3A_20 = arith.constant 8 : i32
    %barrier3A = arith.constant 0 : index
    tpu.barrier barrier_id(%barrier3A)
    %mul3A_21 = arith.constant 10000 : i32
    %mul3A_22 = arith.muli %add3A, %mul3A_21 : i32
    %add3A_23 = arith.constant 0 : i32
    %add3A_24 = arith.addi %mul3A_22, %add3A_23 : i32
    "tpu.region"() ({
      %run_scoped3A = tpu.sem_alloc : memref<!tpu.dma_semaphore, #tpu.memory_space<semaphore_mem>>
      %dma_start3A_86 = tpu.memref_slice %arg3[%add3A_24] : memref<320000xi32, #tpu.memory_space<hbm>> -> memref<80xi32, #tpu.memory_space<hbm>>
      %dma_start3A_87 = tpu.memref_slice %arg3[%add3A_24] : memref<320000xi32, #tpu.memory_space<hbm>> -> memref<80xi32, #tpu.memory_space<hbm>>
      tpu.enqueue_dma source(%dma_start3A_87 : memref<80xi32, #tpu.memory_space<hbm>>) target(%arg7 : memref<80xi32, #tpu.memory_space<vmem>>) target_semaphore(%run_scoped3A : memref<!tpu.dma_semaphore, #tpu.memory_space<semaphore_mem>>)
      %dma_wait3A_88 = tpu.memref_slice %arg3[%add3A_24] : memref<320000xi32, #tpu.memory_space<hbm>> -> memref<80xi32, #tpu.memory_space<hbm>>
      %dma_wait3A_89 = tpu.memref_slice %arg3[%add3A_24] : memref<320000xi32, #tpu.memory_space<hbm>> -> memref<80xi32, #tpu.memory_space<hbm>>
      tpu.wait_dma2 semaphore(%run_scoped3A : memref<!tpu.dma_semaphore, #tpu.memory_space<semaphore_mem>>) src(%dma_wait3A_89 : memref<80xi32, #tpu.memory_space<hbm>>) dst(%arg7 : memref<80xi32, #tpu.memory_space<vmem>>)
      tpu.yield
    }) : () -> ()
    %dma_start3A = arith.constant 0 : i32
    %dma_start3A_25 = tpu.memref_slice %arg2[%add3A_24, %dma_start3A] : memref<320000x128xf32, #tpu.memory_space<hbm>> -> memref<80x128xf32, #tpu.memory_space<hbm>>
    %dma_start3A_26 = arith.constant 0 : i32
    %dma_start3A_27 = tpu.memref_slice %arg2[%add3A_24, %dma_start3A_26] : memref<320000x128xf32, #tpu.memory_space<hbm>> -> memref<80x128xf32, #tpu.memory_space<hbm>>
    tpu.enqueue_dma source(%dma_start3A_27 : memref<80x128xf32, #tpu.memory_space<hbm>>) target(%arg6 : memref<80x128xf32, #tpu.memory_space<vmem>>) target_semaphore(%arg12 : memref<!tpu.dma_semaphore, #tpu.memory_space<semaphore_mem>>)
    %scan3A_28 = arith.constant 0 : i32
    %scan3A_29 = arith.constant 0 : i32
    %scan3A_30 = arith.constant 62 : i32
    %scan3A_31 = arith.addi %scan3A_29, %scan3A_30 : i32
    %scan3A_32 = arith.constant 1 : i32
    %scan3A_33 = scf.for %scan3A_86 = %scan3A_29 to %scan3A_31 step %scan3A_32 iter_args(%scan3A_87 = %scan3A_28) -> (i32)  : i32 {
      %mul3A_88 = arith.constant 2 : i32
      %mul3A_89 = arith.muli %mul3A_88, %scan3A_86 : i32
      %add3A_90 = arith.constant 1 : i32
      %add3A_91 = arith.addi %mul3A_89, %add3A_90 : i32
      %mul3A_92 = arith.constant 10000 : i32
      %mul3A_93 = arith.muli %add3A, %mul3A_92 : i32
      %mul3A_94 = arith.constant 80 : i32
      %mul3A_95 = arith.muli %add3A_91, %mul3A_94 : i32
      %add3A_96 = arith.addi %mul3A_93, %mul3A_95 : i32
      "tpu.region"() ({
        %run_scoped3A = tpu.sem_alloc : memref<!tpu.dma_semaphore, #tpu.memory_space<semaphore_mem>>
        %dma_start3A_213 = tpu.memref_slice %arg3[%add3A_96] : memref<320000xi32, #tpu.memory_space<hbm>> -> memref<80xi32, #tpu.memory_space<hbm>>
        %dma_start3A_214 = tpu.memref_slice %arg3[%add3A_96] : memref<320000xi32, #tpu.memory_space<hbm>> -> memref<80xi32, #tpu.memory_space<hbm>>
        tpu.enqueue_dma source(%dma_start3A_214 : memref<80xi32, #tpu.memory_space<hbm>>) target(%arg9 : memref<80xi32, #tpu.memory_space<vmem>>) target_semaphore(%run_scoped3A : memref<!tpu.dma_semaphore, #tpu.memory_space<semaphore_mem>>)
        %dma_wait3A_215 = tpu.memref_slice %arg3[%add3A_96] : memref<320000xi32, #tpu.memory_space<hbm>> -> memref<80xi32, #tpu.memory_space<hbm>>
        %dma_wait3A_216 = tpu.memref_slice %arg3[%add3A_96] : memref<320000xi32, #tpu.memory_space<hbm>> -> memref<80xi32, #tpu.memory_space<hbm>>
        tpu.wait_dma2 semaphore(%run_scoped3A : memref<!tpu.dma_semaphore, #tpu.memory_space<semaphore_mem>>) src(%dma_wait3A_216 : memref<80xi32, #tpu.memory_space<hbm>>) dst(%arg9 : memref<80xi32, #tpu.memory_space<vmem>>)
        tpu.yield
      }) : () -> ()
      %dma_start3A_97 = arith.constant 0 : i32
      %dma_start3A_98 = tpu.memref_slice %arg2[%add3A_96, %dma_start3A_97] : memref<320000x128xf32, #tpu.memory_space<hbm>> -> memref<80x128xf32, #tpu.memory_space<hbm>>
      %dma_start3A_99 = arith.constant 0 : i32
      %dma_start3A_100 = tpu.memref_slice %arg2[%add3A_96, %dma_start3A_99] : memref<320000x128xf32, #tpu.memory_space<hbm>> -> memref<80x128xf32, #tpu.memory_space<hbm>>
      tpu.enqueue_dma source(%dma_start3A_100 : memref<80x128xf32, #tpu.memory_space<hbm>>) target(%arg8 : memref<80x128xf32, #tpu.memory_space<vmem>>) target_semaphore(%arg13 : memref<!tpu.dma_semaphore, #tpu.memory_space<semaphore_mem>>)
      %mul3A_101 = arith.constant 10000 : i32
      %mul3A_102 = arith.muli %add3A, %mul3A_101 : i32
      %mul3A_103 = arith.constant 80 : i32
      %mul3A_104 = arith.muli %mul3A_89, %mul3A_103 : i32
      %add3A_105 = arith.addi %mul3A_102, %mul3A_104 : i32
      %get3A_106 = arith.constant 0 : index
      %get3A_107 = tpu.vector_load %arg7[%get3A_106] {strides = array<i32>} : memref<80xi32, #tpu.memory_space<vmem>>, vector<16xi32>,
      %broadcast_in_dim3A_108 = arith.constant true
      %broadcast_in_dim3A_109 = vector.broadcast %broadcast_in_dim3A_108 : i1 to vector<16xi1>
      %unique3A_110, %unique3A_111 = tpu.scan_count mask(%broadcast_in_dim3A_109 : vector<16xi1>) value(%get3A_107 : vector<16xi32>) : vector<16xi1>, vector<16xi32>
      %gather3A_112 = tpu.vector_load_idx %arg10[%get3A_107] : memref<10240xi32, #tpu.memory_space<vmem>>[vector<16xi32>], vector<16xi32>,
      %add3A_113 = arith.addi %gather3A_112, %unique3A_111 : vector<16xi32>
      tpu.vector_store_idx %arg10[%get3A_107], %add3A_113 masked %unique3A_110 : memref<10240xi32, #tpu.memory_space<vmem>>[vector<16xi32>], vector<16xi32>, vector<16xi1>
      %get3A_114 = arith.constant 16 : index
      %get3A_115 = tpu.vector_load %arg7[%get3A_114] {strides = array<i32>} : memref<80xi32, #tpu.memory_space<vmem>>, vector<16xi32>,
      %broadcast_in_dim3A_116 = arith.constant true
      %broadcast_in_dim3A_117 = vector.broadcast %broadcast_in_dim3A_116 : i1 to vector<16xi1>
      %unique3A_118, %unique3A_119 = tpu.scan_count mask(%broadcast_in_dim3A_117 : vector<16xi1>) value(%get3A_115 : vector<16xi32>) : vector<16xi1>, vector<16xi32>
      %gather3A_120 = tpu.vector_load_idx %arg10[%get3A_115] : memref<10240xi32, #tpu.memory_space<vmem>>[vector<16xi32>], vector<16xi32>,
      %add3A_121 = arith.addi %gather3A_120, %unique3A_119 : vector<16xi32>
      tpu.vector_store_idx %arg10[%get3A_115], %add3A_121 masked %unique3A_118 : memref<10240xi32, #tpu.memory_space<vmem>>[vector<16xi32>], vector<16xi32>, vector<16xi1>
      %get3A_122 = arith.constant 32 : index
      %get3A_123 = tpu.vector_load %arg7[%get3A_122] {strides = array<i32>} : memref<80xi32, #tpu.memory_space<vmem>>, vector<16xi32>,
      %broadcast_in_dim3A_124 = arith.constant true
      %broadcast_in_dim3A_125 = vector.broadcast %broadcast_in_dim3A_124 : i1 to vector<16xi1>
      %unique3A_126, %unique3A_127 = tpu.scan_count mask(%broadcast_in_dim3A_125 : vector<16xi1>) value(%get3A_123 : vector<16xi32>) : vector<16xi1>, vector<16xi32>
      %gather3A_128 = tpu.vector_load_idx %arg10[%get3A_123] : memref<10240xi32, #tpu.memory_space<vmem>>[vector<16xi32>], vector<16xi32>,
      %add3A_129 = arith.addi %gather3A_128, %unique3A_127 : vector<16xi32>
      tpu.vector_store_idx %arg10[%get3A_123], %add3A_129 masked %unique3A_126 : memref<10240xi32, #tpu.memory_space<vmem>>[vector<16xi32>], vector<16xi32>, vector<16xi1>
      %get3A_130 = arith.constant 48 : index
      %get3A_131 = tpu.vector_load %arg7[%get3A_130] {strides = array<i32>} : memref<80xi32, #tpu.memory_space<vmem>>, vector<16xi32>,
      %broadcast_in_dim3A_132 = arith.constant true
      %broadcast_in_dim3A_133 = vector.broadcast %broadcast_in_dim3A_132 : i1 to vector<16xi1>
      %unique3A_134, %unique3A_135 = tpu.scan_count mask(%broadcast_in_dim3A_133 : vector<16xi1>) value(%get3A_131 : vector<16xi32>) : vector<16xi1>, vector<16xi32>
      %gather3A_136 = tpu.vector_load_idx %arg10[%get3A_131] : memref<10240xi32, #tpu.memory_space<vmem>>[vector<16xi32>], vector<16xi32>,
      %add3A_137 = arith.addi %gather3A_136, %unique3A_135 : vector<16xi32>
      tpu.vector_store_idx %arg10[%get3A_131], %add3A_137 masked %unique3A_134 : memref<10240xi32, #tpu.memory_space<vmem>>[vector<16xi32>], vector<16xi32>, vector<16xi1>
      %get3A_138 = arith.constant 64 : index
      %get3A_139 = tpu.vector_load %arg7[%get3A_138] {strides = array<i32>} : memref<80xi32, #tpu.memory_space<vmem>>, vector<16xi32>,
      %broadcast_in_dim3A_140 = arith.constant true
      %broadcast_in_dim3A_141 = vector.broadcast %broadcast_in_dim3A_140 : i1 to vector<16xi1>
      %unique3A_142, %unique3A_143 = tpu.scan_count mask(%broadcast_in_dim3A_141 : vector<16xi1>) value(%get3A_139 : vector<16xi32>) : vector<16xi1>, vector<16xi32>
      %gather3A_144 = tpu.vector_load_idx %arg10[%get3A_139] : memref<10240xi32, #tpu.memory_space<vmem>>[vector<16xi32>], vector<16xi32>,
      %add3A_145 = arith.addi %gather3A_144, %unique3A_143 : vector<16xi32>
      tpu.vector_store_idx %arg10[%get3A_139], %add3A_145 masked %unique3A_142 : memref<10240xi32, #tpu.memory_space<vmem>>[vector<16xi32>], vector<16xi32>, vector<16xi1>
      %dma_wait3A_146 = arith.constant 0 : i32
      %dma_wait3A_147 = tpu.memref_slice %arg2[%add3A_105, %dma_wait3A_146] : memref<320000x128xf32, #tpu.memory_space<hbm>> -> memref<80x128xf32, #tpu.memory_space<hbm>>
      %dma_wait3A_148 = arith.constant 0 : i32
      %dma_wait3A_149 = tpu.memref_slice %arg2[%add3A_105, %dma_wait3A_148] : memref<320000x128xf32, #tpu.memory_space<hbm>> -> memref<80x128xf32, #tpu.memory_space<hbm>>
      tpu.wait_dma2 semaphore(%arg12 : memref<!tpu.dma_semaphore, #tpu.memory_space<semaphore_mem>>) src(%dma_wait3A_149 : memref<80x128xf32, #tpu.memory_space<hbm>>) dst(%arg6 : memref<80x128xf32, #tpu.memory_space<vmem>>)
      "tpu.region"() ({
        %run_scoped3A = tpu.sem_alloc : memref<!tpu.dma_semaphore, #tpu.memory_space<semaphore_mem>>
        %dma_start3A_213 = arith.constant 0 : i32
        %dma_start3A_214 = arith.constant 0 : i32
        %dma_start3A_215 = tpu.memref_slice %arg11[%dma_start3A_213, %dma_start3A_214] : memref<10240x128xf32, #tpu.memory_space<vmem_shared>> -> memref<10240x128xf32, #tpu.memory_space<vmem_shared>>
        tpu.enqueue_indirect_dma source(%arg6 : memref<80x128xf32, #tpu.memory_space<vmem>>) target(%dma_start3A_215 : memref<10240x128xf32, #tpu.memory_space<vmem_shared>>) offsets(%arg7 : memref<80xi32, #tpu.memory_space<vmem>>) semaphore(%run_scoped3A : memref<!tpu.dma_semaphore, #tpu.memory_space<semaphore_mem>>) {add = true}
        %dma_wait3A_216 = arith.constant 0 : i32
        %dma_wait3A_217 = arith.constant 0 : i32
        %dma_wait3A_218 = tpu.memref_slice %arg11[%dma_wait3A_216, %dma_wait3A_217] : memref<10240x128xf32, #tpu.memory_space<vmem_shared>> -> memref<10240x128xf32, #tpu.memory_space<vmem_shared>>
        tpu.wait_indirect_dma semaphore(%run_scoped3A : memref<!tpu.dma_semaphore, #tpu.memory_space<semaphore_mem>>) src(%arg6 : memref<80x128xf32, #tpu.memory_space<vmem>>) dst(%dma_wait3A_218 : memref<10240x128xf32, #tpu.memory_space<vmem_shared>>)
        tpu.yield
      }) : () -> ()
      %add3A_150 = arith.constant 2 : i32
      %add3A_151 = arith.addi %mul3A_89, %add3A_150 : i32
      %mul3A_152 = arith.constant 10000 : i32
      %mul3A_153 = arith.muli %add3A, %mul3A_152 : i32
      %mul3A_154 = arith.constant 80 : i32
      %mul3A_155 = arith.muli %add3A_151, %mul3A_154 : i32
      %add3A_156 = arith.addi %mul3A_153, %mul3A_155 : i32
      "tpu.region"() ({
        %run_scoped3A = tpu.sem_alloc : memref<!tpu.dma_semaphore, #tpu.memory_space<semaphore_mem>>
        %dma_start3A_213 = tpu.memref_slice %arg3[%add3A_156] : memref<320000xi32, #tpu.memory_space<hbm>> -> memref<80xi32, #tpu.memory_space<hbm>>
        %dma_start3A_214 = tpu.memref_slice %arg3[%add3A_156] : memref<320000xi32, #tpu.memory_space<hbm>> -> memref<80xi32, #tpu.memory_space<hbm>>
        tpu.enqueue_dma source(%dma_start3A_214 : memref<80xi32, #tpu.memory_space<hbm>>) target(%arg7 : memref<80xi32, #tpu.memory_space<vmem>>) target_semaphore(%run_scoped3A : memref<!tpu.dma_semaphore, #tpu.memory_space<semaphore_mem>>)
        %dma_wait3A_215 = tpu.memref_slice %arg3[%add3A_156] : memref<320000xi32, #tpu.memory_space<hbm>> -> memref<80xi32, #tpu.memory_space<hbm>>
        %dma_wait3A_216 = tpu.memref_slice %arg3[%add3A_156] : memref<320000xi32, #tpu.memory_space<hbm>> -> memref<80xi32, #tpu.memory_space<hbm>>
        tpu.wait_dma2 semaphore(%run_scoped3A : memref<!tpu.dma_semaphore, #tpu.memory_space<semaphore_mem>>) src(%dma_wait3A_216 : memref<80xi32, #tpu.memory_space<hbm>>) dst(%arg7 : memref<80xi32, #tpu.memory_space<vmem>>)
        tpu.yield
      }) : () -> ()
      %dma_start3A_157 = arith.constant 0 : i32
      %dma_start3A_158 = tpu.memref_slice %arg2[%add3A_156, %dma_start3A_157] : memref<320000x128xf32, #tpu.memory_space<hbm>> -> memref<80x128xf32, #tpu.memory_space<hbm>>
      %dma_start3A_159 = arith.constant 0 : i32
      %dma_start3A_160 = tpu.memref_slice %arg2[%add3A_156, %dma_start3A_159] : memref<320000x128xf32, #tpu.memory_space<hbm>> -> memref<80x128xf32, #tpu.memory_space<hbm>>
      tpu.enqueue_dma source(%dma_start3A_160 : memref<80x128xf32, #tpu.memory_space<hbm>>) target(%arg6 : memref<80x128xf32, #tpu.memory_space<vmem>>) target_semaphore(%arg12 : memref<!tpu.dma_semaphore, #tpu.memory_space<semaphore_mem>>)
      %add3A_161 = arith.constant 1 : i32
      %add3A_162 = arith.addi %mul3A_89, %add3A_161 : i32
      %mul3A_163 = arith.constant 10000 : i32
      %mul3A_164 = arith.muli %add3A, %mul3A_163 : i32
      %mul3A_165 = arith.constant 80 : i32
      %mul3A_166 = arith.muli %add3A_162, %mul3A_165 : i32
      %add3A_167 = arith.addi %mul3A_164, %mul3A_166 : i32
      %get3A_168 = arith.constant 0 : index
      %get3A_169 = tpu.vector_load %arg9[%get3A_168] {strides = array<i32>} : memref<80xi32, #tpu.memory_space<vmem>>, vector<16xi32>,
      %broadcast_in_dim3A_170 = arith.constant true
      %broadcast_in_dim3A_171 = vector.broadcast %broadcast_in_dim3A_170 : i1 to vector<16xi1>
      %unique3A_172, %unique3A_173 = tpu.scan_count mask(%broadcast_in_dim3A_171 : vector<16xi1>) value(%get3A_169 : vector<16xi32>) : vector<16xi1>, vector<16xi32>
      %gather3A_174 = tpu.vector_load_idx %arg10[%get3A_169] : memref<10240xi32, #tpu.memory_space<vmem>>[vector<16xi32>], vector<16xi32>,
      %add3A_175 = arith.addi %gather3A_174, %unique3A_173 : vector<16xi32>
      tpu.vector_store_idx %arg10[%get3A_169], %add3A_175 masked %unique3A_172 : memref<10240xi32, #tpu.memory_space<vmem>>[vector<16xi32>], vector<16xi32>, vector<16xi1>
      %get3A_176 = arith.constant 16 : index
      %get3A_177 = tpu.vector_load %arg9[%get3A_176] {strides = array<i32>} : memref<80xi32, #tpu.memory_space<vmem>>, vector<16xi32>,
      %broadcast_in_dim3A_178 = arith.constant true
      %broadcast_in_dim3A_179 = vector.broadcast %broadcast_in_dim3A_178 : i1 to vector<16xi1>
      %unique3A_180, %unique3A_181 = tpu.scan_count mask(%broadcast_in_dim3A_179 : vector<16xi1>) value(%get3A_177 : vector<16xi32>) : vector<16xi1>, vector<16xi32>
      %gather3A_182 = tpu.vector_load_idx %arg10[%get3A_177] : memref<10240xi32, #tpu.memory_space<vmem>>[vector<16xi32>], vector<16xi32>,
      %add3A_183 = arith.addi %gather3A_182, %unique3A_181 : vector<16xi32>
      tpu.vector_store_idx %arg10[%get3A_177], %add3A_183 masked %unique3A_180 : memref<10240xi32, #tpu.memory_space<vmem>>[vector<16xi32>], vector<16xi32>, vector<16xi1>
      %get3A_184 = arith.constant 32 : index
      %get3A_185 = tpu.vector_load %arg9[%get3A_184] {strides = array<i32>} : memref<80xi32, #tpu.memory_space<vmem>>, vector<16xi32>,
      %broadcast_in_dim3A_186 = arith.constant true
      %broadcast_in_dim3A_187 = vector.broadcast %broadcast_in_dim3A_186 : i1 to vector<16xi1>
      %unique3A_188, %unique3A_189 = tpu.scan_count mask(%broadcast_in_dim3A_187 : vector<16xi1>) value(%get3A_185 : vector<16xi32>) : vector<16xi1>, vector<16xi32>
      %gather3A_190 = tpu.vector_load_idx %arg10[%get3A_185] : memref<10240xi32, #tpu.memory_space<vmem>>[vector<16xi32>], vector<16xi32>,
      %add3A_191 = arith.addi %gather3A_190, %unique3A_189 : vector<16xi32>
      tpu.vector_store_idx %arg10[%get3A_185], %add3A_191 masked %unique3A_188 : memref<10240xi32, #tpu.memory_space<vmem>>[vector<16xi32>], vector<16xi32>, vector<16xi1>
      %get3A_192 = arith.constant 48 : index
      %get3A_193 = tpu.vector_load %arg9[%get3A_192] {strides = array<i32>} : memref<80xi32, #tpu.memory_space<vmem>>, vector<16xi32>,
      %broadcast_in_dim3A_194 = arith.constant true
      %broadcast_in_dim3A_195 = vector.broadcast %broadcast_in_dim3A_194 : i1 to vector<16xi1>
      %unique3A_196, %unique3A_197 = tpu.scan_count mask(%broadcast_in_dim3A_195 : vector<16xi1>) value(%get3A_193 : vector<16xi32>) : vector<16xi1>, vector<16xi32>
      %gather3A_198 = tpu.vector_load_idx %arg10[%get3A_193] : memref<10240xi32, #tpu.memory_space<vmem>>[vector<16xi32>], vector<16xi32>,
      %add3A_199 = arith.addi %gather3A_198, %unique3A_197 : vector<16xi32>
      tpu.vector_store_idx %arg10[%get3A_193], %add3A_199 masked %unique3A_196 : memref<10240xi32, #tpu.memory_space<vmem>>[vector<16xi32>], vector<16xi32>, vector<16xi1>
      %get3A_200 = arith.constant 64 : index
      %get3A_201 = tpu.vector_load %arg9[%get3A_200] {strides = array<i32>} : memref<80xi32, #tpu.memory_space<vmem>>, vector<16xi32>,
      %broadcast_in_dim3A_202 = arith.constant true
      %broadcast_in_dim3A_203 = vector.broadcast %broadcast_in_dim3A_202 : i1 to vector<16xi1>
      %unique3A_204, %unique3A_205 = tpu.scan_count mask(%broadcast_in_dim3A_203 : vector<16xi1>) value(%get3A_201 : vector<16xi32>) : vector<16xi1>, vector<16xi32>
      %gather3A_206 = tpu.vector_load_idx %arg10[%get3A_201] : memref<10240xi32, #tpu.memory_space<vmem>>[vector<16xi32>], vector<16xi32>,
      %add3A_207 = arith.addi %gather3A_206, %unique3A_205 : vector<16xi32>
      tpu.vector_store_idx %arg10[%get3A_201], %add3A_207 masked %unique3A_204 : memref<10240xi32, #tpu.memory_space<vmem>>[vector<16xi32>], vector<16xi32>, vector<16xi1>
      %dma_wait3A_208 = arith.constant 0 : i32
      %dma_wait3A_209 = tpu.memref_slice %arg2[%add3A_167, %dma_wait3A_208] : memref<320000x128xf32, #tpu.memory_space<hbm>> -> memref<80x128xf32, #tpu.memory_space<hbm>>
      %dma_wait3A_210 = arith.constant 0 : i32
      %dma_wait3A_211 = tpu.memref_slice %arg2[%add3A_167, %dma_wait3A_210] : memref<320000x128xf32, #tpu.memory_space<hbm>> -> memref<80x128xf32, #tpu.memory_space<hbm>>
      tpu.wait_dma2 semaphore(%arg13 : memref<!tpu.dma_semaphore, #tpu.memory_space<semaphore_mem>>) src(%dma_wait3A_211 : memref<80x128xf32, #tpu.memory_space<hbm>>) dst(%arg8 : memref<80x128xf32, #tpu.memory_space<vmem>>)
      "tpu.region"() ({
        %run_scoped3A = tpu.sem_alloc : memref<!tpu.dma_semaphore, #tpu.memory_space<semaphore_mem>>
        %dma_start3A_213 = arith.constant 0 : i32
        %dma_start3A_214 = arith.constant 0 : i32
        %dma_start3A_215 = tpu.memref_slice %arg11[%dma_start3A_213, %dma_start3A_214] : memref<10240x128xf32, #tpu.memory_space<vmem_shared>> -> memref<10240x128xf32, #tpu.memory_space<vmem_shared>>
        tpu.enqueue_indirect_dma source(%arg8 : memref<80x128xf32, #tpu.memory_space<vmem>>) target(%dma_start3A_215 : memref<10240x128xf32, #tpu.memory_space<vmem_shared>>) offsets(%arg9 : memref<80xi32, #tpu.memory_space<vmem>>) semaphore(%run_scoped3A : memref<!tpu.dma_semaphore, #tpu.memory_space<semaphore_mem>>) {add = true}
        %dma_wait3A_216 = arith.constant 0 : i32
        %dma_wait3A_217 = arith.constant 0 : i32
        %dma_wait3A_218 = tpu.memref_slice %arg11[%dma_wait3A_216, %dma_wait3A_217] : memref<10240x128xf32, #tpu.memory_space<vmem_shared>> -> memref<10240x128xf32, #tpu.memory_space<vmem_shared>>
        tpu.wait_indirect_dma semaphore(%run_scoped3A : memref<!tpu.dma_semaphore, #tpu.memory_space<semaphore_mem>>) src(%arg8 : memref<80x128xf32, #tpu.memory_space<vmem>>) dst(%dma_wait3A_218 : memref<10240x128xf32, #tpu.memory_space<vmem_shared>>)
        tpu.yield
      }) : () -> ()
      %scan3A_212 = arith.constant 0 : i32
      scf.yield %scan3A_212 : i32
    }
    %scan3A_34 = arith.constant 62 : i32
    %mul3A_35 = arith.constant 10000 : i32
    %mul3A_36 = arith.muli %add3A, %mul3A_35 : i32
    %add3A_37 = arith.constant 9920 : i32
    %add3A_38 = arith.addi %mul3A_36, %add3A_37 : i32
    %get3A = arith.constant 0 : index
    %get3A_39 = tpu.vector_load %arg7[%get3A] {strides = array<i32>} : memref<80xi32, #tpu.memory_space<vmem>>, vector<16xi32>,
    %broadcast_in_dim3A = arith.constant true
    %broadcast_in_dim3A_40 = vector.broadcast %broadcast_in_dim3A : i1 to vector<16xi1>
    %unique3A, %unique3A_41 = tpu.scan_count mask(%broadcast_in_dim3A_40 : vector<16xi1>) value(%get3A_39 : vector<16xi32>) : vector<16xi1>, vector<16xi32>
    %gather3A = tpu.vector_load_idx %arg10[%get3A_39] : memref<10240xi32, #tpu.memory_space<vmem>>[vector<16xi32>], vector<16xi32>,
    %add3A_42 = arith.addi %gather3A, %unique3A_41 : vector<16xi32>
    tpu.vector_store_idx %arg10[%get3A_39], %add3A_42 masked %unique3A : memref<10240xi32, #tpu.memory_space<vmem>>[vector<16xi32>], vector<16xi32>, vector<16xi1>
    %get3A_43 = arith.constant 16 : index
    %get3A_44 = tpu.vector_load %arg7[%get3A_43] {strides = array<i32>} : memref<80xi32, #tpu.memory_space<vmem>>, vector<16xi32>,
    %broadcast_in_dim3A_45 = arith.constant true
    %broadcast_in_dim3A_46 = vector.broadcast %broadcast_in_dim3A_45 : i1 to vector<16xi1>
    %unique3A_47, %unique3A_48 = tpu.scan_count mask(%broadcast_in_dim3A_46 : vector<16xi1>) value(%get3A_44 : vector<16xi32>) : vector<16xi1>, vector<16xi32>
    %gather3A_49 = tpu.vector_load_idx %arg10[%get3A_44] : memref<10240xi32, #tpu.memory_space<vmem>>[vector<16xi32>], vector<16xi32>,
    %add3A_50 = arith.addi %gather3A_49, %unique3A_48 : vector<16xi32>
    tpu.vector_store_idx %arg10[%get3A_44], %add3A_50 masked %unique3A_47 : memref<10240xi32, #tpu.memory_space<vmem>>[vector<16xi32>], vector<16xi32>, vector<16xi1>
    %get3A_51 = arith.constant 32 : index
    %get3A_52 = tpu.vector_load %arg7[%get3A_51] {strides = array<i32>} : memref<80xi32, #tpu.memory_space<vmem>>, vector<16xi32>,
    %broadcast_in_dim3A_53 = arith.constant true
    %broadcast_in_dim3A_54 = vector.broadcast %broadcast_in_dim3A_53 : i1 to vector<16xi1>
    %unique3A_55, %unique3A_56 = tpu.scan_count mask(%broadcast_in_dim3A_54 : vector<16xi1>) value(%get3A_52 : vector<16xi32>) : vector<16xi1>, vector<16xi32>
    %gather3A_57 = tpu.vector_load_idx %arg10[%get3A_52] : memref<10240xi32, #tpu.memory_space<vmem>>[vector<16xi32>], vector<16xi32>,
    %add3A_58 = arith.addi %gather3A_57, %unique3A_56 : vector<16xi32>
    tpu.vector_store_idx %arg10[%get3A_52], %add3A_58 masked %unique3A_55 : memref<10240xi32, #tpu.memory_space<vmem>>[vector<16xi32>], vector<16xi32>, vector<16xi1>
    %get3A_59 = arith.constant 48 : index
    %get3A_60 = tpu.vector_load %arg7[%get3A_59] {strides = array<i32>} : memref<80xi32, #tpu.memory_space<vmem>>, vector<16xi32>,
    %broadcast_in_dim3A_61 = arith.constant true
    %broadcast_in_dim3A_62 = vector.broadcast %broadcast_in_dim3A_61 : i1 to vector<16xi1>
    %unique3A_63, %unique3A_64 = tpu.scan_count mask(%broadcast_in_dim3A_62 : vector<16xi1>) value(%get3A_60 : vector<16xi32>) : vector<16xi1>, vector<16xi32>
    %gather3A_65 = tpu.vector_load_idx %arg10[%get3A_60] : memref<10240xi32, #tpu.memory_space<vmem>>[vector<16xi32>], vector<16xi32>,
    %add3A_66 = arith.addi %gather3A_65, %unique3A_64 : vector<16xi32>
    tpu.vector_store_idx %arg10[%get3A_60], %add3A_66 masked %unique3A_63 : memref<10240xi32, #tpu.memory_space<vmem>>[vector<16xi32>], vector<16xi32>, vector<16xi1>
    %get3A_67 = arith.constant 64 : index
    %get3A_68 = tpu.vector_load %arg7[%get3A_67] {strides = array<i32>} : memref<80xi32, #tpu.memory_space<vmem>>, vector<16xi32>,
    %broadcast_in_dim3A_69 = arith.constant true
    %broadcast_in_dim3A_70 = vector.broadcast %broadcast_in_dim3A_69 : i1 to vector<16xi1>
    %unique3A_71, %unique3A_72 = tpu.scan_count mask(%broadcast_in_dim3A_70 : vector<16xi1>) value(%get3A_68 : vector<16xi32>) : vector<16xi1>, vector<16xi32>
    %gather3A_73 = tpu.vector_load_idx %arg10[%get3A_68] : memref<10240xi32, #tpu.memory_space<vmem>>[vector<16xi32>], vector<16xi32>,
    %add3A_74 = arith.addi %gather3A_73, %unique3A_72 : vector<16xi32>
    tpu.vector_store_idx %arg10[%get3A_68], %add3A_74 masked %unique3A_71 : memref<10240xi32, #tpu.memory_space<vmem>>[vector<16xi32>], vector<16xi32>, vector<16xi1>
    %dma_wait3A = arith.constant 0 : i32
    %dma_wait3A_75 = tpu.memref_slice %arg2[%add3A_38, %dma_wait3A] : memref<320000x128xf32, #tpu.memory_space<hbm>> -> memref<80x128xf32, #tpu.memory_space<hbm>>
    %dma_wait3A_76 = arith.constant 0 : i32
    %dma_wait3A_77 = tpu.memref_slice %arg2[%add3A_38, %dma_wait3A_76] : memref<320000x128xf32, #tpu.memory_space<hbm>> -> memref<80x128xf32, #tpu.memory_space<hbm>>
    tpu.wait_dma2 semaphore(%arg12 : memref<!tpu.dma_semaphore, #tpu.memory_space<semaphore_mem>>) src(%dma_wait3A_77 : memref<80x128xf32, #tpu.memory_space<hbm>>) dst(%arg6 : memref<80x128xf32, #tpu.memory_space<vmem>>)
    "tpu.region"() ({
      %run_scoped3A = tpu.sem_alloc : memref<!tpu.dma_semaphore, #tpu.memory_space<semaphore_mem>>
      %dma_start3A_86 = arith.constant 0 : i32
      %dma_start3A_87 = arith.constant 0 : i32
      %dma_start3A_88 = tpu.memref_slice %arg11[%dma_start3A_86, %dma_start3A_87] : memref<10240x128xf32, #tpu.memory_space<vmem_shared>> -> memref<10240x128xf32, #tpu.memory_space<vmem_shared>>
      tpu.enqueue_indirect_dma source(%arg6 : memref<80x128xf32, #tpu.memory_space<vmem>>) target(%dma_start3A_88 : memref<10240x128xf32, #tpu.memory_space<vmem_shared>>) offsets(%arg7 : memref<80xi32, #tpu.memory_space<vmem>>) semaphore(%run_scoped3A : memref<!tpu.dma_semaphore, #tpu.memory_space<semaphore_mem>>) {add = true}
      %dma_wait3A_89 = arith.constant 0 : i32
      %dma_wait3A_90 = arith.constant 0 : i32
      %dma_wait3A_91 = tpu.memref_slice %arg11[%dma_wait3A_89, %dma_wait3A_90] : memref<10240x128xf32, #tpu.memory_space<vmem_shared>> -> memref<10240x128xf32, #tpu.memory_space<vmem_shared>>
      tpu.wait_indirect_dma semaphore(%run_scoped3A : memref<!tpu.dma_semaphore, #tpu.memory_space<semaphore_mem>>) src(%arg6 : memref<80x128xf32, #tpu.memory_space<vmem>>) dst(%dma_wait3A_91 : memref<10240x128xf32, #tpu.memory_space<vmem_shared>>)
      tpu.yield
    }) : () -> ()
    "tpu.region"() ({
      %run_scoped3A = tpu.sem_alloc : memref<!tpu.dma_semaphore, #tpu.memory_space<semaphore_mem>>
      %dma_start3A_86 = arith.constant 0 : i32
      %dma_start3A_87 = tpu.memref_slice %arg5[%add3A, %dma_start3A_86] : memref<32x10240xi32, #tpu.memory_space<hbm>> -> memref<1x10240xi32, #tpu.memory_space<hbm>>
      %dma_start3A_88 = tpu.memref_squeeze %dma_start3A_87 : memref<1x10240xi32, #tpu.memory_space<hbm>> -> memref<10240xi32, #tpu.memory_space<hbm>>
      %dma_start3A_89 = arith.constant 0 : i32
      %dma_start3A_90 = tpu.memref_slice %arg5[%add3A, %dma_start3A_89] : memref<32x10240xi32, #tpu.memory_space<hbm>> -> memref<1x10240xi32, #tpu.memory_space<hbm>>
      %dma_start3A_91 = tpu.memref_squeeze %dma_start3A_90 : memref<1x10240xi32, #tpu.memory_space<hbm>> -> memref<10240xi32, #tpu.memory_space<hbm>>
      tpu.enqueue_dma source(%arg10 : memref<10240xi32, #tpu.memory_space<vmem>>) target(%dma_start3A_91 : memref<10240xi32, #tpu.memory_space<hbm>>) target_semaphore(%run_scoped3A : memref<!tpu.dma_semaphore, #tpu.memory_space<semaphore_mem>>)
      %dma_wait3A_92 = arith.constant 0 : i32
      %dma_wait3A_93 = tpu.memref_slice %arg5[%add3A, %dma_wait3A_92] : memref<32x10240xi32, #tpu.memory_space<hbm>> -> memref<1x10240xi32, #tpu.memory_space<hbm>>
      %dma_wait3A_94 = tpu.memref_squeeze %dma_wait3A_93 : memref<1x10240xi32, #tpu.memory_space<hbm>> -> memref<10240xi32, #tpu.memory_space<hbm>>
      %dma_wait3A_95 = arith.constant 0 : i32
      %dma_wait3A_96 = tpu.memref_slice %arg5[%add3A, %dma_wait3A_95] : memref<32x10240xi32, #tpu.memory_space<hbm>> -> memref<1x10240xi32, #tpu.memory_space<hbm>>
      %dma_wait3A_97 = tpu.memref_squeeze %dma_wait3A_96 : memref<1x10240xi32, #tpu.memory_space<hbm>> -> memref<10240xi32, #tpu.memory_space<hbm>>
      tpu.wait_dma2 semaphore(%run_scoped3A : memref<!tpu.dma_semaphore, #tpu.memory_space<semaphore_mem>>) src(%arg10 : memref<10240xi32, #tpu.memory_space<vmem>>) dst(%dma_wait3A_97 : memref<10240xi32, #tpu.memory_space<hbm>>)
      tpu.yield
    }) : () -> ()
    %barrier3A_78 = arith.constant 0 : index
    tpu.barrier barrier_id(%barrier3A_78)
    %scan3A_79 = arith.constant 0 : i32
    %scan3A_80 = arith.constant 0 : i32
    %scan3A_81 = arith.constant 8 : i32
    %scan3A_82 = arith.addi %scan3A_80, %scan3A_81 : i32
    %scan3A_83 = arith.constant 1 : i32
    %scan3A_84 = scf.for %scan3A_86 = %scan3A_80 to %scan3A_82 step %scan3A_83 iter_args(%scan3A_87 = %scan3A_79) -> (i32)  : i32 {
      %mul3A_88 = arith.constant 640 : i32
      %mul3A_89 = arith.muli %arg1, %mul3A_88 : i32
      %mul3A_90 = arith.constant 80 : i32
      %mul3A_91 = arith.muli %scan3A_86, %mul3A_90 : i32
      %add3A_92 = arith.addi %mul3A_89, %mul3A_91 : i32
      "tpu.region"() ({
        %run_scoped3A = tpu.sem_alloc : memref<!tpu.dma_semaphore, #tpu.memory_space<semaphore_mem>>
        %dma_start3A_94 = arith.constant 0 : i32
        %dma_start3A_95 = tpu.memref_slice %arg11[%add3A_92, %dma_start3A_94] : memref<10240x128xf32, #tpu.memory_space<vmem_shared>> -> memref<80x128xf32, #tpu.memory_space<vmem_shared>>
        %dma_start3A_96 = arith.constant 0 : i32
        %dma_start3A_97 = tpu.memref_slice %arg11[%add3A_92, %dma_start3A_96] : memref<10240x128xf32, #tpu.memory_space<vmem_shared>> -> memref<80x128xf32, #tpu.memory_space<vmem_shared>>
        tpu.enqueue_dma source(%dma_start3A_97 : memref<80x128xf32, #tpu.memory_space<vmem_shared>>) target(%arg6 : memref<80x128xf32, #tpu.memory_space<vmem>>) target_semaphore(%run_scoped3A : memref<!tpu.dma_semaphore, #tpu.memory_space<semaphore_mem>>)
        %dma_wait3A_98 = arith.constant 0 : i32
        %dma_wait3A_99 = tpu.memref_slice %arg11[%add3A_92, %dma_wait3A_98] : memref<10240x128xf32, #tpu.memory_space<vmem_shared>> -> memref<80x128xf32, #tpu.memory_space<vmem_shared>>
        %dma_wait3A_100 = arith.constant 0 : i32
        %dma_wait3A_101 = tpu.memref_slice %arg11[%add3A_92, %dma_wait3A_100] : memref<10240x128xf32, #tpu.memory_space<vmem_shared>> -> memref<80x128xf32, #tpu.memory_space<vmem_shared>>
        tpu.wait_dma2 semaphore(%run_scoped3A : memref<!tpu.dma_semaphore, #tpu.memory_space<semaphore_mem>>) src(%dma_wait3A_101 : memref<80x128xf32, #tpu.memory_space<vmem_shared>>) dst(%arg6 : memref<80x128xf32, #tpu.memory_space<vmem>>)
        tpu.yield
      }) : () -> ()
      "tpu.region"() ({
        %run_scoped3A = tpu.sem_alloc : memref<!tpu.dma_semaphore, #tpu.memory_space<semaphore_mem>>
        %dma_start3A_94 = arith.constant 0 : i32
        %dma_start3A_95 = arith.constant 0 : i32
        %dma_start3A_96 = tpu.memref_slice %arg4[%arg0, %dma_start3A_94, %dma_start3A_95] : memref<2x10240x128xf32, #tpu.memory_space<hbm>> -> memref<1x10240x128xf32, #tpu.memory_space<hbm>>
        %dma_start3A_97 = tpu.memref_squeeze %dma_start3A_96 : memref<1x10240x128xf32, #tpu.memory_space<hbm>> -> memref<10240x128xf32, #tpu.memory_space<hbm>>
        %dma_start3A_98 = arith.constant 0 : i32
        %dma_start3A_99 = tpu.memref_slice %dma_start3A_97[%add3A_92, %dma_start3A_98] : memref<10240x128xf32, #tpu.memory_space<hbm>> -> memref<80x128xf32, #tpu.memory_space<hbm>>
        %dma_start3A_100 = arith.constant 0 : i32
        %dma_start3A_101 = arith.constant 0 : i32
        %dma_start3A_102 = tpu.memref_slice %arg4[%arg0, %dma_start3A_100, %dma_start3A_101] : memref<2x10240x128xf32, #tpu.memory_space<hbm>> -> memref<1x10240x128xf32, #tpu.memory_space<hbm>>
        %dma_start3A_103 = tpu.memref_squeeze %dma_start3A_102 : memref<1x10240x128xf32, #tpu.memory_space<hbm>> -> memref<10240x128xf32, #tpu.memory_space<hbm>>
        %dma_start3A_104 = arith.constant 0 : i32
        %dma_start3A_105 = tpu.memref_slice %dma_start3A_103[%add3A_92, %dma_start3A_104] : memref<10240x128xf32, #tpu.memory_space<hbm>> -> memref<80x128xf32, #tpu.memory_space<hbm>>
        tpu.enqueue_dma source(%arg6 : memref<80x128xf32, #tpu.memory_space<vmem>>) target(%dma_start3A_105 : memref<80x128xf32, #tpu.memory_space<hbm>>) target_semaphore(%run_scoped3A : memref<!tpu.dma_semaphore, #tpu.memory_space<semaphore_mem>>)
        %dma_wait3A_106 = arith.constant 0 : i32
        %dma_wait3A_107 = arith.constant 0 : i32
        %dma_wait3A_108 = tpu.memref_slice %arg4[%arg0, %dma_wait3A_106, %dma_wait3A_107] : memref<2x10240x128xf32, #tpu.memory_space<hbm>> -> memref<1x10240x128xf32, #tpu.memory_space<hbm>>
        %dma_wait3A_109 = tpu.memref_squeeze %dma_wait3A_108 : memref<1x10240x128xf32, #tpu.memory_space<hbm>> -> memref<10240x128xf32, #tpu.memory_space<hbm>>
        %dma_wait3A_110 = arith.constant 0 : i32
        %dma_wait3A_111 = tpu.memref_slice %dma_wait3A_109[%add3A_92, %dma_wait3A_110] : memref<10240x128xf32, #tpu.memory_space<hbm>> -> memref<80x128xf32, #tpu.memory_space<hbm>>
        %dma_wait3A_112 = arith.constant 0 : i32
        %dma_wait3A_113 = arith.constant 0 : i32
        %dma_wait3A_114 = tpu.memref_slice %arg4[%arg0, %dma_wait3A_112, %dma_wait3A_113] : memref<2x10240x128xf32, #tpu.memory_space<hbm>> -> memref<1x10240x128xf32, #tpu.memory_space<hbm>>
        %dma_wait3A_115 = tpu.memref_squeeze %dma_wait3A_114 : memref<1x10240x128xf32, #tpu.memory_space<hbm>> -> memref<10240x128xf32, #tpu.memory_space<hbm>>
        %dma_wait3A_116 = arith.constant 0 : i32
        %dma_wait3A_117 = tpu.memref_slice %dma_wait3A_115[%add3A_92, %dma_wait3A_116] : memref<10240x128xf32, #tpu.memory_space<hbm>> -> memref<80x128xf32, #tpu.memory_space<hbm>>
        tpu.wait_dma2 semaphore(%run_scoped3A : memref<!tpu.dma_semaphore, #tpu.memory_space<semaphore_mem>>) src(%arg6 : memref<80x128xf32, #tpu.memory_space<vmem>>) dst(%dma_wait3A_117 : memref<80x128xf32, #tpu.memory_space<hbm>>)
        tpu.yield
      }) : () -> ()
      %scan3A_93 = arith.constant 0 : i32
      scf.yield %scan3A_93 : i32
    }
    %scan3A_85 = arith.constant 8 : i32
    return
  }
}

#map = affine_map<(d0, d1) -> (0, 0)>
#map1 = affine_map<(d0, d1) -> (0)>
module attributes {stable_mosaic.version = 14 : i64} {
  func.func @_sc_gather_body(%arg0: i32, %arg1: i32, %arg2: memref<10000x128xf32, #tpu.memory_space<hbm>>, %arg3: memref<10000x128xf32, #tpu.memory_space<hbm>>, %arg4: memref<10000xf32, #tpu.memory_space<hbm>>, %arg5: memref<10000xf32, #tpu.memory_space<hbm>>, %arg6: memref<10000xf32, #tpu.memory_space<hbm>>, %arg7: memref<320000xi32, #tpu.memory_space<hbm>>, %arg8: memref<320000xi32, #tpu.memory_space<hbm>>, %arg9: memref<320000x128xf32, #tpu.memory_space<hbm>>, %arg10: memref<320000xf32, #tpu.memory_space<hbm>>, %arg11: memref<10000xf32, #tpu.memory_space<vmem>>, %arg12: memref<10000xf32, #tpu.memory_space<vmem>>, %arg13: memref<10000xf32, #tpu.memory_space<vmem>>, %arg14: memref<80xi32, #tpu.memory_space<vmem>>, %arg15: memref<80xi32, #tpu.memory_space<vmem>>, %arg16: memref<80x128xf32, #tpu.memory_space<vmem>>, %arg17: memref<80x128xf32, #tpu.memory_space<vmem>>, %arg18: memref<80xf32, #tpu.memory_space<vmem>>, %arg19: memref<80xi32, #tpu.memory_space<vmem>>, %arg20: memref<80xi32, #tpu.memory_space<vmem>>, %arg21: memref<80x128xf32, #tpu.memory_space<vmem>>, %arg22: memref<80x128xf32, #tpu.memory_space<vmem>>, %arg23: memref<80xf32, #tpu.memory_space<vmem>>, %arg24: memref<!tpu.dma_semaphore, #tpu.memory_space<semaphore_mem>>, %arg25: memref<!tpu.dma_semaphore, #tpu.memory_space<semaphore_mem>>) attributes {dimension_semantics = [#tpu.dimension_semantics<core_parallel>, #tpu.dimension_semantics<subcore_parallel>], iteration_bounds = array<i64: 2, 16>, scalar_prefetch = 0 : i64, scratch_operands = 15 : i64, tpu.core_type = #tpu.core_type<sc_vector_subcore>, window_params = [{transform_indices = #map}, {transform_indices = #map}, {transform_indices = #map1}, {transform_indices = #map1}, {transform_indices = #map1}, {transform_indices = #map1}, {transform_indices = #map1}, {transform_indices = #map}, {transform_indices = #map1}]} {
    %mul3A = arith.constant 2 : i32
    %mul3A_0 = arith.muli %arg1, %mul3A : i32
    %add3A = arith.addi %mul3A_0, %arg0 : i32
    "tpu.region"() ({
      %run_scoped3A = tpu.sem_alloc : memref<!tpu.dma_semaphore, #tpu.memory_space<semaphore_mem>>
      tpu.enqueue_dma source(%arg4 : memref<10000xf32, #tpu.memory_space<hbm>>) target(%arg11 : memref<10000xf32, #tpu.memory_space<vmem>>) target_semaphore(%run_scoped3A : memref<!tpu.dma_semaphore, #tpu.memory_space<semaphore_mem>>)
      tpu.wait_dma2 semaphore(%run_scoped3A : memref<!tpu.dma_semaphore, #tpu.memory_space<semaphore_mem>>) src(%arg4 : memref<10000xf32, #tpu.memory_space<hbm>>) dst(%arg11 : memref<10000xf32, #tpu.memory_space<vmem>>)
      tpu.yield
    }) : () -> ()
    "tpu.region"() ({
      %run_scoped3A = tpu.sem_alloc : memref<!tpu.dma_semaphore, #tpu.memory_space<semaphore_mem>>
      tpu.enqueue_dma source(%arg5 : memref<10000xf32, #tpu.memory_space<hbm>>) target(%arg12 : memref<10000xf32, #tpu.memory_space<vmem>>) target_semaphore(%run_scoped3A : memref<!tpu.dma_semaphore, #tpu.memory_space<semaphore_mem>>)
      tpu.wait_dma2 semaphore(%run_scoped3A : memref<!tpu.dma_semaphore, #tpu.memory_space<semaphore_mem>>) src(%arg5 : memref<10000xf32, #tpu.memory_space<hbm>>) dst(%arg12 : memref<10000xf32, #tpu.memory_space<vmem>>)
      tpu.yield
    }) : () -> ()
    "tpu.region"() ({
      %run_scoped3A = tpu.sem_alloc : memref<!tpu.dma_semaphore, #tpu.memory_space<semaphore_mem>>
      tpu.enqueue_dma source(%arg6 : memref<10000xf32, #tpu.memory_space<hbm>>) target(%arg13 : memref<10000xf32, #tpu.memory_space<vmem>>) target_semaphore(%run_scoped3A : memref<!tpu.dma_semaphore, #tpu.memory_space<semaphore_mem>>)
      tpu.wait_dma2 semaphore(%run_scoped3A : memref<!tpu.dma_semaphore, #tpu.memory_space<semaphore_mem>>) src(%arg6 : memref<10000xf32, #tpu.memory_space<hbm>>) dst(%arg13 : memref<10000xf32, #tpu.memory_space<vmem>>)
      tpu.yield
    }) : () -> ()
    %mul3A_1 = arith.constant 10000 : i32
    %mul3A_2 = arith.muli %add3A, %mul3A_1 : i32
    %add3A_3 = arith.constant 0 : i32
    %add3A_4 = arith.addi %mul3A_2, %add3A_3 : i32
    "tpu.region"() ({
      %run_scoped3A = tpu.sem_alloc : memref<!tpu.dma_semaphore, #tpu.memory_space<semaphore_mem>>
      %dma_start3A_142 = tpu.memref_slice %arg7[%add3A_4] : memref<320000xi32, #tpu.memory_space<hbm>> -> memref<80xi32, #tpu.memory_space<hbm>>
      %dma_start3A_143 = tpu.memref_slice %arg7[%add3A_4] : memref<320000xi32, #tpu.memory_space<hbm>> -> memref<80xi32, #tpu.memory_space<hbm>>
      tpu.enqueue_dma source(%dma_start3A_143 : memref<80xi32, #tpu.memory_space<hbm>>) target(%arg14 : memref<80xi32, #tpu.memory_space<vmem>>) target_semaphore(%run_scoped3A : memref<!tpu.dma_semaphore, #tpu.memory_space<semaphore_mem>>)
      %dma_wait3A_144 = tpu.memref_slice %arg7[%add3A_4] : memref<320000xi32, #tpu.memory_space<hbm>> -> memref<80xi32, #tpu.memory_space<hbm>>
      %dma_wait3A_145 = tpu.memref_slice %arg7[%add3A_4] : memref<320000xi32, #tpu.memory_space<hbm>> -> memref<80xi32, #tpu.memory_space<hbm>>
      tpu.wait_dma2 semaphore(%run_scoped3A : memref<!tpu.dma_semaphore, #tpu.memory_space<semaphore_mem>>) src(%dma_wait3A_145 : memref<80xi32, #tpu.memory_space<hbm>>) dst(%arg14 : memref<80xi32, #tpu.memory_space<vmem>>)
      tpu.yield
    }) : () -> ()
    "tpu.region"() ({
      %run_scoped3A = tpu.sem_alloc : memref<!tpu.dma_semaphore, #tpu.memory_space<semaphore_mem>>
      %dma_start3A_142 = tpu.memref_slice %arg8[%add3A_4] : memref<320000xi32, #tpu.memory_space<hbm>> -> memref<80xi32, #tpu.memory_space<hbm>>
      %dma_start3A_143 = tpu.memref_slice %arg8[%add3A_4] : memref<320000xi32, #tpu.memory_space<hbm>> -> memref<80xi32, #tpu.memory_space<hbm>>
      tpu.enqueue_dma source(%dma_start3A_143 : memref<80xi32, #tpu.memory_space<hbm>>) target(%arg15 : memref<80xi32, #tpu.memory_space<vmem>>) target_semaphore(%run_scoped3A : memref<!tpu.dma_semaphore, #tpu.memory_space<semaphore_mem>>)
      %dma_wait3A_144 = tpu.memref_slice %arg8[%add3A_4] : memref<320000xi32, #tpu.memory_space<hbm>> -> memref<80xi32, #tpu.memory_space<hbm>>
      %dma_wait3A_145 = tpu.memref_slice %arg8[%add3A_4] : memref<320000xi32, #tpu.memory_space<hbm>> -> memref<80xi32, #tpu.memory_space<hbm>>
      tpu.wait_dma2 semaphore(%run_scoped3A : memref<!tpu.dma_semaphore, #tpu.memory_space<semaphore_mem>>) src(%dma_wait3A_145 : memref<80xi32, #tpu.memory_space<hbm>>) dst(%arg15 : memref<80xi32, #tpu.memory_space<vmem>>)
      tpu.yield
    }) : () -> ()
    %dma_start3A = arith.constant 0 : i32
    %dma_start3A_5 = arith.constant 0 : i32
    %dma_start3A_6 = tpu.memref_slice %arg2[%dma_start3A, %dma_start3A_5] : memref<10000x128xf32, #tpu.memory_space<hbm>> -> memref<10000x128xf32, #tpu.memory_space<hbm>>
    tpu.enqueue_indirect_dma source(%dma_start3A_6 : memref<10000x128xf32, #tpu.memory_space<hbm>>) target(%arg16 : memref<80x128xf32, #tpu.memory_space<vmem>>) offsets(%arg14 : memref<80xi32, #tpu.memory_space<vmem>>) semaphore(%arg24 : memref<!tpu.dma_semaphore, #tpu.memory_space<semaphore_mem>>)
    %dma_start3A_7 = arith.constant 0 : i32
    %dma_start3A_8 = arith.constant 0 : i32
    %dma_start3A_9 = tpu.memref_slice %arg3[%dma_start3A_7, %dma_start3A_8] : memref<10000x128xf32, #tpu.memory_space<hbm>> -> memref<10000x128xf32, #tpu.memory_space<hbm>>
    tpu.enqueue_indirect_dma source(%dma_start3A_9 : memref<10000x128xf32, #tpu.memory_space<hbm>>) target(%arg17 : memref<80x128xf32, #tpu.memory_space<vmem>>) offsets(%arg15 : memref<80xi32, #tpu.memory_space<vmem>>) semaphore(%arg24 : memref<!tpu.dma_semaphore, #tpu.memory_space<semaphore_mem>>)
    %scan3A = arith.constant 0 : i32
    %scan3A_10 = arith.constant 0 : i32
    %scan3A_11 = arith.constant 62 : i32
    %scan3A_12 = arith.addi %scan3A_10, %scan3A_11 : i32
    %scan3A_13 = arith.constant 1 : i32
    %scan3A_14 = scf.for %scan3A_142 = %scan3A_10 to %scan3A_12 step %scan3A_13 iter_args(%scan3A_143 = %scan3A) -> (i32)  : i32 {
      %mul3A_144 = arith.constant 2 : i32
      %mul3A_145 = arith.muli %mul3A_144, %scan3A_142 : i32
      %add3A_146 = arith.constant 1 : i32
      %add3A_147 = arith.addi %mul3A_145, %add3A_146 : i32
      %mul3A_148 = arith.constant 10000 : i32
      %mul3A_149 = arith.muli %add3A, %mul3A_148 : i32
      %mul3A_150 = arith.constant 80 : i32
      %mul3A_151 = arith.muli %add3A_147, %mul3A_150 : i32
      %add3A_152 = arith.addi %mul3A_149, %mul3A_151 : i32
      "tpu.region"() ({
        %run_scoped3A = tpu.sem_alloc : memref<!tpu.dma_semaphore, #tpu.memory_space<semaphore_mem>>
        %dma_start3A_441 = tpu.memref_slice %arg7[%add3A_152] : memref<320000xi32, #tpu.memory_space<hbm>> -> memref<80xi32, #tpu.memory_space<hbm>>
        %dma_start3A_442 = tpu.memref_slice %arg7[%add3A_152] : memref<320000xi32, #tpu.memory_space<hbm>> -> memref<80xi32, #tpu.memory_space<hbm>>
        tpu.enqueue_dma source(%dma_start3A_442 : memref<80xi32, #tpu.memory_space<hbm>>) target(%arg19 : memref<80xi32, #tpu.memory_space<vmem>>) target_semaphore(%run_scoped3A : memref<!tpu.dma_semaphore, #tpu.memory_space<semaphore_mem>>)
        %dma_wait3A_443 = tpu.memref_slice %arg7[%add3A_152] : memref<320000xi32, #tpu.memory_space<hbm>> -> memref<80xi32, #tpu.memory_space<hbm>>
        %dma_wait3A_444 = tpu.memref_slice %arg7[%add3A_152] : memref<320000xi32, #tpu.memory_space<hbm>> -> memref<80xi32, #tpu.memory_space<hbm>>
        tpu.wait_dma2 semaphore(%run_scoped3A : memref<!tpu.dma_semaphore, #tpu.memory_space<semaphore_mem>>) src(%dma_wait3A_444 : memref<80xi32, #tpu.memory_space<hbm>>) dst(%arg19 : memref<80xi32, #tpu.memory_space<vmem>>)
        tpu.yield
      }) : () -> ()
      "tpu.region"() ({
        %run_scoped3A = tpu.sem_alloc : memref<!tpu.dma_semaphore, #tpu.memory_space<semaphore_mem>>
        %dma_start3A_441 = tpu.memref_slice %arg8[%add3A_152] : memref<320000xi32, #tpu.memory_space<hbm>> -> memref<80xi32, #tpu.memory_space<hbm>>
        %dma_start3A_442 = tpu.memref_slice %arg8[%add3A_152] : memref<320000xi32, #tpu.memory_space<hbm>> -> memref<80xi32, #tpu.memory_space<hbm>>
        tpu.enqueue_dma source(%dma_start3A_442 : memref<80xi32, #tpu.memory_space<hbm>>) target(%arg20 : memref<80xi32, #tpu.memory_space<vmem>>) target_semaphore(%run_scoped3A : memref<!tpu.dma_semaphore, #tpu.memory_space<semaphore_mem>>)
        %dma_wait3A_443 = tpu.memref_slice %arg8[%add3A_152] : memref<320000xi32, #tpu.memory_space<hbm>> -> memref<80xi32, #tpu.memory_space<hbm>>
        %dma_wait3A_444 = tpu.memref_slice %arg8[%add3A_152] : memref<320000xi32, #tpu.memory_space<hbm>> -> memref<80xi32, #tpu.memory_space<hbm>>
        tpu.wait_dma2 semaphore(%run_scoped3A : memref<!tpu.dma_semaphore, #tpu.memory_space<semaphore_mem>>) src(%dma_wait3A_444 : memref<80xi32, #tpu.memory_space<hbm>>) dst(%arg20 : memref<80xi32, #tpu.memory_space<vmem>>)
        tpu.yield
      }) : () -> ()
      %dma_start3A_153 = arith.constant 0 : i32
      %dma_start3A_154 = arith.constant 0 : i32
      %dma_start3A_155 = tpu.memref_slice %arg2[%dma_start3A_153, %dma_start3A_154] : memref<10000x128xf32, #tpu.memory_space<hbm>> -> memref<10000x128xf32, #tpu.memory_space<hbm>>
      tpu.enqueue_indirect_dma source(%dma_start3A_155 : memref<10000x128xf32, #tpu.memory_space<hbm>>) target(%arg21 : memref<80x128xf32, #tpu.memory_space<vmem>>) offsets(%arg19 : memref<80xi32, #tpu.memory_space<vmem>>) semaphore(%arg25 : memref<!tpu.dma_semaphore, #tpu.memory_space<semaphore_mem>>)
      %dma_start3A_156 = arith.constant 0 : i32
      %dma_start3A_157 = arith.constant 0 : i32
      %dma_start3A_158 = tpu.memref_slice %arg3[%dma_start3A_156, %dma_start3A_157] : memref<10000x128xf32, #tpu.memory_space<hbm>> -> memref<10000x128xf32, #tpu.memory_space<hbm>>
      tpu.enqueue_indirect_dma source(%dma_start3A_158 : memref<10000x128xf32, #tpu.memory_space<hbm>>) target(%arg22 : memref<80x128xf32, #tpu.memory_space<vmem>>) offsets(%arg20 : memref<80xi32, #tpu.memory_space<vmem>>) semaphore(%arg25 : memref<!tpu.dma_semaphore, #tpu.memory_space<semaphore_mem>>)
      %mul3A_159 = arith.constant 10000 : i32
      %mul3A_160 = arith.muli %add3A, %mul3A_159 : i32
      %mul3A_161 = arith.constant 80 : i32
      %mul3A_162 = arith.muli %mul3A_145, %mul3A_161 : i32
      %add3A_163 = arith.addi %mul3A_160, %mul3A_162 : i32
      %get3A_164 = arith.constant 0 : index
      %get3A_165 = tpu.vector_load %arg14[%get3A_164] {strides = array<i32>} : memref<80xi32, #tpu.memory_space<vmem>>, vector<16xi32>,
      %get3A_166 = arith.constant 0 : index
      %get3A_167 = tpu.vector_load %arg15[%get3A_166] {strides = array<i32>} : memref<80xi32, #tpu.memory_space<vmem>>, vector<16xi32>,
      %broadcast_in_dim3A_168 = arith.constant 0.000000e+00 : f32
      %broadcast_in_dim3A_169 = vector.broadcast %broadcast_in_dim3A_168 : f32 to vector<16xf32>
      %gather3A_170 = tpu.vector_load_idx %arg11[%get3A_165] : memref<10000xf32, #tpu.memory_space<vmem>>[vector<16xi32>], vector<16xf32>,
      %gather3A_171 = tpu.vector_load_idx %arg11[%get3A_167] : memref<10000xf32, #tpu.memory_space<vmem>>[vector<16xi32>], vector<16xf32>,
      %sub3A_172 = arith.subf %gather3A_170, %gather3A_171 : vector<16xf32>
      %mul3A_173 = arith.mulf %sub3A_172, %sub3A_172 : vector<16xf32>
      %add3A_174 = arith.addf %broadcast_in_dim3A_169, %mul3A_173 : vector<16xf32>
      %gather3A_175 = tpu.vector_load_idx %arg12[%get3A_165] : memref<10000xf32, #tpu.memory_space<vmem>>[vector<16xi32>], vector<16xf32>,
      %gather3A_176 = tpu.vector_load_idx %arg12[%get3A_167] : memref<10000xf32, #tpu.memory_space<vmem>>[vector<16xi32>], vector<16xf32>,
      %sub3A_177 = arith.subf %gather3A_175, %gather3A_176 : vector<16xf32>
      %mul3A_178 = arith.mulf %sub3A_177, %sub3A_177 : vector<16xf32>
      %add3A_179 = arith.addf %add3A_174, %mul3A_178 : vector<16xf32>
      %gather3A_180 = tpu.vector_load_idx %arg13[%get3A_165] : memref<10000xf32, #tpu.memory_space<vmem>>[vector<16xi32>], vector<16xf32>,
      %gather3A_181 = tpu.vector_load_idx %arg13[%get3A_167] : memref<10000xf32, #tpu.memory_space<vmem>>[vector<16xi32>], vector<16xf32>,
      %sub3A_182 = arith.subf %gather3A_180, %gather3A_181 : vector<16xf32>
      %mul3A_183 = arith.mulf %sub3A_182, %sub3A_182 : vector<16xf32>
      %add3A_184 = arith.addf %add3A_179, %mul3A_183 : vector<16xf32>
      %swap3A_185 = arith.constant 0 : index
      %swap3A_186 = tpu.vector_load %arg18[%swap3A_185] {strides = array<i32>} : memref<80xf32, #tpu.memory_space<vmem>>, vector<16xf32>,
      tpu.vector_store %arg18[%swap3A_185], %add3A_184 {strides = array<i32>} : memref<80xf32, #tpu.memory_space<vmem>>, vector<16xf32>,
      %get3A_187 = arith.constant 16 : index
      %get3A_188 = tpu.vector_load %arg14[%get3A_187] {strides = array<i32>} : memref<80xi32, #tpu.memory_space<vmem>>, vector<16xi32>,
      %get3A_189 = arith.constant 16 : index
      %get3A_190 = tpu.vector_load %arg15[%get3A_189] {strides = array<i32>} : memref<80xi32, #tpu.memory_space<vmem>>, vector<16xi32>,
      %broadcast_in_dim3A_191 = arith.constant 0.000000e+00 : f32
      %broadcast_in_dim3A_192 = vector.broadcast %broadcast_in_dim3A_191 : f32 to vector<16xf32>
      %gather3A_193 = tpu.vector_load_idx %arg11[%get3A_188] : memref<10000xf32, #tpu.memory_space<vmem>>[vector<16xi32>], vector<16xf32>,
      %gather3A_194 = tpu.vector_load_idx %arg11[%get3A_190] : memref<10000xf32, #tpu.memory_space<vmem>>[vector<16xi32>], vector<16xf32>,
      %sub3A_195 = arith.subf %gather3A_193, %gather3A_194 : vector<16xf32>
      %mul3A_196 = arith.mulf %sub3A_195, %sub3A_195 : vector<16xf32>
      %add3A_197 = arith.addf %broadcast_in_dim3A_192, %mul3A_196 : vector<16xf32>
      %gather3A_198 = tpu.vector_load_idx %arg12[%get3A_188] : memref<10000xf32, #tpu.memory_space<vmem>>[vector<16xi32>], vector<16xf32>,
      %gather3A_199 = tpu.vector_load_idx %arg12[%get3A_190] : memref<10000xf32, #tpu.memory_space<vmem>>[vector<16xi32>], vector<16xf32>,
      %sub3A_200 = arith.subf %gather3A_198, %gather3A_199 : vector<16xf32>
      %mul3A_201 = arith.mulf %sub3A_200, %sub3A_200 : vector<16xf32>
      %add3A_202 = arith.addf %add3A_197, %mul3A_201 : vector<16xf32>
      %gather3A_203 = tpu.vector_load_idx %arg13[%get3A_188] : memref<10000xf32, #tpu.memory_space<vmem>>[vector<16xi32>], vector<16xf32>,
      %gather3A_204 = tpu.vector_load_idx %arg13[%get3A_190] : memref<10000xf32, #tpu.memory_space<vmem>>[vector<16xi32>], vector<16xf32>,
      %sub3A_205 = arith.subf %gather3A_203, %gather3A_204 : vector<16xf32>
      %mul3A_206 = arith.mulf %sub3A_205, %sub3A_205 : vector<16xf32>
      %add3A_207 = arith.addf %add3A_202, %mul3A_206 : vector<16xf32>
      %swap3A_208 = arith.constant 16 : index
      %swap3A_209 = tpu.vector_load %arg18[%swap3A_208] {strides = array<i32>} : memref<80xf32, #tpu.memory_space<vmem>>, vector<16xf32>,
      tpu.vector_store %arg18[%swap3A_208], %add3A_207 {strides = array<i32>} : memref<80xf32, #tpu.memory_space<vmem>>, vector<16xf32>,
      %get3A_210 = arith.constant 32 : index
      %get3A_211 = tpu.vector_load %arg14[%get3A_210] {strides = array<i32>} : memref<80xi32, #tpu.memory_space<vmem>>, vector<16xi32>,
      %get3A_212 = arith.constant 32 : index
      %get3A_213 = tpu.vector_load %arg15[%get3A_212] {strides = array<i32>} : memref<80xi32, #tpu.memory_space<vmem>>, vector<16xi32>,
      %broadcast_in_dim3A_214 = arith.constant 0.000000e+00 : f32
      %broadcast_in_dim3A_215 = vector.broadcast %broadcast_in_dim3A_214 : f32 to vector<16xf32>
      %gather3A_216 = tpu.vector_load_idx %arg11[%get3A_211] : memref<10000xf32, #tpu.memory_space<vmem>>[vector<16xi32>], vector<16xf32>,
      %gather3A_217 = tpu.vector_load_idx %arg11[%get3A_213] : memref<10000xf32, #tpu.memory_space<vmem>>[vector<16xi32>], vector<16xf32>,
      %sub3A_218 = arith.subf %gather3A_216, %gather3A_217 : vector<16xf32>
      %mul3A_219 = arith.mulf %sub3A_218, %sub3A_218 : vector<16xf32>
      %add3A_220 = arith.addf %broadcast_in_dim3A_215, %mul3A_219 : vector<16xf32>
      %gather3A_221 = tpu.vector_load_idx %arg12[%get3A_211] : memref<10000xf32, #tpu.memory_space<vmem>>[vector<16xi32>], vector<16xf32>,
      %gather3A_222 = tpu.vector_load_idx %arg12[%get3A_213] : memref<10000xf32, #tpu.memory_space<vmem>>[vector<16xi32>], vector<16xf32>,
      %sub3A_223 = arith.subf %gather3A_221, %gather3A_222 : vector<16xf32>
      %mul3A_224 = arith.mulf %sub3A_223, %sub3A_223 : vector<16xf32>
      %add3A_225 = arith.addf %add3A_220, %mul3A_224 : vector<16xf32>
      %gather3A_226 = tpu.vector_load_idx %arg13[%get3A_211] : memref<10000xf32, #tpu.memory_space<vmem>>[vector<16xi32>], vector<16xf32>,
      %gather3A_227 = tpu.vector_load_idx %arg13[%get3A_213] : memref<10000xf32, #tpu.memory_space<vmem>>[vector<16xi32>], vector<16xf32>,
      %sub3A_228 = arith.subf %gather3A_226, %gather3A_227 : vector<16xf32>
      %mul3A_229 = arith.mulf %sub3A_228, %sub3A_228 : vector<16xf32>
      %add3A_230 = arith.addf %add3A_225, %mul3A_229 : vector<16xf32>
      %swap3A_231 = arith.constant 32 : index
      %swap3A_232 = tpu.vector_load %arg18[%swap3A_231] {strides = array<i32>} : memref<80xf32, #tpu.memory_space<vmem>>, vector<16xf32>,
      tpu.vector_store %arg18[%swap3A_231], %add3A_230 {strides = array<i32>} : memref<80xf32, #tpu.memory_space<vmem>>, vector<16xf32>,
      %get3A_233 = arith.constant 48 : index
      %get3A_234 = tpu.vector_load %arg14[%get3A_233] {strides = array<i32>} : memref<80xi32, #tpu.memory_space<vmem>>, vector<16xi32>,
      %get3A_235 = arith.constant 48 : index
      %get3A_236 = tpu.vector_load %arg15[%get3A_235] {strides = array<i32>} : memref<80xi32, #tpu.memory_space<vmem>>, vector<16xi32>,
      %broadcast_in_dim3A_237 = arith.constant 0.000000e+00 : f32
      %broadcast_in_dim3A_238 = vector.broadcast %broadcast_in_dim3A_237 : f32 to vector<16xf32>
      %gather3A_239 = tpu.vector_load_idx %arg11[%get3A_234] : memref<10000xf32, #tpu.memory_space<vmem>>[vector<16xi32>], vector<16xf32>,
      %gather3A_240 = tpu.vector_load_idx %arg11[%get3A_236] : memref<10000xf32, #tpu.memory_space<vmem>>[vector<16xi32>], vector<16xf32>,
      %sub3A_241 = arith.subf %gather3A_239, %gather3A_240 : vector<16xf32>
      %mul3A_242 = arith.mulf %sub3A_241, %sub3A_241 : vector<16xf32>
      %add3A_243 = arith.addf %broadcast_in_dim3A_238, %mul3A_242 : vector<16xf32>
      %gather3A_244 = tpu.vector_load_idx %arg12[%get3A_234] : memref<10000xf32, #tpu.memory_space<vmem>>[vector<16xi32>], vector<16xf32>,
      %gather3A_245 = tpu.vector_load_idx %arg12[%get3A_236] : memref<10000xf32, #tpu.memory_space<vmem>>[vector<16xi32>], vector<16xf32>,
      %sub3A_246 = arith.subf %gather3A_244, %gather3A_245 : vector<16xf32>
      %mul3A_247 = arith.mulf %sub3A_246, %sub3A_246 : vector<16xf32>
      %add3A_248 = arith.addf %add3A_243, %mul3A_247 : vector<16xf32>
      %gather3A_249 = tpu.vector_load_idx %arg13[%get3A_234] : memref<10000xf32, #tpu.memory_space<vmem>>[vector<16xi32>], vector<16xf32>,
      %gather3A_250 = tpu.vector_load_idx %arg13[%get3A_236] : memref<10000xf32, #tpu.memory_space<vmem>>[vector<16xi32>], vector<16xf32>,
      %sub3A_251 = arith.subf %gather3A_249, %gather3A_250 : vector<16xf32>
      %mul3A_252 = arith.mulf %sub3A_251, %sub3A_251 : vector<16xf32>
      %add3A_253 = arith.addf %add3A_248, %mul3A_252 : vector<16xf32>
      %swap3A_254 = arith.constant 48 : index
      %swap3A_255 = tpu.vector_load %arg18[%swap3A_254] {strides = array<i32>} : memref<80xf32, #tpu.memory_space<vmem>>, vector<16xf32>,
      tpu.vector_store %arg18[%swap3A_254], %add3A_253 {strides = array<i32>} : memref<80xf32, #tpu.memory_space<vmem>>, vector<16xf32>,
      %get3A_256 = arith.constant 64 : index
      %get3A_257 = tpu.vector_load %arg14[%get3A_256] {strides = array<i32>} : memref<80xi32, #tpu.memory_space<vmem>>, vector<16xi32>,
      %get3A_258 = arith.constant 64 : index
      %get3A_259 = tpu.vector_load %arg15[%get3A_258] {strides = array<i32>} : memref<80xi32, #tpu.memory_space<vmem>>, vector<16xi32>,
      %broadcast_in_dim3A_260 = arith.constant 0.000000e+00 : f32
      %broadcast_in_dim3A_261 = vector.broadcast %broadcast_in_dim3A_260 : f32 to vector<16xf32>
      %gather3A_262 = tpu.vector_load_idx %arg11[%get3A_257] : memref<10000xf32, #tpu.memory_space<vmem>>[vector<16xi32>], vector<16xf32>,
      %gather3A_263 = tpu.vector_load_idx %arg11[%get3A_259] : memref<10000xf32, #tpu.memory_space<vmem>>[vector<16xi32>], vector<16xf32>,
      %sub3A_264 = arith.subf %gather3A_262, %gather3A_263 : vector<16xf32>
      %mul3A_265 = arith.mulf %sub3A_264, %sub3A_264 : vector<16xf32>
      %add3A_266 = arith.addf %broadcast_in_dim3A_261, %mul3A_265 : vector<16xf32>
      %gather3A_267 = tpu.vector_load_idx %arg12[%get3A_257] : memref<10000xf32, #tpu.memory_space<vmem>>[vector<16xi32>], vector<16xf32>,
      %gather3A_268 = tpu.vector_load_idx %arg12[%get3A_259] : memref<10000xf32, #tpu.memory_space<vmem>>[vector<16xi32>], vector<16xf32>,
      %sub3A_269 = arith.subf %gather3A_267, %gather3A_268 : vector<16xf32>
      %mul3A_270 = arith.mulf %sub3A_269, %sub3A_269 : vector<16xf32>
      %add3A_271 = arith.addf %add3A_266, %mul3A_270 : vector<16xf32>
      %gather3A_272 = tpu.vector_load_idx %arg13[%get3A_257] : memref<10000xf32, #tpu.memory_space<vmem>>[vector<16xi32>], vector<16xf32>,
      %gather3A_273 = tpu.vector_load_idx %arg13[%get3A_259] : memref<10000xf32, #tpu.memory_space<vmem>>[vector<16xi32>], vector<16xf32>,
      %sub3A_274 = arith.subf %gather3A_272, %gather3A_273 : vector<16xf32>
      %mul3A_275 = arith.mulf %sub3A_274, %sub3A_274 : vector<16xf32>
      %add3A_276 = arith.addf %add3A_271, %mul3A_275 : vector<16xf32>
      %swap3A_277 = arith.constant 64 : index
      %swap3A_278 = tpu.vector_load %arg18[%swap3A_277] {strides = array<i32>} : memref<80xf32, #tpu.memory_space<vmem>>, vector<16xf32>,
      tpu.vector_store %arg18[%swap3A_277], %add3A_276 {strides = array<i32>} : memref<80xf32, #tpu.memory_space<vmem>>, vector<16xf32>,
      %dma_wait3A_279 = arith.constant 0 : i32
      %dma_wait3A_280 = arith.constant 0 : i32
      %dma_wait3A_281 = tpu.memref_slice %arg2[%dma_wait3A_279, %dma_wait3A_280] : memref<10000x128xf32, #tpu.memory_space<hbm>> -> memref<10000x128xf32, #tpu.memory_space<hbm>>
      tpu.wait_indirect_dma semaphore(%arg24 : memref<!tpu.dma_semaphore, #tpu.memory_space<semaphore_mem>>) src(%dma_wait3A_281 : memref<10000x128xf32, #tpu.memory_space<hbm>>) dst(%arg16 : memref<80x128xf32, #tpu.memory_space<vmem>>)
      %dma_wait3A_282 = arith.constant 0 : i32
      %dma_wait3A_283 = arith.constant 0 : i32
      %dma_wait3A_284 = tpu.memref_slice %arg3[%dma_wait3A_282, %dma_wait3A_283] : memref<10000x128xf32, #tpu.memory_space<hbm>> -> memref<10000x128xf32, #tpu.memory_space<hbm>>
      tpu.wait_indirect_dma semaphore(%arg24 : memref<!tpu.dma_semaphore, #tpu.memory_space<semaphore_mem>>) src(%dma_wait3A_284 : memref<10000x128xf32, #tpu.memory_space<hbm>>) dst(%arg17 : memref<80x128xf32, #tpu.memory_space<vmem>>)
      %scan3A_285 = arith.constant 0 : i32
      %scan3A_286 = arith.constant 0 : i32
      %scan3A_287 = arith.constant 80 : i32
      %scan3A_288 = arith.addi %scan3A_286, %scan3A_287 : i32
      %scan3A_289 = arith.constant 1 : i32
      %scan3A_290 = scf.for %scan3A_441 = %scan3A_286 to %scan3A_288 step %scan3A_289 iter_args(%scan3A_442 = %scan3A_285) -> (i32)  : i32 {
        %get3A_443 = arith.index_cast %scan3A_441 : i32 to index
        %get3A_444 = arith.constant 0 : index
        %get3A_445 = tpu.vector_load %arg17[%get3A_443, %get3A_444] {strides = array<i32>} : memref<80x128xf32, #tpu.memory_space<vmem>>, vector<16xf32>,
        %swap3A_446 = arith.index_cast %scan3A_441 : i32 to index
        %swap3A_447 = arith.constant 0 : index
        %swap3A_448 = tpu.vector_load %arg16[%swap3A_446, %swap3A_447] {strides = array<i32>} : memref<80x128xf32, #tpu.memory_space<vmem>>, vector<16xf32>,
        tpu.vector_store %arg16[%swap3A_446, %swap3A_447], %get3A_445 {add = true, strides = array<i32>} : memref<80x128xf32, #tpu.memory_space<vmem>>, vector<16xf32>,
        %get3A_449 = arith.index_cast %scan3A_441 : i32 to index
        %get3A_450 = arith.constant 16 : index
        %get3A_451 = tpu.vector_load %arg17[%get3A_449, %get3A_450] {strides = array<i32>} : memref<80x128xf32, #tpu.memory_space<vmem>>, vector<16xf32>,
        %swap3A_452 = arith.index_cast %scan3A_441 : i32 to index
        %swap3A_453 = arith.constant 16 : index
        %swap3A_454 = tpu.vector_load %arg16[%swap3A_452, %swap3A_453] {strides = array<i32>} : memref<80x128xf32, #tpu.memory_space<vmem>>, vector<16xf32>,
        tpu.vector_store %arg16[%swap3A_452, %swap3A_453], %get3A_451 {add = true, strides = array<i32>} : memref<80x128xf32, #tpu.memory_space<vmem>>, vector<16xf32>,
        %get3A_455 = arith.index_cast %scan3A_441 : i32 to index
        %get3A_456 = arith.constant 32 : index
        %get3A_457 = tpu.vector_load %arg17[%get3A_455, %get3A_456] {strides = array<i32>} : memref<80x128xf32, #tpu.memory_space<vmem>>, vector<16xf32>,
        %swap3A_458 = arith.index_cast %scan3A_441 : i32 to index
        %swap3A_459 = arith.constant 32 : index
        %swap3A_460 = tpu.vector_load %arg16[%swap3A_458, %swap3A_459] {strides = array<i32>} : memref<80x128xf32, #tpu.memory_space<vmem>>, vector<16xf32>,
        tpu.vector_store %arg16[%swap3A_458, %swap3A_459], %get3A_457 {add = true, strides = array<i32>} : memref<80x128xf32, #tpu.memory_space<vmem>>, vector<16xf32>,
        %get3A_461 = arith.index_cast %scan3A_441 : i32 to index
        %get3A_462 = arith.constant 48 : index
        %get3A_463 = tpu.vector_load %arg17[%get3A_461, %get3A_462] {strides = array<i32>} : memref<80x128xf32, #tpu.memory_space<vmem>>, vector<16xf32>,
        %swap3A_464 = arith.index_cast %scan3A_441 : i32 to index
        %swap3A_465 = arith.constant 48 : index
        %swap3A_466 = tpu.vector_load %arg16[%swap3A_464, %swap3A_465] {strides = array<i32>} : memref<80x128xf32, #tpu.memory_space<vmem>>, vector<16xf32>,
        tpu.vector_store %arg16[%swap3A_464, %swap3A_465], %get3A_463 {add = true, strides = array<i32>} : memref<80x128xf32, #tpu.memory_space<vmem>>, vector<16xf32>,
        %get3A_467 = arith.index_cast %scan3A_441 : i32 to index
        %get3A_468 = arith.constant 64 : index
        %get3A_469 = tpu.vector_load %arg17[%get3A_467, %get3A_468] {strides = array<i32>} : memref<80x128xf32, #tpu.memory_space<vmem>>, vector<16xf32>,
        %swap3A_470 = arith.index_cast %scan3A_441 : i32 to index
        %swap3A_471 = arith.constant 64 : index
        %swap3A_472 = tpu.vector_load %arg16[%swap3A_470, %swap3A_471] {strides = array<i32>} : memref<80x128xf32, #tpu.memory_space<vmem>>, vector<16xf32>,
        tpu.vector_store %arg16[%swap3A_470, %swap3A_471], %get3A_469 {add = true, strides = array<i32>} : memref<80x128xf32, #tpu.memory_space<vmem>>, vector<16xf32>,
        %get3A_473 = arith.index_cast %scan3A_441 : i32 to index
        %get3A_474 = arith.constant 80 : index
        %get3A_475 = tpu.vector_load %arg17[%get3A_473, %get3A_474] {strides = array<i32>} : memref<80x128xf32, #tpu.memory_space<vmem>>, vector<16xf32>,
        %swap3A_476 = arith.index_cast %scan3A_441 : i32 to index
        %swap3A_477 = arith.constant 80 : index
        %swap3A_478 = tpu.vector_load %arg16[%swap3A_476, %swap3A_477] {strides = array<i32>} : memref<80x128xf32, #tpu.memory_space<vmem>>, vector<16xf32>,
        tpu.vector_store %arg16[%swap3A_476, %swap3A_477], %get3A_475 {add = true, strides = array<i32>} : memref<80x128xf32, #tpu.memory_space<vmem>>, vector<16xf32>,
        %get3A_479 = arith.index_cast %scan3A_441 : i32 to index
        %get3A_480 = arith.constant 96 : index
        %get3A_481 = tpu.vector_load %arg17[%get3A_479, %get3A_480] {strides = array<i32>} : memref<80x128xf32, #tpu.memory_space<vmem>>, vector<16xf32>,
        %swap3A_482 = arith.index_cast %scan3A_441 : i32 to index
        %swap3A_483 = arith.constant 96 : index
        %swap3A_484 = tpu.vector_load %arg16[%swap3A_482, %swap3A_483] {strides = array<i32>} : memref<80x128xf32, #tpu.memory_space<vmem>>, vector<16xf32>,
        tpu.vector_store %arg16[%swap3A_482, %swap3A_483], %get3A_481 {add = true, strides = array<i32>} : memref<80x128xf32, #tpu.memory_space<vmem>>, vector<16xf32>,
        %get3A_485 = arith.index_cast %scan3A_441 : i32 to index
        %get3A_486 = arith.constant 112 : index
        %get3A_487 = tpu.vector_load %arg17[%get3A_485, %get3A_486] {strides = array<i32>} : memref<80x128xf32, #tpu.memory_space<vmem>>, vector<16xf32>,
        %swap3A_488 = arith.index_cast %scan3A_441 : i32 to index
        %swap3A_489 = arith.constant 112 : index
        %swap3A_490 = tpu.vector_load %arg16[%swap3A_488, %swap3A_489] {strides = array<i32>} : memref<80x128xf32, #tpu.memory_space<vmem>>, vector<16xf32>,
        tpu.vector_store %arg16[%swap3A_488, %swap3A_489], %get3A_487 {add = true, strides = array<i32>} : memref<80x128xf32, #tpu.memory_space<vmem>>, vector<16xf32>,
        %scan3A_491 = arith.constant 0 : i32
        scf.yield %scan3A_491 : i32
      }
      %scan3A_291 = arith.constant 80 : i32
      "tpu.region"() ({
        %run_scoped3A = tpu.sem_alloc : memref<!tpu.dma_semaphore, #tpu.memory_space<semaphore_mem>>
        %dma_start3A_441 = arith.constant 0 : i32
        %dma_start3A_442 = tpu.memref_slice %arg9[%add3A_163, %dma_start3A_441] : memref<320000x128xf32, #tpu.memory_space<hbm>> -> memref<80x128xf32, #tpu.memory_space<hbm>>
        %dma_start3A_443 = arith.constant 0 : i32
        %dma_start3A_444 = tpu.memref_slice %arg9[%add3A_163, %dma_start3A_443] : memref<320000x128xf32, #tpu.memory_space<hbm>> -> memref<80x128xf32, #tpu.memory_space<hbm>>
        tpu.enqueue_dma source(%arg16 : memref<80x128xf32, #tpu.memory_space<vmem>>) target(%dma_start3A_444 : memref<80x128xf32, #tpu.memory_space<hbm>>) target_semaphore(%run_scoped3A : memref<!tpu.dma_semaphore, #tpu.memory_space<semaphore_mem>>)
        %dma_wait3A_445 = arith.constant 0 : i32
        %dma_wait3A_446 = tpu.memref_slice %arg9[%add3A_163, %dma_wait3A_445] : memref<320000x128xf32, #tpu.memory_space<hbm>> -> memref<80x128xf32, #tpu.memory_space<hbm>>
        %dma_wait3A_447 = arith.constant 0 : i32
        %dma_wait3A_448 = tpu.memref_slice %arg9[%add3A_163, %dma_wait3A_447] : memref<320000x128xf32, #tpu.memory_space<hbm>> -> memref<80x128xf32, #tpu.memory_space<hbm>>
        tpu.wait_dma2 semaphore(%run_scoped3A : memref<!tpu.dma_semaphore, #tpu.memory_space<semaphore_mem>>) src(%arg16 : memref<80x128xf32, #tpu.memory_space<vmem>>) dst(%dma_wait3A_448 : memref<80x128xf32, #tpu.memory_space<hbm>>)
        tpu.yield
      }) : () -> ()
      "tpu.region"() ({
        %run_scoped3A = tpu.sem_alloc : memref<!tpu.dma_semaphore, #tpu.memory_space<semaphore_mem>>
        %dma_start3A_441 = tpu.memref_slice %arg10[%add3A_163] : memref<320000xf32, #tpu.memory_space<hbm>> -> memref<80xf32, #tpu.memory_space<hbm>>
        %dma_start3A_442 = tpu.memref_slice %arg10[%add3A_163] : memref<320000xf32, #tpu.memory_space<hbm>> -> memref<80xf32, #tpu.memory_space<hbm>>
        tpu.enqueue_dma source(%arg18 : memref<80xf32, #tpu.memory_space<vmem>>) target(%dma_start3A_442 : memref<80xf32, #tpu.memory_space<hbm>>) target_semaphore(%run_scoped3A : memref<!tpu.dma_semaphore, #tpu.memory_space<semaphore_mem>>)
        %dma_wait3A_443 = tpu.memref_slice %arg10[%add3A_163] : memref<320000xf32, #tpu.memory_space<hbm>> -> memref<80xf32, #tpu.memory_space<hbm>>
        %dma_wait3A_444 = tpu.memref_slice %arg10[%add3A_163] : memref<320000xf32, #tpu.memory_space<hbm>> -> memref<80xf32, #tpu.memory_space<hbm>>
        tpu.wait_dma2 semaphore(%run_scoped3A : memref<!tpu.dma_semaphore, #tpu.memory_space<semaphore_mem>>) src(%arg18 : memref<80xf32, #tpu.memory_space<vmem>>) dst(%dma_wait3A_444 : memref<80xf32, #tpu.memory_space<hbm>>)
        tpu.yield
      }) : () -> ()
      %add3A_292 = arith.constant 2 : i32
      %add3A_293 = arith.addi %mul3A_145, %add3A_292 : i32
      %mul3A_294 = arith.constant 10000 : i32
      %mul3A_295 = arith.muli %add3A, %mul3A_294 : i32
      %mul3A_296 = arith.constant 80 : i32
      %mul3A_297 = arith.muli %add3A_293, %mul3A_296 : i32
      %add3A_298 = arith.addi %mul3A_295, %mul3A_297 : i32
      "tpu.region"() ({
        %run_scoped3A = tpu.sem_alloc : memref<!tpu.dma_semaphore, #tpu.memory_space<semaphore_mem>>
        %dma_start3A_441 = tpu.memref_slice %arg7[%add3A_298] : memref<320000xi32, #tpu.memory_space<hbm>> -> memref<80xi32, #tpu.memory_space<hbm>>
        %dma_start3A_442 = tpu.memref_slice %arg7[%add3A_298] : memref<320000xi32, #tpu.memory_space<hbm>> -> memref<80xi32, #tpu.memory_space<hbm>>
        tpu.enqueue_dma source(%dma_start3A_442 : memref<80xi32, #tpu.memory_space<hbm>>) target(%arg14 : memref<80xi32, #tpu.memory_space<vmem>>) target_semaphore(%run_scoped3A : memref<!tpu.dma_semaphore, #tpu.memory_space<semaphore_mem>>)
        %dma_wait3A_443 = tpu.memref_slice %arg7[%add3A_298] : memref<320000xi32, #tpu.memory_space<hbm>> -> memref<80xi32, #tpu.memory_space<hbm>>
        %dma_wait3A_444 = tpu.memref_slice %arg7[%add3A_298] : memref<320000xi32, #tpu.memory_space<hbm>> -> memref<80xi32, #tpu.memory_space<hbm>>
        tpu.wait_dma2 semaphore(%run_scoped3A : memref<!tpu.dma_semaphore, #tpu.memory_space<semaphore_mem>>) src(%dma_wait3A_444 : memref<80xi32, #tpu.memory_space<hbm>>) dst(%arg14 : memref<80xi32, #tpu.memory_space<vmem>>)
        tpu.yield
      }) : () -> ()
      "tpu.region"() ({
        %run_scoped3A = tpu.sem_alloc : memref<!tpu.dma_semaphore, #tpu.memory_space<semaphore_mem>>
        %dma_start3A_441 = tpu.memref_slice %arg8[%add3A_298] : memref<320000xi32, #tpu.memory_space<hbm>> -> memref<80xi32, #tpu.memory_space<hbm>>
        %dma_start3A_442 = tpu.memref_slice %arg8[%add3A_298] : memref<320000xi32, #tpu.memory_space<hbm>> -> memref<80xi32, #tpu.memory_space<hbm>>
        tpu.enqueue_dma source(%dma_start3A_442 : memref<80xi32, #tpu.memory_space<hbm>>) target(%arg15 : memref<80xi32, #tpu.memory_space<vmem>>) target_semaphore(%run_scoped3A : memref<!tpu.dma_semaphore, #tpu.memory_space<semaphore_mem>>)
        %dma_wait3A_443 = tpu.memref_slice %arg8[%add3A_298] : memref<320000xi32, #tpu.memory_space<hbm>> -> memref<80xi32, #tpu.memory_space<hbm>>
        %dma_wait3A_444 = tpu.memref_slice %arg8[%add3A_298] : memref<320000xi32, #tpu.memory_space<hbm>> -> memref<80xi32, #tpu.memory_space<hbm>>
        tpu.wait_dma2 semaphore(%run_scoped3A : memref<!tpu.dma_semaphore, #tpu.memory_space<semaphore_mem>>) src(%dma_wait3A_444 : memref<80xi32, #tpu.memory_space<hbm>>) dst(%arg15 : memref<80xi32, #tpu.memory_space<vmem>>)
        tpu.yield
      }) : () -> ()
      %dma_start3A_299 = arith.constant 0 : i32
      %dma_start3A_300 = arith.constant 0 : i32
      %dma_start3A_301 = tpu.memref_slice %arg2[%dma_start3A_299, %dma_start3A_300] : memref<10000x128xf32, #tpu.memory_space<hbm>> -> memref<10000x128xf32, #tpu.memory_space<hbm>>
      tpu.enqueue_indirect_dma source(%dma_start3A_301 : memref<10000x128xf32, #tpu.memory_space<hbm>>) target(%arg16 : memref<80x128xf32, #tpu.memory_space<vmem>>) offsets(%arg14 : memref<80xi32, #tpu.memory_space<vmem>>) semaphore(%arg24 : memref<!tpu.dma_semaphore, #tpu.memory_space<semaphore_mem>>)
      %dma_start3A_302 = arith.constant 0 : i32
      %dma_start3A_303 = arith.constant 0 : i32
      %dma_start3A_304 = tpu.memref_slice %arg3[%dma_start3A_302, %dma_start3A_303] : memref<10000x128xf32, #tpu.memory_space<hbm>> -> memref<10000x128xf32, #tpu.memory_space<hbm>>
      tpu.enqueue_indirect_dma source(%dma_start3A_304 : memref<10000x128xf32, #tpu.memory_space<hbm>>) target(%arg17 : memref<80x128xf32, #tpu.memory_space<vmem>>) offsets(%arg15 : memref<80xi32, #tpu.memory_space<vmem>>) semaphore(%arg24 : memref<!tpu.dma_semaphore, #tpu.memory_space<semaphore_mem>>)
      %add3A_305 = arith.constant 1 : i32
      %add3A_306 = arith.addi %mul3A_145, %add3A_305 : i32
      %mul3A_307 = arith.constant 10000 : i32
      %mul3A_308 = arith.muli %add3A, %mul3A_307 : i32
      %mul3A_309 = arith.constant 80 : i32
      %mul3A_310 = arith.muli %add3A_306, %mul3A_309 : i32
      %add3A_311 = arith.addi %mul3A_308, %mul3A_310 : i32
      %get3A_312 = arith.constant 0 : index
      %get3A_313 = tpu.vector_load %arg19[%get3A_312] {strides = array<i32>} : memref<80xi32, #tpu.memory_space<vmem>>, vector<16xi32>,
      %get3A_314 = arith.constant 0 : index
      %get3A_315 = tpu.vector_load %arg20[%get3A_314] {strides = array<i32>} : memref<80xi32, #tpu.memory_space<vmem>>, vector<16xi32>,
      %broadcast_in_dim3A_316 = arith.constant 0.000000e+00 : f32
      %broadcast_in_dim3A_317 = vector.broadcast %broadcast_in_dim3A_316 : f32 to vector<16xf32>
      %gather3A_318 = tpu.vector_load_idx %arg11[%get3A_313] : memref<10000xf32, #tpu.memory_space<vmem>>[vector<16xi32>], vector<16xf32>,
      %gather3A_319 = tpu.vector_load_idx %arg11[%get3A_315] : memref<10000xf32, #tpu.memory_space<vmem>>[vector<16xi32>], vector<16xf32>,
      %sub3A_320 = arith.subf %gather3A_318, %gather3A_319 : vector<16xf32>
      %mul3A_321 = arith.mulf %sub3A_320, %sub3A_320 : vector<16xf32>
      %add3A_322 = arith.addf %broadcast_in_dim3A_317, %mul3A_321 : vector<16xf32>
      %gather3A_323 = tpu.vector_load_idx %arg12[%get3A_313] : memref<10000xf32, #tpu.memory_space<vmem>>[vector<16xi32>], vector<16xf32>,
      %gather3A_324 = tpu.vector_load_idx %arg12[%get3A_315] : memref<10000xf32, #tpu.memory_space<vmem>>[vector<16xi32>], vector<16xf32>,
      %sub3A_325 = arith.subf %gather3A_323, %gather3A_324 : vector<16xf32>
      %mul3A_326 = arith.mulf %sub3A_325, %sub3A_325 : vector<16xf32>
      %add3A_327 = arith.addf %add3A_322, %mul3A_326 : vector<16xf32>
      %gather3A_328 = tpu.vector_load_idx %arg13[%get3A_313] : memref<10000xf32, #tpu.memory_space<vmem>>[vector<16xi32>], vector<16xf32>,
      %gather3A_329 = tpu.vector_load_idx %arg13[%get3A_315] : memref<10000xf32, #tpu.memory_space<vmem>>[vector<16xi32>], vector<16xf32>,
      %sub3A_330 = arith.subf %gather3A_328, %gather3A_329 : vector<16xf32>
      %mul3A_331 = arith.mulf %sub3A_330, %sub3A_330 : vector<16xf32>
      %add3A_332 = arith.addf %add3A_327, %mul3A_331 : vector<16xf32>
      %swap3A_333 = arith.constant 0 : index
      %swap3A_334 = tpu.vector_load %arg23[%swap3A_333] {strides = array<i32>} : memref<80xf32, #tpu.memory_space<vmem>>, vector<16xf32>,
      tpu.vector_store %arg23[%swap3A_333], %add3A_332 {strides = array<i32>} : memref<80xf32, #tpu.memory_space<vmem>>, vector<16xf32>,
      %get3A_335 = arith.constant 16 : index
      %get3A_336 = tpu.vector_load %arg19[%get3A_335] {strides = array<i32>} : memref<80xi32, #tpu.memory_space<vmem>>, vector<16xi32>,
      %get3A_337 = arith.constant 16 : index
      %get3A_338 = tpu.vector_load %arg20[%get3A_337] {strides = array<i32>} : memref<80xi32, #tpu.memory_space<vmem>>, vector<16xi32>,
      %broadcast_in_dim3A_339 = arith.constant 0.000000e+00 : f32
      %broadcast_in_dim3A_340 = vector.broadcast %broadcast_in_dim3A_339 : f32 to vector<16xf32>
      %gather3A_341 = tpu.vector_load_idx %arg11[%get3A_336] : memref<10000xf32, #tpu.memory_space<vmem>>[vector<16xi32>], vector<16xf32>,
      %gather3A_342 = tpu.vector_load_idx %arg11[%get3A_338] : memref<10000xf32, #tpu.memory_space<vmem>>[vector<16xi32>], vector<16xf32>,
      %sub3A_343 = arith.subf %gather3A_341, %gather3A_342 : vector<16xf32>
      %mul3A_344 = arith.mulf %sub3A_343, %sub3A_343 : vector<16xf32>
      %add3A_345 = arith.addf %broadcast_in_dim3A_340, %mul3A_344 : vector<16xf32>
      %gather3A_346 = tpu.vector_load_idx %arg12[%get3A_336] : memref<10000xf32, #tpu.memory_space<vmem>>[vector<16xi32>], vector<16xf32>,
      %gather3A_347 = tpu.vector_load_idx %arg12[%get3A_338] : memref<10000xf32, #tpu.memory_space<vmem>>[vector<16xi32>], vector<16xf32>,
      %sub3A_348 = arith.subf %gather3A_346, %gather3A_347 : vector<16xf32>
      %mul3A_349 = arith.mulf %sub3A_348, %sub3A_348 : vector<16xf32>
      %add3A_350 = arith.addf %add3A_345, %mul3A_349 : vector<16xf32>
      %gather3A_351 = tpu.vector_load_idx %arg13[%get3A_336] : memref<10000xf32, #tpu.memory_space<vmem>>[vector<16xi32>], vector<16xf32>,
      %gather3A_352 = tpu.vector_load_idx %arg13[%get3A_338] : memref<10000xf32, #tpu.memory_space<vmem>>[vector<16xi32>], vector<16xf32>,
      %sub3A_353 = arith.subf %gather3A_351, %gather3A_352 : vector<16xf32>
      %mul3A_354 = arith.mulf %sub3A_353, %sub3A_353 : vector<16xf32>
      %add3A_355 = arith.addf %add3A_350, %mul3A_354 : vector<16xf32>
      %swap3A_356 = arith.constant 16 : index
      %swap3A_357 = tpu.vector_load %arg23[%swap3A_356] {strides = array<i32>} : memref<80xf32, #tpu.memory_space<vmem>>, vector<16xf32>,
      tpu.vector_store %arg23[%swap3A_356], %add3A_355 {strides = array<i32>} : memref<80xf32, #tpu.memory_space<vmem>>, vector<16xf32>,
      %get3A_358 = arith.constant 32 : index
      %get3A_359 = tpu.vector_load %arg19[%get3A_358] {strides = array<i32>} : memref<80xi32, #tpu.memory_space<vmem>>, vector<16xi32>,
      %get3A_360 = arith.constant 32 : index
      %get3A_361 = tpu.vector_load %arg20[%get3A_360] {strides = array<i32>} : memref<80xi32, #tpu.memory_space<vmem>>, vector<16xi32>,
      %broadcast_in_dim3A_362 = arith.constant 0.000000e+00 : f32
      %broadcast_in_dim3A_363 = vector.broadcast %broadcast_in_dim3A_362 : f32 to vector<16xf32>
      %gather3A_364 = tpu.vector_load_idx %arg11[%get3A_359] : memref<10000xf32, #tpu.memory_space<vmem>>[vector<16xi32>], vector<16xf32>,
      %gather3A_365 = tpu.vector_load_idx %arg11[%get3A_361] : memref<10000xf32, #tpu.memory_space<vmem>>[vector<16xi32>], vector<16xf32>,
      %sub3A_366 = arith.subf %gather3A_364, %gather3A_365 : vector<16xf32>
      %mul3A_367 = arith.mulf %sub3A_366, %sub3A_366 : vector<16xf32>
      %add3A_368 = arith.addf %broadcast_in_dim3A_363, %mul3A_367 : vector<16xf32>
      %gather3A_369 = tpu.vector_load_idx %arg12[%get3A_359] : memref<10000xf32, #tpu.memory_space<vmem>>[vector<16xi32>], vector<16xf32>,
      %gather3A_370 = tpu.vector_load_idx %arg12[%get3A_361] : memref<10000xf32, #tpu.memory_space<vmem>>[vector<16xi32>], vector<16xf32>,
      %sub3A_371 = arith.subf %gather3A_369, %gather3A_370 : vector<16xf32>
      %mul3A_372 = arith.mulf %sub3A_371, %sub3A_371 : vector<16xf32>
      %add3A_373 = arith.addf %add3A_368, %mul3A_372 : vector<16xf32>
      %gather3A_374 = tpu.vector_load_idx %arg13[%get3A_359] : memref<10000xf32, #tpu.memory_space<vmem>>[vector<16xi32>], vector<16xf32>,
      %gather3A_375 = tpu.vector_load_idx %arg13[%get3A_361] : memref<10000xf32, #tpu.memory_space<vmem>>[vector<16xi32>], vector<16xf32>,
      %sub3A_376 = arith.subf %gather3A_374, %gather3A_375 : vector<16xf32>
      %mul3A_377 = arith.mulf %sub3A_376, %sub3A_376 : vector<16xf32>
      %add3A_378 = arith.addf %add3A_373, %mul3A_377 : vector<16xf32>
      %swap3A_379 = arith.constant 32 : index
      %swap3A_380 = tpu.vector_load %arg23[%swap3A_379] {strides = array<i32>} : memref<80xf32, #tpu.memory_space<vmem>>, vector<16xf32>,
      tpu.vector_store %arg23[%swap3A_379], %add3A_378 {strides = array<i32>} : memref<80xf32, #tpu.memory_space<vmem>>, vector<16xf32>,
      %get3A_381 = arith.constant 48 : index
      %get3A_382 = tpu.vector_load %arg19[%get3A_381] {strides = array<i32>} : memref<80xi32, #tpu.memory_space<vmem>>, vector<16xi32>,
      %get3A_383 = arith.constant 48 : index
      %get3A_384 = tpu.vector_load %arg20[%get3A_383] {strides = array<i32>} : memref<80xi32, #tpu.memory_space<vmem>>, vector<16xi32>,
      %broadcast_in_dim3A_385 = arith.constant 0.000000e+00 : f32
      %broadcast_in_dim3A_386 = vector.broadcast %broadcast_in_dim3A_385 : f32 to vector<16xf32>
      %gather3A_387 = tpu.vector_load_idx %arg11[%get3A_382] : memref<10000xf32, #tpu.memory_space<vmem>>[vector<16xi32>], vector<16xf32>,
      %gather3A_388 = tpu.vector_load_idx %arg11[%get3A_384] : memref<10000xf32, #tpu.memory_space<vmem>>[vector<16xi32>], vector<16xf32>,
      %sub3A_389 = arith.subf %gather3A_387, %gather3A_388 : vector<16xf32>
      %mul3A_390 = arith.mulf %sub3A_389, %sub3A_389 : vector<16xf32>
      %add3A_391 = arith.addf %broadcast_in_dim3A_386, %mul3A_390 : vector<16xf32>
      %gather3A_392 = tpu.vector_load_idx %arg12[%get3A_382] : memref<10000xf32, #tpu.memory_space<vmem>>[vector<16xi32>], vector<16xf32>,
      %gather3A_393 = tpu.vector_load_idx %arg12[%get3A_384] : memref<10000xf32, #tpu.memory_space<vmem>>[vector<16xi32>], vector<16xf32>,
      %sub3A_394 = arith.subf %gather3A_392, %gather3A_393 : vector<16xf32>
      %mul3A_395 = arith.mulf %sub3A_394, %sub3A_394 : vector<16xf32>
      %add3A_396 = arith.addf %add3A_391, %mul3A_395 : vector<16xf32>
      %gather3A_397 = tpu.vector_load_idx %arg13[%get3A_382] : memref<10000xf32, #tpu.memory_space<vmem>>[vector<16xi32>], vector<16xf32>,
      %gather3A_398 = tpu.vector_load_idx %arg13[%get3A_384] : memref<10000xf32, #tpu.memory_space<vmem>>[vector<16xi32>], vector<16xf32>,
      %sub3A_399 = arith.subf %gather3A_397, %gather3A_398 : vector<16xf32>
      %mul3A_400 = arith.mulf %sub3A_399, %sub3A_399 : vector<16xf32>
      %add3A_401 = arith.addf %add3A_396, %mul3A_400 : vector<16xf32>
      %swap3A_402 = arith.constant 48 : index
      %swap3A_403 = tpu.vector_load %arg23[%swap3A_402] {strides = array<i32>} : memref<80xf32, #tpu.memory_space<vmem>>, vector<16xf32>,
      tpu.vector_store %arg23[%swap3A_402], %add3A_401 {strides = array<i32>} : memref<80xf32, #tpu.memory_space<vmem>>, vector<16xf32>,
      %get3A_404 = arith.constant 64 : index
      %get3A_405 = tpu.vector_load %arg19[%get3A_404] {strides = array<i32>} : memref<80xi32, #tpu.memory_space<vmem>>, vector<16xi32>,
      %get3A_406 = arith.constant 64 : index
      %get3A_407 = tpu.vector_load %arg20[%get3A_406] {strides = array<i32>} : memref<80xi32, #tpu.memory_space<vmem>>, vector<16xi32>,
      %broadcast_in_dim3A_408 = arith.constant 0.000000e+00 : f32
      %broadcast_in_dim3A_409 = vector.broadcast %broadcast_in_dim3A_408 : f32 to vector<16xf32>
      %gather3A_410 = tpu.vector_load_idx %arg11[%get3A_405] : memref<10000xf32, #tpu.memory_space<vmem>>[vector<16xi32>], vector<16xf32>,
      %gather3A_411 = tpu.vector_load_idx %arg11[%get3A_407] : memref<10000xf32, #tpu.memory_space<vmem>>[vector<16xi32>], vector<16xf32>,
      %sub3A_412 = arith.subf %gather3A_410, %gather3A_411 : vector<16xf32>
      %mul3A_413 = arith.mulf %sub3A_412, %sub3A_412 : vector<16xf32>
      %add3A_414 = arith.addf %broadcast_in_dim3A_409, %mul3A_413 : vector<16xf32>
      %gather3A_415 = tpu.vector_load_idx %arg12[%get3A_405] : memref<10000xf32, #tpu.memory_space<vmem>>[vector<16xi32>], vector<16xf32>,
      %gather3A_416 = tpu.vector_load_idx %arg12[%get3A_407] : memref<10000xf32, #tpu.memory_space<vmem>>[vector<16xi32>], vector<16xf32>,
      %sub3A_417 = arith.subf %gather3A_415, %gather3A_416 : vector<16xf32>
      %mul3A_418 = arith.mulf %sub3A_417, %sub3A_417 : vector<16xf32>
      %add3A_419 = arith.addf %add3A_414, %mul3A_418 : vector<16xf32>
      %gather3A_420 = tpu.vector_load_idx %arg13[%get3A_405] : memref<10000xf32, #tpu.memory_space<vmem>>[vector<16xi32>], vector<16xf32>,
      %gather3A_421 = tpu.vector_load_idx %arg13[%get3A_407] : memref<10000xf32, #tpu.memory_space<vmem>>[vector<16xi32>], vector<16xf32>,
      %sub3A_422 = arith.subf %gather3A_420, %gather3A_421 : vector<16xf32>
      %mul3A_423 = arith.mulf %sub3A_422, %sub3A_422 : vector<16xf32>
      %add3A_424 = arith.addf %add3A_419, %mul3A_423 : vector<16xf32>
      %swap3A_425 = arith.constant 64 : index
      %swap3A_426 = tpu.vector_load %arg23[%swap3A_425] {strides = array<i32>} : memref<80xf32, #tpu.memory_space<vmem>>, vector<16xf32>,
      tpu.vector_store %arg23[%swap3A_425], %add3A_424 {strides = array<i32>} : memref<80xf32, #tpu.memory_space<vmem>>, vector<16xf32>,
      %dma_wait3A_427 = arith.constant 0 : i32
      %dma_wait3A_428 = arith.constant 0 : i32
      %dma_wait3A_429 = tpu.memref_slice %arg2[%dma_wait3A_427, %dma_wait3A_428] : memref<10000x128xf32, #tpu.memory_space<hbm>> -> memref<10000x128xf32, #tpu.memory_space<hbm>>
      tpu.wait_indirect_dma semaphore(%arg25 : memref<!tpu.dma_semaphore, #tpu.memory_space<semaphore_mem>>) src(%dma_wait3A_429 : memref<10000x128xf32, #tpu.memory_space<hbm>>) dst(%arg21 : memref<80x128xf32, #tpu.memory_space<vmem>>)
      %dma_wait3A_430 = arith.constant 0 : i32
      %dma_wait3A_431 = arith.constant 0 : i32
      %dma_wait3A_432 = tpu.memref_slice %arg3[%dma_wait3A_430, %dma_wait3A_431] : memref<10000x128xf32, #tpu.memory_space<hbm>> -> memref<10000x128xf32, #tpu.memory_space<hbm>>
      tpu.wait_indirect_dma semaphore(%arg25 : memref<!tpu.dma_semaphore, #tpu.memory_space<semaphore_mem>>) src(%dma_wait3A_432 : memref<10000x128xf32, #tpu.memory_space<hbm>>) dst(%arg22 : memref<80x128xf32, #tpu.memory_space<vmem>>)
      %scan3A_433 = arith.constant 0 : i32
      %scan3A_434 = arith.constant 0 : i32
      %scan3A_435 = arith.constant 80 : i32
      %scan3A_436 = arith.addi %scan3A_434, %scan3A_435 : i32
      %scan3A_437 = arith.constant 1 : i32
      %scan3A_438 = scf.for %scan3A_441 = %scan3A_434 to %scan3A_436 step %scan3A_437 iter_args(%scan3A_442 = %scan3A_433) -> (i32)  : i32 {
        %get3A_443 = arith.index_cast %scan3A_441 : i32 to index
        %get3A_444 = arith.constant 0 : index
        %get3A_445 = tpu.vector_load %arg22[%get3A_443, %get3A_444] {strides = array<i32>} : memref<80x128xf32, #tpu.memory_space<vmem>>, vector<16xf32>,
        %swap3A_446 = arith.index_cast %scan3A_441 : i32 to index
        %swap3A_447 = arith.constant 0 : index
        %swap3A_448 = tpu.vector_load %arg21[%swap3A_446, %swap3A_447] {strides = array<i32>} : memref<80x128xf32, #tpu.memory_space<vmem>>, vector<16xf32>,
        tpu.vector_store %arg21[%swap3A_446, %swap3A_447], %get3A_445 {add = true, strides = array<i32>} : memref<80x128xf32, #tpu.memory_space<vmem>>, vector<16xf32>,
        %get3A_449 = arith.index_cast %scan3A_441 : i32 to index
        %get3A_450 = arith.constant 16 : index
        %get3A_451 = tpu.vector_load %arg22[%get3A_449, %get3A_450] {strides = array<i32>} : memref<80x128xf32, #tpu.memory_space<vmem>>, vector<16xf32>,
        %swap3A_452 = arith.index_cast %scan3A_441 : i32 to index
        %swap3A_453 = arith.constant 16 : index
        %swap3A_454 = tpu.vector_load %arg21[%swap3A_452, %swap3A_453] {strides = array<i32>} : memref<80x128xf32, #tpu.memory_space<vmem>>, vector<16xf32>,
        tpu.vector_store %arg21[%swap3A_452, %swap3A_453], %get3A_451 {add = true, strides = array<i32>} : memref<80x128xf32, #tpu.memory_space<vmem>>, vector<16xf32>,
        %get3A_455 = arith.index_cast %scan3A_441 : i32 to index
        %get3A_456 = arith.constant 32 : index
        %get3A_457 = tpu.vector_load %arg22[%get3A_455, %get3A_456] {strides = array<i32>} : memref<80x128xf32, #tpu.memory_space<vmem>>, vector<16xf32>,
        %swap3A_458 = arith.index_cast %scan3A_441 : i32 to index
        %swap3A_459 = arith.constant 32 : index
        %swap3A_460 = tpu.vector_load %arg21[%swap3A_458, %swap3A_459] {strides = array<i32>} : memref<80x128xf32, #tpu.memory_space<vmem>>, vector<16xf32>,
        tpu.vector_store %arg21[%swap3A_458, %swap3A_459], %get3A_457 {add = true, strides = array<i32>} : memref<80x128xf32, #tpu.memory_space<vmem>>, vector<16xf32>,
        %get3A_461 = arith.index_cast %scan3A_441 : i32 to index
        %get3A_462 = arith.constant 48 : index
        %get3A_463 = tpu.vector_load %arg22[%get3A_461, %get3A_462] {strides = array<i32>} : memref<80x128xf32, #tpu.memory_space<vmem>>, vector<16xf32>,
        %swap3A_464 = arith.index_cast %scan3A_441 : i32 to index
        %swap3A_465 = arith.constant 48 : index
        %swap3A_466 = tpu.vector_load %arg21[%swap3A_464, %swap3A_465] {strides = array<i32>} : memref<80x128xf32, #tpu.memory_space<vmem>>, vector<16xf32>,
        tpu.vector_store %arg21[%swap3A_464, %swap3A_465], %get3A_463 {add = true, strides = array<i32>} : memref<80x128xf32, #tpu.memory_space<vmem>>, vector<16xf32>,
        %get3A_467 = arith.index_cast %scan3A_441 : i32 to index
        %get3A_468 = arith.constant 64 : index
        %get3A_469 = tpu.vector_load %arg22[%get3A_467, %get3A_468] {strides = array<i32>} : memref<80x128xf32, #tpu.memory_space<vmem>>, vector<16xf32>,
        %swap3A_470 = arith.index_cast %scan3A_441 : i32 to index
        %swap3A_471 = arith.constant 64 : index
        %swap3A_472 = tpu.vector_load %arg21[%swap3A_470, %swap3A_471] {strides = array<i32>} : memref<80x128xf32, #tpu.memory_space<vmem>>, vector<16xf32>,
        tpu.vector_store %arg21[%swap3A_470, %swap3A_471], %get3A_469 {add = true, strides = array<i32>} : memref<80x128xf32, #tpu.memory_space<vmem>>, vector<16xf32>,
        %get3A_473 = arith.index_cast %scan3A_441 : i32 to index
        %get3A_474 = arith.constant 80 : index
        %get3A_475 = tpu.vector_load %arg22[%get3A_473, %get3A_474] {strides = array<i32>} : memref<80x128xf32, #tpu.memory_space<vmem>>, vector<16xf32>,
        %swap3A_476 = arith.index_cast %scan3A_441 : i32 to index
        %swap3A_477 = arith.constant 80 : index
        %swap3A_478 = tpu.vector_load %arg21[%swap3A_476, %swap3A_477] {strides = array<i32>} : memref<80x128xf32, #tpu.memory_space<vmem>>, vector<16xf32>,
        tpu.vector_store %arg21[%swap3A_476, %swap3A_477], %get3A_475 {add = true, strides = array<i32>} : memref<80x128xf32, #tpu.memory_space<vmem>>, vector<16xf32>,
        %get3A_479 = arith.index_cast %scan3A_441 : i32 to index
        %get3A_480 = arith.constant 96 : index
        %get3A_481 = tpu.vector_load %arg22[%get3A_479, %get3A_480] {strides = array<i32>} : memref<80x128xf32, #tpu.memory_space<vmem>>, vector<16xf32>,
        %swap3A_482 = arith.index_cast %scan3A_441 : i32 to index
        %swap3A_483 = arith.constant 96 : index
        %swap3A_484 = tpu.vector_load %arg21[%swap3A_482, %swap3A_483] {strides = array<i32>} : memref<80x128xf32, #tpu.memory_space<vmem>>, vector<16xf32>,
        tpu.vector_store %arg21[%swap3A_482, %swap3A_483], %get3A_481 {add = true, strides = array<i32>} : memref<80x128xf32, #tpu.memory_space<vmem>>, vector<16xf32>,
        %get3A_485 = arith.index_cast %scan3A_441 : i32 to index
        %get3A_486 = arith.constant 112 : index
        %get3A_487 = tpu.vector_load %arg22[%get3A_485, %get3A_486] {strides = array<i32>} : memref<80x128xf32, #tpu.memory_space<vmem>>, vector<16xf32>,
        %swap3A_488 = arith.index_cast %scan3A_441 : i32 to index
        %swap3A_489 = arith.constant 112 : index
        %swap3A_490 = tpu.vector_load %arg21[%swap3A_488, %swap3A_489] {strides = array<i32>} : memref<80x128xf32, #tpu.memory_space<vmem>>, vector<16xf32>,
        tpu.vector_store %arg21[%swap3A_488, %swap3A_489], %get3A_487 {add = true, strides = array<i32>} : memref<80x128xf32, #tpu.memory_space<vmem>>, vector<16xf32>,
        %scan3A_491 = arith.constant 0 : i32
        scf.yield %scan3A_491 : i32
      }
      %scan3A_439 = arith.constant 80 : i32
      "tpu.region"() ({
        %run_scoped3A = tpu.sem_alloc : memref<!tpu.dma_semaphore, #tpu.memory_space<semaphore_mem>>
        %dma_start3A_441 = arith.constant 0 : i32
        %dma_start3A_442 = tpu.memref_slice %arg9[%add3A_311, %dma_start3A_441] : memref<320000x128xf32, #tpu.memory_space<hbm>> -> memref<80x128xf32, #tpu.memory_space<hbm>>
        %dma_start3A_443 = arith.constant 0 : i32
        %dma_start3A_444 = tpu.memref_slice %arg9[%add3A_311, %dma_start3A_443] : memref<320000x128xf32, #tpu.memory_space<hbm>> -> memref<80x128xf32, #tpu.memory_space<hbm>>
        tpu.enqueue_dma source(%arg21 : memref<80x128xf32, #tpu.memory_space<vmem>>) target(%dma_start3A_444 : memref<80x128xf32, #tpu.memory_space<hbm>>) target_semaphore(%run_scoped3A : memref<!tpu.dma_semaphore, #tpu.memory_space<semaphore_mem>>)
        %dma_wait3A_445 = arith.constant 0 : i32
        %dma_wait3A_446 = tpu.memref_slice %arg9[%add3A_311, %dma_wait3A_445] : memref<320000x128xf32, #tpu.memory_space<hbm>> -> memref<80x128xf32, #tpu.memory_space<hbm>>
        %dma_wait3A_447 = arith.constant 0 : i32
        %dma_wait3A_448 = tpu.memref_slice %arg9[%add3A_311, %dma_wait3A_447] : memref<320000x128xf32, #tpu.memory_space<hbm>> -> memref<80x128xf32, #tpu.memory_space<hbm>>
        tpu.wait_dma2 semaphore(%run_scoped3A : memref<!tpu.dma_semaphore, #tpu.memory_space<semaphore_mem>>) src(%arg21 : memref<80x128xf32, #tpu.memory_space<vmem>>) dst(%dma_wait3A_448 : memref<80x128xf32, #tpu.memory_space<hbm>>)
        tpu.yield
      }) : () -> ()
      "tpu.region"() ({
        %run_scoped3A = tpu.sem_alloc : memref<!tpu.dma_semaphore, #tpu.memory_space<semaphore_mem>>
        %dma_start3A_441 = tpu.memref_slice %arg10[%add3A_311] : memref<320000xf32, #tpu.memory_space<hbm>> -> memref<80xf32, #tpu.memory_space<hbm>>
        %dma_start3A_442 = tpu.memref_slice %arg10[%add3A_311] : memref<320000xf32, #tpu.memory_space<hbm>> -> memref<80xf32, #tpu.memory_space<hbm>>
        tpu.enqueue_dma source(%arg23 : memref<80xf32, #tpu.memory_space<vmem>>) target(%dma_start3A_442 : memref<80xf32, #tpu.memory_space<hbm>>) target_semaphore(%run_scoped3A : memref<!tpu.dma_semaphore, #tpu.memory_space<semaphore_mem>>)
        %dma_wait3A_443 = tpu.memref_slice %arg10[%add3A_311] : memref<320000xf32, #tpu.memory_space<hbm>> -> memref<80xf32, #tpu.memory_space<hbm>>
        %dma_wait3A_444 = tpu.memref_slice %arg10[%add3A_311] : memref<320000xf32, #tpu.memory_space<hbm>> -> memref<80xf32, #tpu.memory_space<hbm>>
        tpu.wait_dma2 semaphore(%run_scoped3A : memref<!tpu.dma_semaphore, #tpu.memory_space<semaphore_mem>>) src(%arg23 : memref<80xf32, #tpu.memory_space<vmem>>) dst(%dma_wait3A_444 : memref<80xf32, #tpu.memory_space<hbm>>)
        tpu.yield
      }) : () -> ()
      %scan3A_440 = arith.constant 0 : i32
      scf.yield %scan3A_440 : i32
    }
    %scan3A_15 = arith.constant 62 : i32
    %mul3A_16 = arith.constant 10000 : i32
    %mul3A_17 = arith.muli %add3A, %mul3A_16 : i32
    %add3A_18 = arith.constant 9920 : i32
    %add3A_19 = arith.addi %mul3A_17, %add3A_18 : i32
    %get3A = arith.constant 0 : index
    %get3A_20 = tpu.vector_load %arg14[%get3A] {strides = array<i32>} : memref<80xi32, #tpu.memory_space<vmem>>, vector<16xi32>,
    %get3A_21 = arith.constant 0 : index
    %get3A_22 = tpu.vector_load %arg15[%get3A_21] {strides = array<i32>} : memref<80xi32, #tpu.memory_space<vmem>>, vector<16xi32>,
    %broadcast_in_dim3A = arith.constant 0.000000e+00 : f32
    %broadcast_in_dim3A_23 = vector.broadcast %broadcast_in_dim3A : f32 to vector<16xf32>
    %gather3A = tpu.vector_load_idx %arg11[%get3A_20] : memref<10000xf32, #tpu.memory_space<vmem>>[vector<16xi32>], vector<16xf32>,
    %gather3A_24 = tpu.vector_load_idx %arg11[%get3A_22] : memref<10000xf32, #tpu.memory_space<vmem>>[vector<16xi32>], vector<16xf32>,
    %sub3A = arith.subf %gather3A, %gather3A_24 : vector<16xf32>
    %mul3A_25 = arith.mulf %sub3A, %sub3A : vector<16xf32>
    %add3A_26 = arith.addf %broadcast_in_dim3A_23, %mul3A_25 : vector<16xf32>
    %gather3A_27 = tpu.vector_load_idx %arg12[%get3A_20] : memref<10000xf32, #tpu.memory_space<vmem>>[vector<16xi32>], vector<16xf32>,
    %gather3A_28 = tpu.vector_load_idx %arg12[%get3A_22] : memref<10000xf32, #tpu.memory_space<vmem>>[vector<16xi32>], vector<16xf32>,
    %sub3A_29 = arith.subf %gather3A_27, %gather3A_28 : vector<16xf32>
    %mul3A_30 = arith.mulf %sub3A_29, %sub3A_29 : vector<16xf32>
    %add3A_31 = arith.addf %add3A_26, %mul3A_30 : vector<16xf32>
    %gather3A_32 = tpu.vector_load_idx %arg13[%get3A_20] : memref<10000xf32, #tpu.memory_space<vmem>>[vector<16xi32>], vector<16xf32>,
    %gather3A_33 = tpu.vector_load_idx %arg13[%get3A_22] : memref<10000xf32, #tpu.memory_space<vmem>>[vector<16xi32>], vector<16xf32>,
    %sub3A_34 = arith.subf %gather3A_32, %gather3A_33 : vector<16xf32>
    %mul3A_35 = arith.mulf %sub3A_34, %sub3A_34 : vector<16xf32>
    %add3A_36 = arith.addf %add3A_31, %mul3A_35 : vector<16xf32>
    %swap3A = arith.constant 0 : index
    %swap3A_37 = tpu.vector_load %arg18[%swap3A] {strides = array<i32>} : memref<80xf32, #tpu.memory_space<vmem>>, vector<16xf32>,
    tpu.vector_store %arg18[%swap3A], %add3A_36 {strides = array<i32>} : memref<80xf32, #tpu.memory_space<vmem>>, vector<16xf32>,
    %get3A_38 = arith.constant 16 : index
    %get3A_39 = tpu.vector_load %arg14[%get3A_38] {strides = array<i32>} : memref<80xi32, #tpu.memory_space<vmem>>, vector<16xi32>,
    %get3A_40 = arith.constant 16 : index
    %get3A_41 = tpu.vector_load %arg15[%get3A_40] {strides = array<i32>} : memref<80xi32, #tpu.memory_space<vmem>>, vector<16xi32>,
    %broadcast_in_dim3A_42 = arith.constant 0.000000e+00 : f32
    %broadcast_in_dim3A_43 = vector.broadcast %broadcast_in_dim3A_42 : f32 to vector<16xf32>
    %gather3A_44 = tpu.vector_load_idx %arg11[%get3A_39] : memref<10000xf32, #tpu.memory_space<vmem>>[vector<16xi32>], vector<16xf32>,
    %gather3A_45 = tpu.vector_load_idx %arg11[%get3A_41] : memref<10000xf32, #tpu.memory_space<vmem>>[vector<16xi32>], vector<16xf32>,
    %sub3A_46 = arith.subf %gather3A_44, %gather3A_45 : vector<16xf32>
    %mul3A_47 = arith.mulf %sub3A_46, %sub3A_46 : vector<16xf32>
    %add3A_48 = arith.addf %broadcast_in_dim3A_43, %mul3A_47 : vector<16xf32>
    %gather3A_49 = tpu.vector_load_idx %arg12[%get3A_39] : memref<10000xf32, #tpu.memory_space<vmem>>[vector<16xi32>], vector<16xf32>,
    %gather3A_50 = tpu.vector_load_idx %arg12[%get3A_41] : memref<10000xf32, #tpu.memory_space<vmem>>[vector<16xi32>], vector<16xf32>,
    %sub3A_51 = arith.subf %gather3A_49, %gather3A_50 : vector<16xf32>
    %mul3A_52 = arith.mulf %sub3A_51, %sub3A_51 : vector<16xf32>
    %add3A_53 = arith.addf %add3A_48, %mul3A_52 : vector<16xf32>
    %gather3A_54 = tpu.vector_load_idx %arg13[%get3A_39] : memref<10000xf32, #tpu.memory_space<vmem>>[vector<16xi32>], vector<16xf32>,
    %gather3A_55 = tpu.vector_load_idx %arg13[%get3A_41] : memref<10000xf32, #tpu.memory_space<vmem>>[vector<16xi32>], vector<16xf32>,
    %sub3A_56 = arith.subf %gather3A_54, %gather3A_55 : vector<16xf32>
    %mul3A_57 = arith.mulf %sub3A_56, %sub3A_56 : vector<16xf32>
    %add3A_58 = arith.addf %add3A_53, %mul3A_57 : vector<16xf32>
    %swap3A_59 = arith.constant 16 : index
    %swap3A_60 = tpu.vector_load %arg18[%swap3A_59] {strides = array<i32>} : memref<80xf32, #tpu.memory_space<vmem>>, vector<16xf32>,
    tpu.vector_store %arg18[%swap3A_59], %add3A_58 {strides = array<i32>} : memref<80xf32, #tpu.memory_space<vmem>>, vector<16xf32>,
    %get3A_61 = arith.constant 32 : index
    %get3A_62 = tpu.vector_load %arg14[%get3A_61] {strides = array<i32>} : memref<80xi32, #tpu.memory_space<vmem>>, vector<16xi32>,
    %get3A_63 = arith.constant 32 : index
    %get3A_64 = tpu.vector_load %arg15[%get3A_63] {strides = array<i32>} : memref<80xi32, #tpu.memory_space<vmem>>, vector<16xi32>,
    %broadcast_in_dim3A_65 = arith.constant 0.000000e+00 : f32
    %broadcast_in_dim3A_66 = vector.broadcast %broadcast_in_dim3A_65 : f32 to vector<16xf32>
    %gather3A_67 = tpu.vector_load_idx %arg11[%get3A_62] : memref<10000xf32, #tpu.memory_space<vmem>>[vector<16xi32>], vector<16xf32>,
    %gather3A_68 = tpu.vector_load_idx %arg11[%get3A_64] : memref<10000xf32, #tpu.memory_space<vmem>>[vector<16xi32>], vector<16xf32>,
    %sub3A_69 = arith.subf %gather3A_67, %gather3A_68 : vector<16xf32>
    %mul3A_70 = arith.mulf %sub3A_69, %sub3A_69 : vector<16xf32>
    %add3A_71 = arith.addf %broadcast_in_dim3A_66, %mul3A_70 : vector<16xf32>
    %gather3A_72 = tpu.vector_load_idx %arg12[%get3A_62] : memref<10000xf32, #tpu.memory_space<vmem>>[vector<16xi32>], vector<16xf32>,
    %gather3A_73 = tpu.vector_load_idx %arg12[%get3A_64] : memref<10000xf32, #tpu.memory_space<vmem>>[vector<16xi32>], vector<16xf32>,
    %sub3A_74 = arith.subf %gather3A_72, %gather3A_73 : vector<16xf32>
    %mul3A_75 = arith.mulf %sub3A_74, %sub3A_74 : vector<16xf32>
    %add3A_76 = arith.addf %add3A_71, %mul3A_75 : vector<16xf32>
    %gather3A_77 = tpu.vector_load_idx %arg13[%get3A_62] : memref<10000xf32, #tpu.memory_space<vmem>>[vector<16xi32>], vector<16xf32>,
    %gather3A_78 = tpu.vector_load_idx %arg13[%get3A_64] : memref<10000xf32, #tpu.memory_space<vmem>>[vector<16xi32>], vector<16xf32>,
    %sub3A_79 = arith.subf %gather3A_77, %gather3A_78 : vector<16xf32>
    %mul3A_80 = arith.mulf %sub3A_79, %sub3A_79 : vector<16xf32>
    %add3A_81 = arith.addf %add3A_76, %mul3A_80 : vector<16xf32>
    %swap3A_82 = arith.constant 32 : index
    %swap3A_83 = tpu.vector_load %arg18[%swap3A_82] {strides = array<i32>} : memref<80xf32, #tpu.memory_space<vmem>>, vector<16xf32>,
    tpu.vector_store %arg18[%swap3A_82], %add3A_81 {strides = array<i32>} : memref<80xf32, #tpu.memory_space<vmem>>, vector<16xf32>,
    %get3A_84 = arith.constant 48 : index
    %get3A_85 = tpu.vector_load %arg14[%get3A_84] {strides = array<i32>} : memref<80xi32, #tpu.memory_space<vmem>>, vector<16xi32>,
    %get3A_86 = arith.constant 48 : index
    %get3A_87 = tpu.vector_load %arg15[%get3A_86] {strides = array<i32>} : memref<80xi32, #tpu.memory_space<vmem>>, vector<16xi32>,
    %broadcast_in_dim3A_88 = arith.constant 0.000000e+00 : f32
    %broadcast_in_dim3A_89 = vector.broadcast %broadcast_in_dim3A_88 : f32 to vector<16xf32>
    %gather3A_90 = tpu.vector_load_idx %arg11[%get3A_85] : memref<10000xf32, #tpu.memory_space<vmem>>[vector<16xi32>], vector<16xf32>,
    %gather3A_91 = tpu.vector_load_idx %arg11[%get3A_87] : memref<10000xf32, #tpu.memory_space<vmem>>[vector<16xi32>], vector<16xf32>,
    %sub3A_92 = arith.subf %gather3A_90, %gather3A_91 : vector<16xf32>
    %mul3A_93 = arith.mulf %sub3A_92, %sub3A_92 : vector<16xf32>
    %add3A_94 = arith.addf %broadcast_in_dim3A_89, %mul3A_93 : vector<16xf32>
    %gather3A_95 = tpu.vector_load_idx %arg12[%get3A_85] : memref<10000xf32, #tpu.memory_space<vmem>>[vector<16xi32>], vector<16xf32>,
    %gather3A_96 = tpu.vector_load_idx %arg12[%get3A_87] : memref<10000xf32, #tpu.memory_space<vmem>>[vector<16xi32>], vector<16xf32>,
    %sub3A_97 = arith.subf %gather3A_95, %gather3A_96 : vector<16xf32>
    %mul3A_98 = arith.mulf %sub3A_97, %sub3A_97 : vector<16xf32>
    %add3A_99 = arith.addf %add3A_94, %mul3A_98 : vector<16xf32>
    %gather3A_100 = tpu.vector_load_idx %arg13[%get3A_85] : memref<10000xf32, #tpu.memory_space<vmem>>[vector<16xi32>], vector<16xf32>,
    %gather3A_101 = tpu.vector_load_idx %arg13[%get3A_87] : memref<10000xf32, #tpu.memory_space<vmem>>[vector<16xi32>], vector<16xf32>,
    %sub3A_102 = arith.subf %gather3A_100, %gather3A_101 : vector<16xf32>
    %mul3A_103 = arith.mulf %sub3A_102, %sub3A_102 : vector<16xf32>
    %add3A_104 = arith.addf %add3A_99, %mul3A_103 : vector<16xf32>
    %swap3A_105 = arith.constant 48 : index
    %swap3A_106 = tpu.vector_load %arg18[%swap3A_105] {strides = array<i32>} : memref<80xf32, #tpu.memory_space<vmem>>, vector<16xf32>,
    tpu.vector_store %arg18[%swap3A_105], %add3A_104 {strides = array<i32>} : memref<80xf32, #tpu.memory_space<vmem>>, vector<16xf32>,
    %get3A_107 = arith.constant 64 : index
    %get3A_108 = tpu.vector_load %arg14[%get3A_107] {strides = array<i32>} : memref<80xi32, #tpu.memory_space<vmem>>, vector<16xi32>,
    %get3A_109 = arith.constant 64 : index
    %get3A_110 = tpu.vector_load %arg15[%get3A_109] {strides = array<i32>} : memref<80xi32, #tpu.memory_space<vmem>>, vector<16xi32>,
    %broadcast_in_dim3A_111 = arith.constant 0.000000e+00 : f32
    %broadcast_in_dim3A_112 = vector.broadcast %broadcast_in_dim3A_111 : f32 to vector<16xf32>
    %gather3A_113 = tpu.vector_load_idx %arg11[%get3A_108] : memref<10000xf32, #tpu.memory_space<vmem>>[vector<16xi32>], vector<16xf32>,
    %gather3A_114 = tpu.vector_load_idx %arg11[%get3A_110] : memref<10000xf32, #tpu.memory_space<vmem>>[vector<16xi32>], vector<16xf32>,
    %sub3A_115 = arith.subf %gather3A_113, %gather3A_114 : vector<16xf32>
    %mul3A_116 = arith.mulf %sub3A_115, %sub3A_115 : vector<16xf32>
    %add3A_117 = arith.addf %broadcast_in_dim3A_112, %mul3A_116 : vector<16xf32>
    %gather3A_118 = tpu.vector_load_idx %arg12[%get3A_108] : memref<10000xf32, #tpu.memory_space<vmem>>[vector<16xi32>], vector<16xf32>,
    %gather3A_119 = tpu.vector_load_idx %arg12[%get3A_110] : memref<10000xf32, #tpu.memory_space<vmem>>[vector<16xi32>], vector<16xf32>,
    %sub3A_120 = arith.subf %gather3A_118, %gather3A_119 : vector<16xf32>
    %mul3A_121 = arith.mulf %sub3A_120, %sub3A_120 : vector<16xf32>
    %add3A_122 = arith.addf %add3A_117, %mul3A_121 : vector<16xf32>
    %gather3A_123 = tpu.vector_load_idx %arg13[%get3A_108] : memref<10000xf32, #tpu.memory_space<vmem>>[vector<16xi32>], vector<16xf32>,
    %gather3A_124 = tpu.vector_load_idx %arg13[%get3A_110] : memref<10000xf32, #tpu.memory_space<vmem>>[vector<16xi32>], vector<16xf32>,
    %sub3A_125 = arith.subf %gather3A_123, %gather3A_124 : vector<16xf32>
    %mul3A_126 = arith.mulf %sub3A_125, %sub3A_125 : vector<16xf32>
    %add3A_127 = arith.addf %add3A_122, %mul3A_126 : vector<16xf32>
    %swap3A_128 = arith.constant 64 : index
    %swap3A_129 = tpu.vector_load %arg18[%swap3A_128] {strides = array<i32>} : memref<80xf32, #tpu.memory_space<vmem>>, vector<16xf32>,
    tpu.vector_store %arg18[%swap3A_128], %add3A_127 {strides = array<i32>} : memref<80xf32, #tpu.memory_space<vmem>>, vector<16xf32>,
    %dma_wait3A = arith.constant 0 : i32
    %dma_wait3A_130 = arith.constant 0 : i32
    %dma_wait3A_131 = tpu.memref_slice %arg2[%dma_wait3A, %dma_wait3A_130] : memref<10000x128xf32, #tpu.memory_space<hbm>> -> memref<10000x128xf32, #tpu.memory_space<hbm>>
    tpu.wait_indirect_dma semaphore(%arg24 : memref<!tpu.dma_semaphore, #tpu.memory_space<semaphore_mem>>) src(%dma_wait3A_131 : memref<10000x128xf32, #tpu.memory_space<hbm>>) dst(%arg16 : memref<80x128xf32, #tpu.memory_space<vmem>>)
    %dma_wait3A_132 = arith.constant 0 : i32
    %dma_wait3A_133 = arith.constant 0 : i32
    %dma_wait3A_134 = tpu.memref_slice %arg3[%dma_wait3A_132, %dma_wait3A_133] : memref<10000x128xf32, #tpu.memory_space<hbm>> -> memref<10000x128xf32, #tpu.memory_space<hbm>>
    tpu.wait_indirect_dma semaphore(%arg24 : memref<!tpu.dma_semaphore, #tpu.memory_space<semaphore_mem>>) src(%dma_wait3A_134 : memref<10000x128xf32, #tpu.memory_space<hbm>>) dst(%arg17 : memref<80x128xf32, #tpu.memory_space<vmem>>)
    %scan3A_135 = arith.constant 0 : i32
    %scan3A_136 = arith.constant 0 : i32
    %scan3A_137 = arith.constant 80 : i32
    %scan3A_138 = arith.addi %scan3A_136, %scan3A_137 : i32
    %scan3A_139 = arith.constant 1 : i32
    %scan3A_140 = scf.for %scan3A_142 = %scan3A_136 to %scan3A_138 step %scan3A_139 iter_args(%scan3A_143 = %scan3A_135) -> (i32)  : i32 {
      %get3A_144 = arith.index_cast %scan3A_142 : i32 to index
      %get3A_145 = arith.constant 0 : index
      %get3A_146 = tpu.vector_load %arg17[%get3A_144, %get3A_145] {strides = array<i32>} : memref<80x128xf32, #tpu.memory_space<vmem>>, vector<16xf32>,
      %swap3A_147 = arith.index_cast %scan3A_142 : i32 to index
      %swap3A_148 = arith.constant 0 : index
      %swap3A_149 = tpu.vector_load %arg16[%swap3A_147, %swap3A_148] {strides = array<i32>} : memref<80x128xf32, #tpu.memory_space<vmem>>, vector<16xf32>,
      tpu.vector_store %arg16[%swap3A_147, %swap3A_148], %get3A_146 {add = true, strides = array<i32>} : memref<80x128xf32, #tpu.memory_space<vmem>>, vector<16xf32>,
      %get3A_150 = arith.index_cast %scan3A_142 : i32 to index
      %get3A_151 = arith.constant 16 : index
      %get3A_152 = tpu.vector_load %arg17[%get3A_150, %get3A_151] {strides = array<i32>} : memref<80x128xf32, #tpu.memory_space<vmem>>, vector<16xf32>,
      %swap3A_153 = arith.index_cast %scan3A_142 : i32 to index
      %swap3A_154 = arith.constant 16 : index
      %swap3A_155 = tpu.vector_load %arg16[%swap3A_153, %swap3A_154] {strides = array<i32>} : memref<80x128xf32, #tpu.memory_space<vmem>>, vector<16xf32>,
      tpu.vector_store %arg16[%swap3A_153, %swap3A_154], %get3A_152 {add = true, strides = array<i32>} : memref<80x128xf32, #tpu.memory_space<vmem>>, vector<16xf32>,
      %get3A_156 = arith.index_cast %scan3A_142 : i32 to index
      %get3A_157 = arith.constant 32 : index
      %get3A_158 = tpu.vector_load %arg17[%get3A_156, %get3A_157] {strides = array<i32>} : memref<80x128xf32, #tpu.memory_space<vmem>>, vector<16xf32>,
      %swap3A_159 = arith.index_cast %scan3A_142 : i32 to index
      %swap3A_160 = arith.constant 32 : index
      %swap3A_161 = tpu.vector_load %arg16[%swap3A_159, %swap3A_160] {strides = array<i32>} : memref<80x128xf32, #tpu.memory_space<vmem>>, vector<16xf32>,
      tpu.vector_store %arg16[%swap3A_159, %swap3A_160], %get3A_158 {add = true, strides = array<i32>} : memref<80x128xf32, #tpu.memory_space<vmem>>, vector<16xf32>,
      %get3A_162 = arith.index_cast %scan3A_142 : i32 to index
      %get3A_163 = arith.constant 48 : index
      %get3A_164 = tpu.vector_load %arg17[%get3A_162, %get3A_163] {strides = array<i32>} : memref<80x128xf32, #tpu.memory_space<vmem>>, vector<16xf32>,
      %swap3A_165 = arith.index_cast %scan3A_142 : i32 to index
      %swap3A_166 = arith.constant 48 : index
      %swap3A_167 = tpu.vector_load %arg16[%swap3A_165, %swap3A_166] {strides = array<i32>} : memref<80x128xf32, #tpu.memory_space<vmem>>, vector<16xf32>,
      tpu.vector_store %arg16[%swap3A_165, %swap3A_166], %get3A_164 {add = true, strides = array<i32>} : memref<80x128xf32, #tpu.memory_space<vmem>>, vector<16xf32>,
      %get3A_168 = arith.index_cast %scan3A_142 : i32 to index
      %get3A_169 = arith.constant 64 : index
      %get3A_170 = tpu.vector_load %arg17[%get3A_168, %get3A_169] {strides = array<i32>} : memref<80x128xf32, #tpu.memory_space<vmem>>, vector<16xf32>,
      %swap3A_171 = arith.index_cast %scan3A_142 : i32 to index
      %swap3A_172 = arith.constant 64 : index
      %swap3A_173 = tpu.vector_load %arg16[%swap3A_171, %swap3A_172] {strides = array<i32>} : memref<80x128xf32, #tpu.memory_space<vmem>>, vector<16xf32>,
      tpu.vector_store %arg16[%swap3A_171, %swap3A_172], %get3A_170 {add = true, strides = array<i32>} : memref<80x128xf32, #tpu.memory_space<vmem>>, vector<16xf32>,
      %get3A_174 = arith.index_cast %scan3A_142 : i32 to index
      %get3A_175 = arith.constant 80 : index
      %get3A_176 = tpu.vector_load %arg17[%get3A_174, %get3A_175] {strides = array<i32>} : memref<80x128xf32, #tpu.memory_space<vmem>>, vector<16xf32>,
      %swap3A_177 = arith.index_cast %scan3A_142 : i32 to index
      %swap3A_178 = arith.constant 80 : index
      %swap3A_179 = tpu.vector_load %arg16[%swap3A_177, %swap3A_178] {strides = array<i32>} : memref<80x128xf32, #tpu.memory_space<vmem>>, vector<16xf32>,
      tpu.vector_store %arg16[%swap3A_177, %swap3A_178], %get3A_176 {add = true, strides = array<i32>} : memref<80x128xf32, #tpu.memory_space<vmem>>, vector<16xf32>,
      %get3A_180 = arith.index_cast %scan3A_142 : i32 to index
      %get3A_181 = arith.constant 96 : index
      %get3A_182 = tpu.vector_load %arg17[%get3A_180, %get3A_181] {strides = array<i32>} : memref<80x128xf32, #tpu.memory_space<vmem>>, vector<16xf32>,
      %swap3A_183 = arith.index_cast %scan3A_142 : i32 to index
      %swap3A_184 = arith.constant 96 : index
      %swap3A_185 = tpu.vector_load %arg16[%swap3A_183, %swap3A_184] {strides = array<i32>} : memref<80x128xf32, #tpu.memory_space<vmem>>, vector<16xf32>,
      tpu.vector_store %arg16[%swap3A_183, %swap3A_184], %get3A_182 {add = true, strides = array<i32>} : memref<80x128xf32, #tpu.memory_space<vmem>>, vector<16xf32>,
      %get3A_186 = arith.index_cast %scan3A_142 : i32 to index
      %get3A_187 = arith.constant 112 : index
      %get3A_188 = tpu.vector_load %arg17[%get3A_186, %get3A_187] {strides = array<i32>} : memref<80x128xf32, #tpu.memory_space<vmem>>, vector<16xf32>,
      %swap3A_189 = arith.index_cast %scan3A_142 : i32 to index
      %swap3A_190 = arith.constant 112 : index
      %swap3A_191 = tpu.vector_load %arg16[%swap3A_189, %swap3A_190] {strides = array<i32>} : memref<80x128xf32, #tpu.memory_space<vmem>>, vector<16xf32>,
      tpu.vector_store %arg16[%swap3A_189, %swap3A_190], %get3A_188 {add = true, strides = array<i32>} : memref<80x128xf32, #tpu.memory_space<vmem>>, vector<16xf32>,
      %scan3A_192 = arith.constant 0 : i32
      scf.yield %scan3A_192 : i32
    }
    %scan3A_141 = arith.constant 80 : i32
    "tpu.region"() ({
      %run_scoped3A = tpu.sem_alloc : memref<!tpu.dma_semaphore, #tpu.memory_space<semaphore_mem>>
      %dma_start3A_142 = arith.constant 0 : i32
      %dma_start3A_143 = tpu.memref_slice %arg9[%add3A_19, %dma_start3A_142] : memref<320000x128xf32, #tpu.memory_space<hbm>> -> memref<80x128xf32, #tpu.memory_space<hbm>>
      %dma_start3A_144 = arith.constant 0 : i32
      %dma_start3A_145 = tpu.memref_slice %arg9[%add3A_19, %dma_start3A_144] : memref<320000x128xf32, #tpu.memory_space<hbm>> -> memref<80x128xf32, #tpu.memory_space<hbm>>
      tpu.enqueue_dma source(%arg16 : memref<80x128xf32, #tpu.memory_space<vmem>>) target(%dma_start3A_145 : memref<80x128xf32, #tpu.memory_space<hbm>>) target_semaphore(%run_scoped3A : memref<!tpu.dma_semaphore, #tpu.memory_space<semaphore_mem>>)
      %dma_wait3A_146 = arith.constant 0 : i32
      %dma_wait3A_147 = tpu.memref_slice %arg9[%add3A_19, %dma_wait3A_146] : memref<320000x128xf32, #tpu.memory_space<hbm>> -> memref<80x128xf32, #tpu.memory_space<hbm>>
      %dma_wait3A_148 = arith.constant 0 : i32
      %dma_wait3A_149 = tpu.memref_slice %arg9[%add3A_19, %dma_wait3A_148] : memref<320000x128xf32, #tpu.memory_space<hbm>> -> memref<80x128xf32, #tpu.memory_space<hbm>>
      tpu.wait_dma2 semaphore(%run_scoped3A : memref<!tpu.dma_semaphore, #tpu.memory_space<semaphore_mem>>) src(%arg16 : memref<80x128xf32, #tpu.memory_space<vmem>>) dst(%dma_wait3A_149 : memref<80x128xf32, #tpu.memory_space<hbm>>)
      tpu.yield
    }) : () -> ()
    "tpu.region"() ({
      %run_scoped3A = tpu.sem_alloc : memref<!tpu.dma_semaphore, #tpu.memory_space<semaphore_mem>>
      %dma_start3A_142 = tpu.memref_slice %arg10[%add3A_19] : memref<320000xf32, #tpu.memory_space<hbm>> -> memref<80xf32, #tpu.memory_space<hbm>>
      %dma_start3A_143 = tpu.memref_slice %arg10[%add3A_19] : memref<320000xf32, #tpu.memory_space<hbm>> -> memref<80xf32, #tpu.memory_space<hbm>>
      tpu.enqueue_dma source(%arg18 : memref<80xf32, #tpu.memory_space<vmem>>) target(%dma_start3A_143 : memref<80xf32, #tpu.memory_space<hbm>>) target_semaphore(%run_scoped3A : memref<!tpu.dma_semaphore, #tpu.memory_space<semaphore_mem>>)
      %dma_wait3A_144 = tpu.memref_slice %arg10[%add3A_19] : memref<320000xf32, #tpu.memory_space<hbm>> -> memref<80xf32, #tpu.memory_space<hbm>>
      %dma_wait3A_145 = tpu.memref_slice %arg10[%add3A_19] : memref<320000xf32, #tpu.memory_space<hbm>> -> memref<80xf32, #tpu.memory_space<hbm>>
      tpu.wait_dma2 semaphore(%run_scoped3A : memref<!tpu.dma_semaphore, #tpu.memory_space<semaphore_mem>>) src(%arg18 : memref<80xf32, #tpu.memory_space<vmem>>) dst(%dma_wait3A_145 : memref<80xf32, #tpu.memory_space<hbm>>)
      tpu.yield
    }) : () -> ()
    return
  }
}

module attributes {stable_mosaic.version = 14 : i64} {
  func.func @_prep_body(%arg0: i32, %arg1: memref<1000x128xf32, #tpu.memory_space<vmem>>, %arg2: memref<128x128xf32, #tpu.memory_space<vmem>>, %arg3: memref<128x128xf32, #tpu.memory_space<vmem>>, %arg4: memref<1x128xf32, #tpu.memory_space<vmem>>, %arg5: memref<1000x128xf32, #tpu.memory_space<vmem>>, %arg6: memref<1000x128xf32, #tpu.memory_space<vmem>>) attributes {dimension_semantics = [#tpu.dimension_semantics<arbitrary>], iteration_bounds = array<i64: 10>, scalar_prefetch = 0 : i64, scratch_operands = 0 : i64, tpu.core_type = #tpu.core_type<tc>, window_params = [{transform_indices = @transform_0, window_bounds = array<i64: 1000, 128>}, {pipeline_mode = #tpu.pipeline_mode<synchronous>, transform_indices = @transform_1, window_bounds = array<i64: 128, 128>}, {pipeline_mode = #tpu.pipeline_mode<synchronous>, transform_indices = @transform_2, window_bounds = array<i64: 128, 128>}, {pipeline_mode = #tpu.pipeline_mode<synchronous>, transform_indices = @transform_3, window_bounds = array<i64: 1, 128>}, {transform_indices = @transform_4, window_bounds = array<i64: 1000, 128>}, {transform_indices = @transform_5, window_bounds = array<i64: 1000, 128>}]} {
    %get3A = arith.constant 0 : index
    %get3A_0 = arith.constant 0 : index
    %get3A_1 = vector.load %arg1[%get3A, %get3A_0] : memref<1000x128xf32, #tpu.memory_space<vmem>>, vector<1000x128xf32>
    %get3A_2 = arith.constant 0 : index
    %get3A_3 = arith.constant 0 : index
    %get3A_4 = vector.load %arg2[%get3A_2, %get3A_3] : memref<128x128xf32, #tpu.memory_space<vmem>>, vector<128x128xf32>
    %dot_general3A = arith.constant dense<0.000000e+00> : vector<1000x128xf32>
    %dot_general3A_5 = tpu.matmul %get3A_1, %get3A_4, %dot_general3A {dimension_numbers = #tpu.dot_dimension_numbers<[1], [0], [0], [1], [0, 0, 1, 1], [], []>, transpose_lhs_hint = false} : vector<1000x128xf32>, vector<128x128xf32>, vector<1000x128xf32> -> vector<1000x128xf32>
    %get3A_6 = arith.constant 0 : index
    %get3A_7 = arith.constant 0 : index
    %get3A_8 = vector.load %arg4[%get3A_6, %get3A_7] : memref<1x128xf32, #tpu.memory_space<vmem>>, vector<1x128xf32>
    %add3A = vector.broadcast %get3A_8 : vector<1x128xf32> to vector<1000x128xf32>
    %add3A_9 = arith.addf %dot_general3A_5, %add3A : vector<1000x128xf32>
    %swap3A = arith.constant 0 : index
    %swap3A_10 = arith.constant 0 : index
    %swap3A_11 = vector.load %arg5[%swap3A, %swap3A_10] : memref<1000x128xf32, #tpu.memory_space<vmem>>, vector<1000x128xf32>
    tpu.vector_store %arg5[%swap3A, %swap3A_10], %add3A_9 {strides = array<i32>} : memref<1000x128xf32, #tpu.memory_space<vmem>>, vector<1000x128xf32>,
    %get3A_12 = arith.constant 0 : index
    %get3A_13 = arith.constant 0 : index
    %get3A_14 = vector.load %arg3[%get3A_12, %get3A_13] : memref<128x128xf32, #tpu.memory_space<vmem>>, vector<128x128xf32>
    %dot_general3A_15 = arith.constant dense<0.000000e+00> : vector<1000x128xf32>
    %dot_general3A_16 = tpu.matmul %get3A_1, %get3A_14, %dot_general3A_15 {dimension_numbers = #tpu.dot_dimension_numbers<[1], [0], [0], [1], [0, 0, 1, 1], [], []>, transpose_lhs_hint = false} : vector<1000x128xf32>, vector<128x128xf32>, vector<1000x128xf32> -> vector<1000x128xf32>
    %swap3A_17 = arith.constant 0 : index
    %swap3A_18 = arith.constant 0 : index
    %swap3A_19 = vector.load %arg6[%swap3A_17, %swap3A_18] : memref<1000x128xf32, #tpu.memory_space<vmem>>, vector<1000x128xf32>
    tpu.vector_store %arg6[%swap3A_17, %swap3A_18], %dot_general3A_16 {strides = array<i32>} : memref<1000x128xf32, #tpu.memory_space<vmem>>, vector<1000x128xf32>,
    return
  }
  func.func @transform_0(%arg0: i32) -> (i32, i32) {
    %c0_i32 = arith.constant 0 : i32
    %c0_i32_0 = arith.constant 0 : i32
    return %arg0, %c0_i32 : i32, i32
  }
  func.func @transform_1(%arg0: i32) -> (i32, i32) {
    %c0_i32 = arith.constant 0 : i32
    %c0_i32_0 = arith.constant 0 : i32
    %c0_i32_1 = arith.constant 0 : i32
    return %c0_i32, %c0_i32_0 : i32, i32
  }
  func.func @transform_2(%arg0: i32) -> (i32, i32) {
    %c0_i32 = arith.constant 0 : i32
    %c0_i32_0 = arith.constant 0 : i32
    %c0_i32_1 = arith.constant 0 : i32
    return %c0_i32, %c0_i32_0 : i32, i32
  }
  func.func @transform_3(%arg0: i32) -> (i32, i32) {
    %c0_i32 = arith.constant 0 : i32
    %c0_i32_0 = arith.constant 0 : i32
    %c0_i32_1 = arith.constant 0 : i32
    return %c0_i32, %c0_i32_0 : i32, i32
  }
  func.func @transform_4(%arg0: i32) -> (i32, i32) {
    %c0_i32 = arith.constant 0 : i32
    %c0_i32_0 = arith.constant 0 : i32
    return %arg0, %c0_i32 : i32, i32
  }
  func.func @transform_5(%arg0: i32) -> (i32, i32) {
    %c0_i32 = arith.constant 0 : i32
    %c0_i32_0 = arith.constant 0 : i32
    return %arg0, %c0_i32 : i32, i32
  }
}

module attributes {stable_mosaic.version = 14 : i64} {
  func.func @_edge_body(%arg0: i32, %arg1: memref<4000x128xf32, #tpu.memory_space<vmem>>, %arg2: memref<4000x1xf32, #tpu.memory_space<vmem>>, %arg3: memref<4000x16xf32, #tpu.memory_space<vmem>>, %arg4: memref<16x128xf32, #tpu.memory_space<vmem>>, %arg5: memref<3x128xf32, #tpu.memory_space<vmem>>, %arg6: memref<1x128xf32, #tpu.memory_space<vmem>>, %arg7: memref<1x128xf32, #tpu.memory_space<vmem>>, %arg8: memref<128x128xf32, #tpu.memory_space<vmem>>, %arg9: memref<1x128xf32, #tpu.memory_space<vmem>>, %arg10: memref<128x1xf32, #tpu.memory_space<vmem>>, %arg11: memref<1x1xf32, #tpu.memory_space<vmem>>, %arg12: memref<4000x128xf32, #tpu.memory_space<vmem>>) attributes {dimension_semantics = [#tpu.dimension_semantics<arbitrary>], iteration_bounds = array<i64: 80>, scalar_prefetch = 0 : i64, scratch_operands = 0 : i64, tpu.core_type = #tpu.core_type<tc>, window_params = [{transform_indices = @transform_0, window_bounds = array<i64: 4000, 128>}, {transform_indices = @transform_1, window_bounds = array<i64: 4000, 1>}, {transform_indices = @transform_2, window_bounds = array<i64: 4000, 16>}, {pipeline_mode = #tpu.pipeline_mode<synchronous>, transform_indices = @transform_3, window_bounds = array<i64: 16, 128>}, {pipeline_mode = #tpu.pipeline_mode<synchronous>, transform_indices = @transform_4, window_bounds = array<i64: 3, 128>}, {pipeline_mode = #tpu.pipeline_mode<synchronous>, transform_indices = @transform_5, window_bounds = array<i64: 1, 128>}, {pipeline_mode = #tpu.pipeline_mode<synchronous>, transform_indices = @transform_6, window_bounds = array<i64: 1, 128>}, {pipeline_mode = #tpu.pipeline_mode<synchronous>, transform_indices = @transform_7, window_bounds = array<i64: 128, 128>}, {pipeline_mode = #tpu.pipeline_mode<synchronous>, transform_indices = @transform_8, window_bounds = array<i64: 1, 128>}, {pipeline_mode = #tpu.pipeline_mode<synchronous>, transform_indices = @transform_9, window_bounds = array<i64: 128, 1>}, {pipeline_mode = #tpu.pipeline_mode<synchronous>, transform_indices = @transform_10, window_bounds = array<i64: 1, 1>}, {transform_indices = @transform_11, window_bounds = array<i64: 4000, 128>}]} {
    %get3A = arith.constant 0 : index
    %get3A_0 = arith.constant 0 : index
    %get3A_1 = vector.load %arg1[%get3A, %get3A_0] : memref<4000x128xf32, #tpu.memory_space<vmem>>, vector<4000x128xf32>
    %get3A_2 = arith.constant 0 : index
    %get3A_3 = arith.constant 0 : index
    %get3A_4 = vector.load %arg3[%get3A_2, %get3A_3] : memref<4000x16xf32, #tpu.memory_space<vmem>>, vector<4000x16xf32>
    %get3A_5 = arith.constant 0 : index
    %get3A_6 = arith.constant 0 : index
    %get3A_7 = vector.load %arg4[%get3A_5, %get3A_6] : memref<16x128xf32, #tpu.memory_space<vmem>>, vector<16x128xf32>
    %dot_general3A = arith.constant dense<0.000000e+00> : vector<4000x128xf32>
    %dot_general3A_8 = tpu.matmul %get3A_4, %get3A_7, %dot_general3A {dimension_numbers = #tpu.dot_dimension_numbers<[1], [0], [0], [1], [0, 0, 1, 1], [], []>, transpose_lhs_hint = false} : vector<4000x16xf32>, vector<16x128xf32>, vector<4000x128xf32> -> vector<4000x128xf32>
    %add3A = arith.addf %get3A_1, %dot_general3A_8 : vector<4000x128xf32>
    %get3A_9 = arith.constant 0 : index
    %get3A_10 = arith.constant 0 : index
    %get3A_11 = vector.load %arg2[%get3A_9, %get3A_10] : memref<4000x1xf32, #tpu.memory_space<vmem>>, vector<4000x1xf32>
    %add3A_12 = arith.constant 9.99999993E-9 : f32
    %add3A_13 = vector.broadcast %add3A_12 : f32 to vector<4000x1xf32>
    %add3A_14 = arith.addf %get3A_11, %add3A_13 : vector<4000x1xf32>
    %get3A_15 = arith.constant 0 : index
    %get3A_16 = arith.constant 0 : index
    %get3A_17 = vector.load %arg5[%get3A_15, %get3A_16] : memref<3x128xf32, #tpu.memory_space<vmem>>, vector<3x128xf32>
    %mul3A = arith.constant -5.000000e+01 : f32
    %mul3A_18 = vector.broadcast %mul3A : f32 to vector<4000x1xf32>
    %mul3A_19 = arith.mulf %add3A_14, %mul3A_18 : vector<4000x1xf32>
    %exp3A = math.exp %mul3A_19 : vector<4000x1xf32>
    %slice3A = vector.extract_strided_slice %get3A_17 {offsets = [0, 0], sizes = [1, 128], strides = [1, 1]} : vector<3x128xf32> to vector<1x128xf32>
    %mul3A_20 = vector.broadcast %exp3A : vector<4000x1xf32> to vector<4000x128xf32>
    %mul3A_21 = vector.broadcast %slice3A : vector<1x128xf32> to vector<4000x128xf32>
    %mul3A_22 = arith.mulf %mul3A_20, %mul3A_21 : vector<4000x128xf32>
    %add3A_23 = arith.addf %add3A, %mul3A_22 : vector<4000x128xf32>
    %mul3A_24 = arith.constant -2.000000e+00 : f32
    %mul3A_25 = vector.broadcast %mul3A_24 : f32 to vector<4000x1xf32>
    %mul3A_26 = arith.mulf %add3A_14, %mul3A_25 : vector<4000x1xf32>
    %exp3A_27 = math.exp %mul3A_26 : vector<4000x1xf32>
    %slice3A_28 = vector.extract_strided_slice %get3A_17 {offsets = [1, 0], sizes = [1, 128], strides = [1, 1]} : vector<3x128xf32> to vector<1x128xf32>
    %mul3A_29 = vector.broadcast %exp3A_27 : vector<4000x1xf32> to vector<4000x128xf32>
    %mul3A_30 = vector.broadcast %slice3A_28 : vector<1x128xf32> to vector<4000x128xf32>
    %mul3A_31 = arith.mulf %mul3A_29, %mul3A_30 : vector<4000x128xf32>
    %add3A_32 = arith.addf %add3A_23, %mul3A_31 : vector<4000x128xf32>
    %mul3A_33 = arith.constant -5.000000e-01 : f32
    %mul3A_34 = vector.broadcast %mul3A_33 : f32 to vector<4000x1xf32>
    %mul3A_35 = arith.mulf %add3A_14, %mul3A_34 : vector<4000x1xf32>
    %exp3A_36 = math.exp %mul3A_35 : vector<4000x1xf32>
    %slice3A_37 = vector.extract_strided_slice %get3A_17 {offsets = [2, 0], sizes = [1, 128], strides = [1, 1]} : vector<3x128xf32> to vector<1x128xf32>
    %mul3A_38 = vector.broadcast %exp3A_36 : vector<4000x1xf32> to vector<4000x128xf32>
    %mul3A_39 = vector.broadcast %slice3A_37 : vector<1x128xf32> to vector<4000x128xf32>
    %mul3A_40 = arith.mulf %mul3A_38, %mul3A_39 : vector<4000x128xf32>
    %add3A_41 = arith.addf %add3A_32, %mul3A_40 : vector<4000x128xf32>
    %logistic3A = arith.negf %add3A_41 : vector<4000x128xf32>
    %logistic3A_42 = math.exp %logistic3A : vector<4000x128xf32>
    %logistic3A_43 = arith.constant 1.000000e+00 : f32
    %logistic3A_44 = vector.broadcast %logistic3A_43 : f32 to vector<4000x128xf32>
    %logistic3A_45 = arith.addf %logistic3A_44, %logistic3A_42 : vector<4000x128xf32>
    %logistic3A_46 = arith.divf %logistic3A_44, %logistic3A_45 : vector<4000x128xf32>
    %mul3A_47 = arith.mulf %add3A_41, %logistic3A_46 : vector<4000x128xf32>
    %reduce_sum3A = arith.constant dense<0.000000e+00> : vector<4000xf32>
    %reduce_sum3A_48 = vector.multi_reduction <add>, %mul3A_47, %reduce_sum3A [1] : vector<4000x128xf32> to vector<4000xf32>
    %broadcast_in_dim3A = vector.shape_cast %reduce_sum3A_48 : vector<4000xf32> to vector<4000x1xf32>
    %div3A = arith.constant 1.280000e+02 : f32
    %div3A_49 = vector.broadcast %div3A : f32 to vector<4000x1xf32>
    %div3A_50 = arith.divf %broadcast_in_dim3A, %div3A_49 : vector<4000x1xf32>
    %sub3A = vector.broadcast %div3A_50 : vector<4000x1xf32> to vector<4000x128xf32>
    %sub3A_51 = arith.subf %mul3A_47, %sub3A : vector<4000x128xf32>
    %integer_pow3A = arith.mulf %sub3A_51, %sub3A_51 : vector<4000x128xf32>
    %reduce_sum3A_52 = arith.constant dense<0.000000e+00> : vector<4000xf32>
    %reduce_sum3A_53 = vector.multi_reduction <add>, %integer_pow3A, %reduce_sum3A_52 [1] : vector<4000x128xf32> to vector<4000xf32>
    %broadcast_in_dim3A_54 = vector.shape_cast %reduce_sum3A_53 : vector<4000xf32> to vector<4000x1xf32>
    %div3A_55 = arith.constant 1.280000e+02 : f32
    %div3A_56 = vector.broadcast %div3A_55 : f32 to vector<4000x1xf32>
    %div3A_57 = arith.divf %broadcast_in_dim3A_54, %div3A_56 : vector<4000x1xf32>
    %sub3A_58 = vector.broadcast %div3A_50 : vector<4000x1xf32> to vector<4000x128xf32>
    %sub3A_59 = arith.subf %mul3A_47, %sub3A_58 : vector<4000x128xf32>
    %add3A_60 = arith.constant 9.99999974E-6 : f32
    %add3A_61 = vector.broadcast %add3A_60 : f32 to vector<4000x1xf32>
    %add3A_62 = arith.addf %div3A_57, %add3A_61 : vector<4000x1xf32>
    %rsqrt3A = math.rsqrt %add3A_62 : vector<4000x1xf32>
    %mul3A_63 = vector.broadcast %rsqrt3A : vector<4000x1xf32> to vector<4000x128xf32>
    %mul3A_64 = arith.mulf %sub3A_59, %mul3A_63 : vector<4000x128xf32>
    %get3A_65 = arith.constant 0 : index
    %get3A_66 = arith.constant 0 : index
    %get3A_67 = vector.load %arg6[%get3A_65, %get3A_66] : memref<1x128xf32, #tpu.memory_space<vmem>>, vector<1x128xf32>
    %mul3A_68 = vector.broadcast %get3A_67 : vector<1x128xf32> to vector<4000x128xf32>
    %mul3A_69 = arith.mulf %mul3A_64, %mul3A_68 : vector<4000x128xf32>
    %get3A_70 = arith.constant 0 : index
    %get3A_71 = arith.constant 0 : index
    %get3A_72 = vector.load %arg7[%get3A_70, %get3A_71] : memref<1x128xf32, #tpu.memory_space<vmem>>, vector<1x128xf32>
    %add3A_73 = vector.broadcast %get3A_72 : vector<1x128xf32> to vector<4000x128xf32>
    %add3A_74 = arith.addf %mul3A_69, %add3A_73 : vector<4000x128xf32>
    %convert_element_type3A = arith.truncf %add3A_74 : vector<4000x128xf32> to vector<4000x128xbf16>
    %get3A_75 = arith.constant 0 : index
    %get3A_76 = arith.constant 0 : index
    %get3A_77 = vector.load %arg8[%get3A_75, %get3A_76] : memref<128x128xf32, #tpu.memory_space<vmem>>, vector<128x128xf32>
    %convert_element_type3A_78 = arith.truncf %get3A_77 : vector<128x128xf32> to vector<128x128xbf16>
    %dot_general3A_79 = arith.constant dense<0.000000e+00> : vector<4000x128xf32>
    %dot_general3A_80 = tpu.matmul %convert_element_type3A, %convert_element_type3A_78, %dot_general3A_79 {dimension_numbers = #tpu.dot_dimension_numbers<[1], [0], [0], [1], [0, 0, 1, 1], [], []>, transpose_lhs_hint = false} : vector<4000x128xbf16>, vector<128x128xbf16>, vector<4000x128xf32> -> vector<4000x128xf32>
    %get3A_81 = arith.constant 0 : index
    %get3A_82 = arith.constant 0 : index
    %get3A_83 = vector.load %arg9[%get3A_81, %get3A_82] : memref<1x128xf32, #tpu.memory_space<vmem>>, vector<1x128xf32>
    %add3A_84 = vector.broadcast %get3A_83 : vector<1x128xf32> to vector<4000x128xf32>
    %add3A_85 = arith.addf %dot_general3A_80, %add3A_84 : vector<4000x128xf32>
    %get3A_86 = arith.constant 0 : index
    %get3A_87 = arith.constant 0 : index
    %get3A_88 = vector.load %arg10[%get3A_86, %get3A_87] : memref<128x1xf32, #tpu.memory_space<vmem>>, vector<128x1xf32>
    %dot_general3A_89 = arith.constant dense<0.000000e+00> : vector<4000x1xf32>
    %dot_general3A_90 = tpu.matmul %add3A_85, %get3A_88, %dot_general3A_89 {dimension_numbers = #tpu.dot_dimension_numbers<[1], [0], [0], [1], [0, 0, 1, 1], [], []>, transpose_lhs_hint = false} : vector<4000x128xf32>, vector<128x1xf32>, vector<4000x1xf32> -> vector<4000x1xf32>
    %get3A_91 = arith.constant 0 : index
    %get3A_92 = arith.constant 0 : index
    %get3A_93 = vector.load %arg11[%get3A_91, %get3A_92] : memref<1x1xf32, #tpu.memory_space<vmem>>, vector<1x1xf32>
    %add3A_94 = vector.broadcast %get3A_93 : vector<1x1xf32> to vector<4000x1xf32>
    %add3A_95 = arith.addf %dot_general3A_90, %add3A_94 : vector<4000x1xf32>
    %logistic3A_96 = arith.negf %add3A_95 : vector<4000x1xf32>
    %logistic3A_97 = math.exp %logistic3A_96 : vector<4000x1xf32>
    %logistic3A_98 = arith.constant 1.000000e+00 : f32
    %logistic3A_99 = vector.broadcast %logistic3A_98 : f32 to vector<4000x1xf32>
    %logistic3A_100 = arith.addf %logistic3A_99, %logistic3A_97 : vector<4000x1xf32>
    %logistic3A_101 = arith.divf %logistic3A_99, %logistic3A_100 : vector<4000x1xf32>
    %mul3A_102 = vector.broadcast %logistic3A_101 : vector<4000x1xf32> to vector<4000x128xf32>
    %mul3A_103 = arith.mulf %add3A_85, %mul3A_102 : vector<4000x128xf32>
    %swap3A = arith.constant 0 : index
    %swap3A_104 = arith.constant 0 : index
    %swap3A_105 = vector.load %arg12[%swap3A, %swap3A_104] : memref<4000x128xf32, #tpu.memory_space<vmem>>, vector<4000x128xf32>
    tpu.vector_store %arg12[%swap3A, %swap3A_104], %mul3A_103 {strides = array<i32>} : memref<4000x128xf32, #tpu.memory_space<vmem>>, vector<4000x128xf32>,
    return
  }
  func.func @transform_0(%arg0: i32) -> (i32, i32) {
    %c0_i32 = arith.constant 0 : i32
    %c0_i32_0 = arith.constant 0 : i32
    return %arg0, %c0_i32 : i32, i32
  }
  func.func @transform_1(%arg0: i32) -> (i32, i32) {
    %c0_i32 = arith.constant 0 : i32
    %c0_i32_0 = arith.constant 0 : i32
    return %arg0, %c0_i32 : i32, i32
  }
  func.func @transform_2(%arg0: i32) -> (i32, i32) {
    %c0_i32 = arith.constant 0 : i32
    %c0_i32_0 = arith.constant 0 : i32
    return %arg0, %c0_i32 : i32, i32
  }
  func.func @transform_3(%arg0: i32) -> (i32, i32) {
    %c0_i32 = arith.constant 0 : i32
    %c0_i32_0 = arith.constant 0 : i32
    %c0_i32_1 = arith.constant 0 : i32
    return %c0_i32, %c0_i32_0 : i32, i32
  }
  func.func @transform_4(%arg0: i32) -> (i32, i32) {
    %c0_i32 = arith.constant 0 : i32
    %c0_i32_0 = arith.constant 0 : i32
    %c0_i32_1 = arith.constant 0 : i32
    return %c0_i32, %c0_i32_0 : i32, i32
  }
  func.func @transform_5(%arg0: i32) -> (i32, i32) {
    %c0_i32 = arith.constant 0 : i32
    %c0_i32_0 = arith.constant 0 : i32
    %c0_i32_1 = arith.constant 0 : i32
    return %c0_i32, %c0_i32_0 : i32, i32
  }
  func.func @transform_6(%arg0: i32) -> (i32, i32) {
    %c0_i32 = arith.constant 0 : i32
    %c0_i32_0 = arith.constant 0 : i32
    %c0_i32_1 = arith.constant 0 : i32
    return %c0_i32, %c0_i32_0 : i32, i32
  }
  func.func @transform_7(%arg0: i32) -> (i32, i32) {
    %c0_i32 = arith.constant 0 : i32
    %c0_i32_0 = arith.constant 0 : i32
    %c0_i32_1 = arith.constant 0 : i32
    return %c0_i32, %c0_i32_0 : i32, i32
  }
  func.func @transform_8(%arg0: i32) -> (i32, i32) {
    %c0_i32 = arith.constant 0 : i32
    %c0_i32_0 = arith.constant 0 : i32
    %c0_i32_1 = arith.constant 0 : i32
    return %c0_i32, %c0_i32_0 : i32, i32
  }
  func.func @transform_9(%arg0: i32) -> (i32, i32) {
    %c0_i32 = arith.constant 0 : i32
    %c0_i32_0 = arith.constant 0 : i32
    %c0_i32_1 = arith.constant 0 : i32
    return %c0_i32, %c0_i32_0 : i32, i32
  }
  func.func @transform_10(%arg0: i32) -> (i32, i32) {
    %c0_i32 = arith.constant 0 : i32
    %c0_i32_0 = arith.constant 0 : i32
    %c0_i32_1 = arith.constant 0 : i32
    return %c0_i32, %c0_i32_0 : i32, i32
  }
  func.func @transform_11(%arg0: i32) -> (i32, i32) {
    %c0_i32 = arith.constant 0 : i32
    %c0_i32_0 = arith.constant 0 : i32
    return %arg0, %c0_i32 : i32, i32
  }
}

module attributes {stable_mosaic.version = 14 : i64} {
  func.func @_node_body(%arg0: i32, %arg1: memref<1024x128xf32, #tpu.memory_space<vmem>>, %arg2: memref<2x1024x128xf32, #tpu.memory_space<vmem>>, %arg3: memref<32x1024xi32, #tpu.memory_space<vmem>>, %arg4: memref<128x128xf32, #tpu.memory_space<vmem>>, %arg5: memref<128x128xf32, #tpu.memory_space<vmem>>, %arg6: memref<1x128xf32, #tpu.memory_space<vmem>>, %arg7: memref<1x128xf32, #tpu.memory_space<vmem>>, %arg8: memref<1x128xf32, #tpu.memory_space<vmem>>, %arg9: memref<128x128xf32, #tpu.memory_space<vmem>>, %arg10: memref<1x128xf32, #tpu.memory_space<vmem>>, %arg11: memref<1x128xf32, #tpu.memory_space<vmem>>, %arg12: memref<1x128xf32, #tpu.memory_space<vmem>>, %arg13: memref<1024x128xf32, #tpu.memory_space<vmem>>) attributes {dimension_semantics = [#tpu.dimension_semantics<arbitrary>], iteration_bounds = array<i64: 10>, scalar_prefetch = 0 : i64, scratch_operands = 0 : i64, tpu.core_type = #tpu.core_type<tc>, window_params = [{transform_indices = @transform_0, window_bounds = array<i64: 1024, 128>}, {transform_indices = @transform_1, window_bounds = array<i64: 2, 1024, 128>}, {transform_indices = @transform_2, window_bounds = array<i64: 32, 1024>}, {pipeline_mode = #tpu.pipeline_mode<synchronous>, transform_indices = @transform_3, window_bounds = array<i64: 128, 128>}, {pipeline_mode = #tpu.pipeline_mode<synchronous>, transform_indices = @transform_4, window_bounds = array<i64: 128, 128>}, {pipeline_mode = #tpu.pipeline_mode<synchronous>, transform_indices = @transform_5, window_bounds = array<i64: 1, 128>}, {pipeline_mode = #tpu.pipeline_mode<synchronous>, transform_indices = @transform_6, window_bounds = array<i64: 1, 128>}, {pipeline_mode = #tpu.pipeline_mode<synchronous>, transform_indices = @transform_7, window_bounds = array<i64: 1, 128>}, {pipeline_mode = #tpu.pipeline_mode<synchronous>, transform_indices = @transform_8, window_bounds = array<i64: 128, 128>}, {pipeline_mode = #tpu.pipeline_mode<synchronous>, transform_indices = @transform_9, window_bounds = array<i64: 1, 128>}, {pipeline_mode = #tpu.pipeline_mode<synchronous>, transform_indices = @transform_10, window_bounds = array<i64: 1, 128>}, {pipeline_mode = #tpu.pipeline_mode<synchronous>, transform_indices = @transform_11, window_bounds = array<i64: 1, 128>}, {transform_indices = @transform_12, window_bounds = array<i64: 1024, 128>}]} {
    %get3A = arith.constant 0 : index
    %get3A_0 = arith.constant 0 : index
    %get3A_1 = vector.load %arg1[%get3A, %get3A_0] : memref<1024x128xf32, #tpu.memory_space<vmem>>, vector<1024x128xf32>
    %get3A_2 = arith.constant 0 : index
    %get3A_3 = arith.constant 0 : index
    %get3A_4 = arith.constant 0 : index
    %get3A_5 = vector.load %arg2[%get3A_2, %get3A_3, %get3A_4] : memref<2x1024x128xf32, #tpu.memory_space<vmem>>, vector<1x1024x128xf32>
    %get3A_6 = vector.shape_cast %get3A_5 : vector<1x1024x128xf32> to vector<1024x128xf32>
    %get3A_7 = arith.constant 1 : index
    %get3A_8 = arith.constant 0 : index
    %get3A_9 = arith.constant 0 : index
    %get3A_10 = vector.load %arg2[%get3A_7, %get3A_8, %get3A_9] : memref<2x1024x128xf32, #tpu.memory_space<vmem>>, vector<1x1024x128xf32>
    %get3A_11 = vector.shape_cast %get3A_10 : vector<1x1024x128xf32> to vector<1024x128xf32>
    %add3A = arith.addf %get3A_6, %get3A_11 : vector<1024x128xf32>
    %get3A_12 = arith.constant 0 : index
    %get3A_13 = arith.constant 0 : index
    %get3A_14 = vector.load %arg3[%get3A_12, %get3A_13] : memref<32x1024xi32, #tpu.memory_space<vmem>>, vector<32x1024xi32>
    %reduce_sum3A = arith.constant dense<0> : vector<1024xi32>
    %reduce_sum3A_15 = vector.multi_reduction <add>, %get3A_14, %reduce_sum3A [0] : vector<32x1024xi32> to vector<1024xi32>
    %convert_element_type3A = arith.sitofp %reduce_sum3A_15 : vector<1024xi32> to vector<1024xf32>
    %broadcast_in_dim3A = vector.shape_cast %convert_element_type3A : vector<1024xf32> to vector<1024x1xf32>
    %max3A = arith.constant 1.000000e+00 : f32
    %max3A_16 = vector.broadcast %max3A : f32 to vector<1024x1xf32>
    %max3A_17 = arith.maximumf %broadcast_in_dim3A, %max3A_16 : vector<1024x1xf32>
    %div3A = vector.broadcast %max3A_17 : vector<1024x1xf32> to vector<1024x128xf32>
    %div3A_18 = arith.divf %add3A, %div3A : vector<1024x128xf32>
    %get3A_19 = arith.constant 0 : index
    %get3A_20 = arith.constant 0 : index
    %get3A_21 = vector.load %arg4[%get3A_19, %get3A_20] : memref<128x128xf32, #tpu.memory_space<vmem>>, vector<128x128xf32>
    %dot_general3A = arith.constant dense<0.000000e+00> : vector<1024x128xf32>
    %dot_general3A_22 = tpu.matmul %get3A_1, %get3A_21, %dot_general3A {dimension_numbers = #tpu.dot_dimension_numbers<[1], [0], [0], [1], [0, 0, 1, 1], [], []>, transpose_lhs_hint = false} : vector<1024x128xf32>, vector<128x128xf32>, vector<1024x128xf32> -> vector<1024x128xf32>
    %get3A_23 = arith.constant 0 : index
    %get3A_24 = arith.constant 0 : index
    %get3A_25 = vector.load %arg5[%get3A_23, %get3A_24] : memref<128x128xf32, #tpu.memory_space<vmem>>, vector<128x128xf32>
    %dot_general3A_26 = arith.constant dense<0.000000e+00> : vector<1024x128xf32>
    %dot_general3A_27 = tpu.matmul %div3A_18, %get3A_25, %dot_general3A_26 {dimension_numbers = #tpu.dot_dimension_numbers<[1], [0], [0], [1], [0, 0, 1, 1], [], []>, transpose_lhs_hint = false} : vector<1024x128xf32>, vector<128x128xf32>, vector<1024x128xf32> -> vector<1024x128xf32>
    %add3A_28 = arith.addf %dot_general3A_22, %dot_general3A_27 : vector<1024x128xf32>
    %get3A_29 = arith.constant 0 : index
    %get3A_30 = arith.constant 0 : index
    %get3A_31 = vector.load %arg6[%get3A_29, %get3A_30] : memref<1x128xf32, #tpu.memory_space<vmem>>, vector<1x128xf32>
    %add3A_32 = vector.broadcast %get3A_31 : vector<1x128xf32> to vector<1024x128xf32>
    %add3A_33 = arith.addf %add3A_28, %add3A_32 : vector<1024x128xf32>
    %logistic3A = arith.negf %add3A_33 : vector<1024x128xf32>
    %logistic3A_34 = math.exp %logistic3A : vector<1024x128xf32>
    %logistic3A_35 = arith.constant 1.000000e+00 : f32
    %logistic3A_36 = vector.broadcast %logistic3A_35 : f32 to vector<1024x128xf32>
    %logistic3A_37 = arith.addf %logistic3A_36, %logistic3A_34 : vector<1024x128xf32>
    %logistic3A_38 = arith.divf %logistic3A_36, %logistic3A_37 : vector<1024x128xf32>
    %mul3A = arith.mulf %add3A_33, %logistic3A_38 : vector<1024x128xf32>
    %reduce_sum3A_39 = arith.constant dense<0.000000e+00> : vector<1024xf32>
    %reduce_sum3A_40 = vector.multi_reduction <add>, %mul3A, %reduce_sum3A_39 [1] : vector<1024x128xf32> to vector<1024xf32>
    %broadcast_in_dim3A_41 = vector.shape_cast %reduce_sum3A_40 : vector<1024xf32> to vector<1024x1xf32>
    %div3A_42 = arith.constant 1.280000e+02 : f32
    %div3A_43 = vector.broadcast %div3A_42 : f32 to vector<1024x1xf32>
    %div3A_44 = arith.divf %broadcast_in_dim3A_41, %div3A_43 : vector<1024x1xf32>
    %sub3A = vector.broadcast %div3A_44 : vector<1024x1xf32> to vector<1024x128xf32>
    %sub3A_45 = arith.subf %mul3A, %sub3A : vector<1024x128xf32>
    %integer_pow3A = arith.mulf %sub3A_45, %sub3A_45 : vector<1024x128xf32>
    %reduce_sum3A_46 = arith.constant dense<0.000000e+00> : vector<1024xf32>
    %reduce_sum3A_47 = vector.multi_reduction <add>, %integer_pow3A, %reduce_sum3A_46 [1] : vector<1024x128xf32> to vector<1024xf32>
    %broadcast_in_dim3A_48 = vector.shape_cast %reduce_sum3A_47 : vector<1024xf32> to vector<1024x1xf32>
    %div3A_49 = arith.constant 1.280000e+02 : f32
    %div3A_50 = vector.broadcast %div3A_49 : f32 to vector<1024x1xf32>
    %div3A_51 = arith.divf %broadcast_in_dim3A_48, %div3A_50 : vector<1024x1xf32>
    %sub3A_52 = vector.broadcast %div3A_44 : vector<1024x1xf32> to vector<1024x128xf32>
    %sub3A_53 = arith.subf %mul3A, %sub3A_52 : vector<1024x128xf32>
    %add3A_54 = arith.constant 9.99999974E-6 : f32
    %add3A_55 = vector.broadcast %add3A_54 : f32 to vector<1024x1xf32>
    %add3A_56 = arith.addf %div3A_51, %add3A_55 : vector<1024x1xf32>
    %rsqrt3A = math.rsqrt %add3A_56 : vector<1024x1xf32>
    %mul3A_57 = vector.broadcast %rsqrt3A : vector<1024x1xf32> to vector<1024x128xf32>
    %mul3A_58 = arith.mulf %sub3A_53, %mul3A_57 : vector<1024x128xf32>
    %get3A_59 = arith.constant 0 : index
    %get3A_60 = arith.constant 0 : index
    %get3A_61 = vector.load %arg7[%get3A_59, %get3A_60] : memref<1x128xf32, #tpu.memory_space<vmem>>, vector<1x128xf32>
    %mul3A_62 = vector.broadcast %get3A_61 : vector<1x128xf32> to vector<1024x128xf32>
    %mul3A_63 = arith.mulf %mul3A_58, %mul3A_62 : vector<1024x128xf32>
    %get3A_64 = arith.constant 0 : index
    %get3A_65 = arith.constant 0 : index
    %get3A_66 = vector.load %arg8[%get3A_64, %get3A_65] : memref<1x128xf32, #tpu.memory_space<vmem>>, vector<1x128xf32>
    %add3A_67 = vector.broadcast %get3A_66 : vector<1x128xf32> to vector<1024x128xf32>
    %add3A_68 = arith.addf %mul3A_63, %add3A_67 : vector<1024x128xf32>
    %get3A_69 = arith.constant 0 : index
    %get3A_70 = arith.constant 0 : index
    %get3A_71 = vector.load %arg9[%get3A_69, %get3A_70] : memref<128x128xf32, #tpu.memory_space<vmem>>, vector<128x128xf32>
    %dot_general3A_72 = arith.constant dense<0.000000e+00> : vector<1024x128xf32>
    %dot_general3A_73 = tpu.matmul %add3A_68, %get3A_71, %dot_general3A_72 {dimension_numbers = #tpu.dot_dimension_numbers<[1], [0], [0], [1], [0, 0, 1, 1], [], []>, transpose_lhs_hint = false} : vector<1024x128xf32>, vector<128x128xf32>, vector<1024x128xf32> -> vector<1024x128xf32>
    %get3A_74 = arith.constant 0 : index
    %get3A_75 = arith.constant 0 : index
    %get3A_76 = vector.load %arg10[%get3A_74, %get3A_75] : memref<1x128xf32, #tpu.memory_space<vmem>>, vector<1x128xf32>
    %add3A_77 = vector.broadcast %get3A_76 : vector<1x128xf32> to vector<1024x128xf32>
    %add3A_78 = arith.addf %dot_general3A_73, %add3A_77 : vector<1024x128xf32>
    %reduce_sum3A_79 = arith.constant dense<0.000000e+00> : vector<1024xf32>
    %reduce_sum3A_80 = vector.multi_reduction <add>, %add3A_78, %reduce_sum3A_79 [1] : vector<1024x128xf32> to vector<1024xf32>
    %broadcast_in_dim3A_81 = vector.shape_cast %reduce_sum3A_80 : vector<1024xf32> to vector<1024x1xf32>
    %div3A_82 = arith.constant 1.280000e+02 : f32
    %div3A_83 = vector.broadcast %div3A_82 : f32 to vector<1024x1xf32>
    %div3A_84 = arith.divf %broadcast_in_dim3A_81, %div3A_83 : vector<1024x1xf32>
    %sub3A_85 = vector.broadcast %div3A_84 : vector<1024x1xf32> to vector<1024x128xf32>
    %sub3A_86 = arith.subf %add3A_78, %sub3A_85 : vector<1024x128xf32>
    %integer_pow3A_87 = arith.mulf %sub3A_86, %sub3A_86 : vector<1024x128xf32>
    %reduce_sum3A_88 = arith.constant dense<0.000000e+00> : vector<1024xf32>
    %reduce_sum3A_89 = vector.multi_reduction <add>, %integer_pow3A_87, %reduce_sum3A_88 [1] : vector<1024x128xf32> to vector<1024xf32>
    %broadcast_in_dim3A_90 = vector.shape_cast %reduce_sum3A_89 : vector<1024xf32> to vector<1024x1xf32>
    %div3A_91 = arith.constant 1.280000e+02 : f32
    %div3A_92 = vector.broadcast %div3A_91 : f32 to vector<1024x1xf32>
    %div3A_93 = arith.divf %broadcast_in_dim3A_90, %div3A_92 : vector<1024x1xf32>
    %sub3A_94 = vector.broadcast %div3A_84 : vector<1024x1xf32> to vector<1024x128xf32>
    %sub3A_95 = arith.subf %add3A_78, %sub3A_94 : vector<1024x128xf32>
    %add3A_96 = arith.constant 9.99999974E-6 : f32
    %add3A_97 = vector.broadcast %add3A_96 : f32 to vector<1024x1xf32>
    %add3A_98 = arith.addf %div3A_93, %add3A_97 : vector<1024x1xf32>
    %rsqrt3A_99 = math.rsqrt %add3A_98 : vector<1024x1xf32>
    %mul3A_100 = vector.broadcast %rsqrt3A_99 : vector<1024x1xf32> to vector<1024x128xf32>
    %mul3A_101 = arith.mulf %sub3A_95, %mul3A_100 : vector<1024x128xf32>
    %get3A_102 = arith.constant 0 : index
    %get3A_103 = arith.constant 0 : index
    %get3A_104 = vector.load %arg11[%get3A_102, %get3A_103] : memref<1x128xf32, #tpu.memory_space<vmem>>, vector<1x128xf32>
    %mul3A_105 = vector.broadcast %get3A_104 : vector<1x128xf32> to vector<1024x128xf32>
    %mul3A_106 = arith.mulf %mul3A_101, %mul3A_105 : vector<1024x128xf32>
    %get3A_107 = arith.constant 0 : index
    %get3A_108 = arith.constant 0 : index
    %get3A_109 = vector.load %arg12[%get3A_107, %get3A_108] : memref<1x128xf32, #tpu.memory_space<vmem>>, vector<1x128xf32>
    %add3A_110 = vector.broadcast %get3A_109 : vector<1x128xf32> to vector<1024x128xf32>
    %add3A_111 = arith.addf %mul3A_106, %add3A_110 : vector<1024x128xf32>
    %add3A_112 = arith.addf %get3A_1, %add3A_111 : vector<1024x128xf32>
    %swap3A = arith.constant 0 : index
    %swap3A_113 = arith.constant 0 : index
    %swap3A_114 = vector.load %arg13[%swap3A, %swap3A_113] : memref<1024x128xf32, #tpu.memory_space<vmem>>, vector<1024x128xf32>
    tpu.vector_store %arg13[%swap3A, %swap3A_113], %add3A_112 {strides = array<i32>} : memref<1024x128xf32, #tpu.memory_space<vmem>>, vector<1024x128xf32>,
    return
  }
  func.func @transform_0(%arg0: i32) -> (i32, i32) {
    %c0_i32 = arith.constant 0 : i32
    %c0_i32_0 = arith.constant 0 : i32
    return %arg0, %c0_i32 : i32, i32
  }
  func.func @transform_1(%arg0: i32) -> (i32, i32, i32) {
    %c0_i32 = arith.constant 0 : i32
    %c0_i32_0 = arith.constant 0 : i32
    %c0_i32_1 = arith.constant 0 : i32
    return %c0_i32, %arg0, %c0_i32_0 : i32, i32, i32
  }
  func.func @transform_2(%arg0: i32) -> (i32, i32) {
    %c0_i32 = arith.constant 0 : i32
    %c0_i32_0 = arith.constant 0 : i32
    return %c0_i32, %arg0 : i32, i32
  }
  func.func @transform_3(%arg0: i32) -> (i32, i32) {
    %c0_i32 = arith.constant 0 : i32
    %c0_i32_0 = arith.constant 0 : i32
    %c0_i32_1 = arith.constant 0 : i32
    return %c0_i32, %c0_i32_0 : i32, i32
  }
  func.func @transform_4(%arg0: i32) -> (i32, i32) {
    %c0_i32 = arith.constant 0 : i32
    %c0_i32_0 = arith.constant 0 : i32
    %c0_i32_1 = arith.constant 0 : i32
    return %c0_i32, %c0_i32_0 : i32, i32
  }
  func.func @transform_5(%arg0: i32) -> (i32, i32) {
    %c0_i32 = arith.constant 0 : i32
    %c0_i32_0 = arith.constant 0 : i32
    %c0_i32_1 = arith.constant 0 : i32
    return %c0_i32, %c0_i32_0 : i32, i32
  }
  func.func @transform_6(%arg0: i32) -> (i32, i32) {
    %c0_i32 = arith.constant 0 : i32
    %c0_i32_0 = arith.constant 0 : i32
    %c0_i32_1 = arith.constant 0 : i32
    return %c0_i32, %c0_i32_0 : i32, i32
  }
  func.func @transform_7(%arg0: i32) -> (i32, i32) {
    %c0_i32 = arith.constant 0 : i32
    %c0_i32_0 = arith.constant 0 : i32
    %c0_i32_1 = arith.constant 0 : i32
    return %c0_i32, %c0_i32_0 : i32, i32
  }
  func.func @transform_8(%arg0: i32) -> (i32, i32) {
    %c0_i32 = arith.constant 0 : i32
    %c0_i32_0 = arith.constant 0 : i32
    %c0_i32_1 = arith.constant 0 : i32
    return %c0_i32, %c0_i32_0 : i32, i32
  }
  func.func @transform_9(%arg0: i32) -> (i32, i32) {
    %c0_i32 = arith.constant 0 : i32
    %c0_i32_0 = arith.constant 0 : i32
    %c0_i32_1 = arith.constant 0 : i32
    return %c0_i32, %c0_i32_0 : i32, i32
  }
  func.func @transform_10(%arg0: i32) -> (i32, i32) {
    %c0_i32 = arith.constant 0 : i32
    %c0_i32_0 = arith.constant 0 : i32
    %c0_i32_1 = arith.constant 0 : i32
    return %c0_i32, %c0_i32_0 : i32, i32
  }
  func.func @transform_11(%arg0: i32) -> (i32, i32) {
    %c0_i32 = arith.constant 0 : i32
    %c0_i32_0 = arith.constant 0 : i32
    %c0_i32_1 = arith.constant 0 : i32
    return %c0_i32, %c0_i32_0 : i32, i32
  }
  func.func @transform_12(%arg0: i32) -> (i32, i32) {
    %c0_i32 = arith.constant 0 : i32
    %c0_i32_0 = arith.constant 0 : i32
    return %arg0, %c0_i32 : i32, i32
  }
}

</mosaic_0001>

<sc_bundles>
// kernel: kernel.10.cloned.1.call-start
scs
__scs_entry_jumppad:
0x0: {  	(pc) =	sbr.rel $0x88, $3  }
0x1: {  	(tag) =	ssettag $0x0;
	lr =	simm.s32 $0x1  }
0x2: {  	[smem:$0x3F8D] =	sst lr;
	_ =	strace $0xD0000000  }
0x3: {  	_ = 	snop  }
0x4: {  	_ = 	snop  }
0x5: {  	_ = 	snop  }
0x6: {  	_ = 	snop  }
0x7: {  	_ = 	snop  }
__scs_overlays_trampoline_lowered:
0x8: {  	[smem:$0x3F9C] =	sst s0  }
0x9: {  	[smem:$0x3F9D] =	sst s1  }
0xa: {  	[smem:$0x3F9E] =	sst s2  }
0xb: {  	[smem:$0x3F9F] =	sst s3  }
0xc: {  	[smem:$0x3FA0] =	sst s4  }
0xd: {  	[smem:$0x3FA1] =	sst s5  }
0xe: {  	[smem:$0x3FA2] =	sst s6  }
0xf: {  	[smem:$0x3FA3] =	sst s7  }
0x10: {  	[smem:$0x3FA4] =	sst s8  }
0x11: {  	[smem:$0x3FA5] =	sst s9;
	s0 =	simm.s32 @!p0 $0x0  }
0x12: {  	s1 =	sld [smem:$0x3F8B];
	s0 =	simm.s32 @p0 $0x1  }
0x13: {  	[smem:$0x3FA6] =	sst s0;
	s0 =	simm.s32 @!p1 $0x0  }
0x14: {  	s2 =	sld [smem:$0x3F8A];
	s0 =	simm.s32 @p1 $0x1  }
0x15: {  	[smem:$0x3FA7] =	sst s0;
	s0 =	simm.s32 @!p2 $0x0  }
0x16: {  	s3 =	sld [smem:$0x3FDB];
	s0 =	simm.s32 @p2 $0x1  }
0x17: {  	s4 =	simm.s32 $0x1BF5;
	[smem:$0x3FA9] =	sst s0  }
0x18: {  	s0 =	sld [smem:$0x3F8C];
	_ =	swait.ge [sflag:s4], $0x0  }
0x19: {  	s7 =	sld [smem:$0x3F8D]  }
0x1a: {  	s8 =	sadd.s32 $0xFFFFE003, lr  }
0x1b: {  	s9 =	sadd.s32 $0xFFFFFEF7, lr;
	s5 =	simm.s32 $0xFFFFFFFF;
	p2 =	slt.u32 s8, $0xFFFFF086  }
0x1c: {  	p1 =	slt.u32 s9, $0xF7A;
	s5 =	simm.s32 @!p2 $0x0  }
0x1d: {  	s5 =	simm.s32 @p1 $0x1;
	p0 =	seq.s32 s7, s2  }
0x1e: {  	s7 =	smul.u32 @!p0 $0xF7A, s2;
	p2 =	seq.s32 @!p0 s5, $0x0  }
0x1f: {  	s9 =	smul.u32 $0xF7A, s1;
	s8 =	simm.s32 @!p0 $0x1BF5;
	p2 =	por !p2, p0  }
0x20: {  	[sflag:s8] =	ssyncset.s32 @!p0 $0xFFFFF086;
	s6 =	sadd.s32 @!p0 s3, s7;
	s7 =	simm.s32 @!p0 $0x108  }
0x21: {  	s3 =	sadd.s32 s3, s9;
	s6 =	sadd.s32 @!p0 $0x88, s6;
	s7 =	simm.s32 @p2 $0x1082  }
0x22: {  	[simem:s7], [sflag:s8] =	dma.local @!p0 [hbm:s6], $0xF7A  }
0x23: {  	s9 =	sor.u32 $0xD0000000, s2;
	s6 =	simm.s32 $0x108;
	_ =	swait.ge @!p0 [sflag:s8], $0x0  }
0x24: {  	s3 =	sadd.s32 $0x88, s3;
	s6 =	simm.s32 @!p1 $0x1082;
	[sflag:s4] =	ssyncset.s32 $0xFFFFF086  }
0x25: {  	[simem:s6], [sflag:s4] =	dma.local [hbm:s3], $0xF7A  }
0x26: {  	[smem:$0x3F8D] =	sst s1;
	(tag) =	ssettag s2;
	_ =	strace s9  }
0x27: {  	s1 =	sld [smem:$0x3F9D]  }
0x28: {  	s2 =	sld [smem:$0x3F9E]  }
0x29: {  	s4 =	sld [smem:$0x3FA0]  }
0x2a: {  	p0 =	seq.s32 s5, $0x0;
	s5 =	sld [smem:$0x3FA1]  }
0x2b: {  	s6 =	sld [smem:$0x3FA2]  }
0x2c: {  	s7 =	sld [smem:$0x3FA3]  }
0x2d: {  	s3 =	simm.s32 $0x108;
	s8 =	sld [smem:$0x3FA4]  }
0x2e: {  	s3 =	simm.s32 @!p0 $0x1082;
	s9 =	sld [smem:$0x3FA5]  }
0x2f: {  	lr =	sadd.s32 s0, s3;
	s0 =	sld [smem:$0x3F9C]  }
0x30: {  	s3 =	sld [smem:$0x3F9F]  }
0x31: {  	[smem:$0x3FA8] =	sst s10  }
0x32: {  	s10 =	sld [smem:$0x3FA6];
	_ =	sdelay $0x3  }
0x33: {  	p0 =	seq.s32 s10, $0x1;
	s10 =	sld [smem:$0x3FA8];
	_ =	sdelay $0x3  }
0x34: {  	[smem:$0x3FA8] =	sst s10  }
0x35: {  	s10 =	sld [smem:$0x3FA7];
	_ =	sdelay $0x3  }
0x36: {  	p1 =	seq.s32 s10, $0x1;
	s10 =	sld [smem:$0x3FA8];
	_ =	sdelay $0x3  }
0x37: {  	[smem:$0x3FA8] =	sst s10  }
0x38: {  	s10 =	sld [smem:$0x3FA9]  }
0x39: {  	_ = 	snop;
	(pc) =	sbr.ind lr, $3  }
0x3a: {  	_ = 	snop  }
0x3b: {  	_ = 	snop  }
0x3c: {  	p2 =	seq.s32 s10, $0x1;
	s10 =	sld [smem:$0x3FA8]  }
0x3d: {  	_ =	shalt  }
0x3e: {  	_ =	shalt  }
0x3f: {  	_ =	shalt  }
0x40: {  	_ =	shalt  }
0x41: {  	_ =	shalt  }
0x42: {  	_ =	shalt  }
0x43: {  	_ =	shalt  }
0x44: {  	_ =	shalt  }
0x45: {  	_ =	shalt  }
0x46: {  	_ =	shalt  }
0x47: {  	_ =	shalt  }
0x48: {  	_ =	shalt  }
0x49: {  	_ =	shalt  }
0x4a: {  	_ =	shalt  }
0x4b: {  	_ =	shalt  }
0x4c: {  	_ =	shalt  }
0x4d: {  	_ =	shalt  }
0x4e: {  	_ =	shalt  }
0x4f: {  	_ =	shalt  }
0x50: {  	_ =	shalt  }
0x51: {  	_ =	shalt  }
0x52: {  	_ =	shalt  }
0x53: {  	_ =	shalt  }
0x54: {  	_ =	shalt  }
0x55: {  	_ =	shalt  }
0x56: {  	_ =	shalt  }
0x57: {  	_ =	shalt  }
0x58: {  	_ =	shalt  }
0x59: {  	_ =	shalt  }
0x5a: {  	_ =	shalt  }
0x5b: {  	_ =	shalt  }
0x5c: {  	_ =	shalt  }
0x5d: {  	_ =	shalt  }
0x5e: {  	_ =	shalt  }
0x5f: {  	_ =	shalt  }
0x60: {  	_ =	shalt  }
0x61: {  	_ =	shalt  }
0x62: {  	_ =	shalt  }
0x63: {  	_ =	shalt  }
0x64: {  	_ =	shalt  }
0x65: {  	_ =	shalt  }
0x66: {  	_ =	shalt  }
0x67: {  	_ =	shalt  }
0x68: {  	_ =	shalt  }
0x69: {  	_ =	shalt  }
0x6a: {  	_ =	shalt  }
0x6b: {  	_ =	shalt  }
0x6c: {  	_ =	shalt  }
0x6d: {  	_ =	shalt  }
0x6e: {  	_ =	shalt  }
0x6f: {  	_ =	shalt  }
0x70: {  	_ =	shalt  }
0x71: {  	_ =	shalt  }
0x72: {  	_ =	shalt  }
0x73: {  	_ =	shalt  }
0x74: {  	_ =	shalt  }
0x75: {  	_ =	shalt  }
0x76: {  	_ =	shalt  }
0x77: {  	_ =	shalt  }
0x78: {  	_ =	shalt  }
0x79: {  	_ =	shalt  }
0x7a: {  	_ =	shalt  }
0x7b: {  	_ =	shalt  }
0x7c: {  	_ =	shalt  }
0x7d: {  	_ =	shalt  }
0x7e: {  	_ =	shalt  }
0x7f: {  	_ =	shalt  }
0x80: {  	_ =	shalt  }
0x81: {  	_ =	shalt  }
0x82: {  	_ =	shalt  }
0x83: {  	_ =	shalt  }
0x84: {  	_ =	shalt  }
0x85: {  	_ =	shalt  }
0x86: {  	_ =	shalt  }
0x87: {  	_ =	shalt  }
.Lfunc_end0:
.L_simem_size_0:
called_computation.1_lowered:
.L_overlay_start_0:
0x88: {  	s2 =	sld [smem:$0x3FD9]  }
0x89: {  	s3 =	sld [smem:$0x3FFE];
	_ =	sdelay $0x1  }
0x8a: {  	s1 =	srdreg.scid  }
0x8b: {  	s0 =	sand.u32 $0x1, s1  }
0x8c: {  	s17 =	sshll.u32 s0, $0xA;
	s2 =	sadd.s32 s3, s2  }
0x8d: {  	s2 =	sadd.s32 s2, s17  }
0x8e: {  	[smem:$0x3FB4] =	sst s2  }
0x8f: {  	_ = 	snop  }
0x90: {  	s2 =	sld [smem:$0x3FD0];
	(tm) =	ssettm $0x1  }
0x91: {  	s18 =	sld [smem:$0x3FFB];
	_ =	sdelay $0x3  }
0x92: {  	_ =	strace s18  }
0x93: {  	s3 =	sld [smem:$0x3FFC];
	_ =	sdelay $0x3  }
0x94: {  	_ =	strace s3  }
0x95: {  	s3 =	sld [smem:$0x3FFD];
	_ =	sdelay $0x3  }
0x96: {  	_ =	strace s3  }
0x97: {  	_ =	strace $0x8FFFFFFF  }
0x98: {  	s19 =	sld [smem:$0x3FDB];
	_ =	sdelay $0x1  }
0x99: {  	s4 =	simm.s32 $_scs_section_size  }
0x9a: {  	s5 =	simm.s32 $_size__tile_overlayer_lowered;
	s6 =	simm.s32 $_tile_overlayer_lowered  }
0x9b: {  	s22 =	simm.s32 $0x1BFF;
	s21 =	sshll.u32 s6, $0x1;
	s3 =	sadd.s32 s4, s19  }
0x9c: {  	s7 =	simm.s32 $0x0;
	s20 =	sshll.u32 s5, $0x1;
	s5 =	sadd.s32 s21, s3  }
0x9d: {  	[timem:s7], [sflag:s22] =	dma.local [hbm:s5], s20  }
0x9e: {  	_ =	swait.ge [sflag:s22], s20  }
0x9f: {  	s4 =	ssub.s32 $0x0, s20;
	[sflag:s22] =	ssyncset.done $0x0  }
0xa0: {  	[sflag:s22] =	ssyncadd.s32 s4;
	_ =	sdelay $0x1  }
0xa1: {  	s23 =	simm.s32 $0x1B8B  }
0xa2: {  	_ =	swait.ge [sflag:s23], $0x1  }
0xa3: {  	[sflag:s23] =	ssyncset.done $0x0  }
0xa4: {  	s25 =	simm.s32 $0x1B8E;
	s24 =	sld [smem:$0x3FFE];
	[sflag:s23] =	ssyncadd.s32 $0xFFFFFFFF  }
0xa5: {  	s26 =	simm.s32 $execute0_lowered;
	[smem:$0x3FD2] =	sst s25  }
0xa6: {  	s5 =	sshll.u32 s26, $0x1;
	_ =	strace $0x80000049;
	[dreg:$0x1] =	wrdreg $0xFFFFFFFF  }
0xa7: {  	s28 =	simm.s32 $_size_execute0_lowered;
	s3 =	sadd.s32 s3, s5;
	[dreg:$0x0] =	wrdreg $0x0  }
0xa8: {  	s5 =	sshll.u32 s28, $0x1;
	[dreg:$0x2] =	wrdreg s3  }
0xa9: {  	[dreg:$0x3] =	wrdreg s5  }
0xaa: {  	[dreg:$0x4] =	wrdreg $0xC0  }
0xab: {  	_ =	task [dreg:s7], $0x5FFFF  }
0xac: {  	[dreg:$0x1] =	wrdreg $0xFFFFFFFF  }
0xad: {  	[dreg:$0x0] =	wrdreg $0x60  }
0xae: {  	[dreg:$0x2] =	wrdreg s24  }
0xaf: {  	[dreg:$0x3] =	wrdreg s2  }
0xb0: {  	[dreg:$0x4] =	wrdreg $0x79000  }
0xb1: {  	[dreg:$0x5] =	wrdreg $0x9  }
0xb2: {  	_ =	task.clear_ibuf [dreg:s7], $0x6FFFF;
	_ =	strace $0x90000049  }
0xb3: {  	s29 =	simm.s32 $0x9;
	_ =	strace $0x8000004B  }
0xb4: {  	_ =	swait.ge [sflag:s29], $0x1  }
0xb5: {  	[sflag:s29] =	ssyncadd.s32 $0xFFFFFFFF  }
0xb6: {  	_ =	strace $0x9000004B  }
0xb7: {  	_ =	sfence  }
0xb8: {  	s30 =	sld [smem:$0x0];
	_ =	sdelay $0x2  }
0xb9: {  	s31 =	sshll.u32 s1, $0xD;
	s1 =	sshrl.u32 s1, $0x2  }
0xba: {  	s3 =	sand.u32 $0x4000, s31;
	s1 =	sadd.s32 s1, s30  }
0xbb: {  	s0 =	sor.u32 s3, s0;
	s1 =	sshll.u32 s1, $0x11  }
0xbc: {  	s0 =	sor.u32 s1, s0  }
0xbd: {  	s0 =	sadd.s32 $0x8F2B, s0  }
0xbe: {  	[sflag:s0] =	ssyncadd.remote.s32 $0x1  }
0xbf: {  	_ =	sfence.sel $0xFFFF  }
0xc0: {  	[dreg:$0x0] =	wrdreg $0xFFFFFFFF;
	(pc) =	sbr.abs _section_cstart, $3  }
0xc1: {  	[dreg:$0x1] =	wrdreg $0xFFFFFFFF  }
0xc2: {  	_ =	task.clear_ibuf [dreg:s7], $0x2FFFF;
	_ =	strace $0x9FFFFFFF  }
0xc3: {  	(tm) =	ssettm $0x7FFFFFFF  }
tec
execute0_lowered:
.L_overlay_start_1:
0x0: {  	(tag) =	ssettag $0x1  }
0x1: {  	s0 =	rddreg [dreg:$0x0];
	s14 =	stileid.u32  }
0x2: {  	s2 =	rddreg [dreg:$0x1];
	s8 =	smul.u32 $0x280, s14  }
0x3: {  	s3 =	srdreg.scid;
	s15 =	smul.u32 $0x50000, s14  }
0x4: {  	s1 =	rddreg [dreg:$0x2];
	s29 =	simm.s32 $0x3;
	s17 =	smul.u32 $0x4E200, s14  }
0x5: {  	s30 =	simm.s32 $0x2800;
	s4 =	sand.u32 $0x1, s3;
	s24 =	smul.u32 $0x4E20, s14  }
0x6: {  	s31 =	simm.s32 $0x5080;
	s9 =	sshrl.u32 s14, $0x2;
	s5 =	smul.u32 $0x28000, s4  }
0x7: {  	s3 =	simm.s32 $0x0;
	s6 =	sadd.s32 $0xEEFC00, s0;
	s9 =	smul.u32 $0x14000, s9  }
0x8: {  	s7 =	sshll.u32 s14, $0x1;
	[smem:$0x7FF] =	sst s3;
	s18 =	smul.u32 $0x27100, s4  }
0x9: {  	s7 =	sor.u32 s4, s7;
	s10 =	ssub.s32 $0x2, s4;
	s4 =	smul.u32 $0x2710, s4  }
0xa: {  	s11 =	sshll.u32 s7, $0x7;
	s12 =	sshrl.u32 s10, $0x1;
	s13 =	smul.u32 $0x27100, s7  }
0xb: {  	s7 =	smul.u32 $0x2710, s7;
	s19 =	sadd.s32 $0xA0, s8;
	s20 =	sadd.s32 $0xF0, s8  }
0xc: {  	s21 =	sadd.s32 $0x140, s8;
	s22 =	sadd.s32 $0x190, s8;
	s23 =	sadd.s32 $0x1E0, s8  }
0xd: {  	s5 =	sadd.s32 s5, s0;
	s11 =	sand.u32 $0x380, s11;
	s10 =	ssub.s32 s10, s12  }
0xe: {  	s26 =	sshll.u32 s20, $0x4;
	s4 =	sadd.s32 s4, s24;
	s20 =	sshll.u32 s20, $0x7  }
0xf: {  	s9 =	sor.u32 s9, s11;
	s16 =	sadd.s32 s6, s13;
	s6 =	sadd.s32 s17, s6  }
0x10: {  	s17 =	sshll.u32 s21, $0x4;
	s13 =	sshll.u32 s23, $0x4;
	s21 =	sshll.u32 s21, $0x7  }
0x11: {  	s20 =	sadd.s32 s20, s1;
	[dreg:$0x4] =	wrdreg s16;
	s9 =	sshrl.u32 s9, $0x3  }
0x12: {  	s16 =	sshll.u32 s19, $0x4;
	s6 =	sadd.s32 s18, s6;
	s18 =	sshll.u32 s22, $0x4  }
0x13: {  	s19 =	sshll.u32 s19, $0x7;
	s21 =	sadd.s32 s21, s1;
	s22 =	sshll.u32 s22, $0x7  }
0x14: {  	s2 =	sadd.s32 s2, s9;
	s9 =	sor.u32 $0x50, s8;
	s8 =	sadd.s32 $0x230, s8  }
0x15: {  	s19 =	sadd.s32 s19, s1;
	s22 =	sadd.s32 s22, s1;
	[dreg:$0x5] =	wrdreg s2  }
0x16: {  	s2 =	sadd.s32 $0x17800, s5;
	s5 =	smul.u32 $0x2800, s14;
	s25 =	sshll.u32 s9, $0x4  }
0x17: {  	s14 =	sshll.u32 s8, $0x4;
	s24 =	sadd.s32 s25, s2;
	s25 =	sadd.s32 s16, s2  }
0x18: {  	s26 =	sadd.s32 s26, s2;
	s11 =	sadd.s32 s17, s2;
	[dreg:$0x7] =	wrdreg s24  }
0x19: {  	s12 =	sadd.s32 s18, s2;
	s16 =	sshrl.u32 s7, $0x3;
	[dreg:$0x8] =	wrdreg s25  }
0x1a: {  	s17 =	sshrl.u32 s15, $0x2;
	s18 =	sshll.u32 s9, $0x7;
	[dreg:$0x9] =	wrdreg s26  }
0x1b: {  	s9 =	sadd.s32 $0xA0, s4;
	s7 =	simm.s32 $0x0;
	[dreg:$0xa] =	wrdreg s11  }
0x1c: {  	s5 =	sadd.s32 s5, s2;
	[dreg:$0xb] =	wrdreg s12;
	s12 =	sadd.s32 s13, s2  }
0x1d: {  	s13 =	sadd.s32 s14, s2;
	s14 =	sadd.s32 $0xDA00, s0;
	s18 =	sadd.s32 s18, s1  }
0x1e: {  	s24 =	sshll.u32 s23, $0x7;
	s25 =	sshll.u32 s8, $0x7;
	s26 =	sadd.s32 $0x50, s4  }
0x1f: {  	s2 =	simm.s32 $0x5100;
	s4 =	simm.s32 $0x1;
	[dreg:$0x6] =	wrdreg s5  }
0x20: {  	s15 =	sadd.s32 s14, s16;
	s16 =	sadd.s32 s17, s1;
	s17 =	smax.u32 s10, $0x1  }
0x21: {  	s23 =	sadd.s32 s24, s1;
	s24 =	sadd.s32 s25, s1;
	s10 =	sadd.s32 $0xA00, s6  }
0x22: {  	s0 =	sshrl.u32 s26, $0x3;
	s5 =	simm.s32 $0x50;
	s6 =	simm.s32 $0x2  }
0x23: {  	v0 =	vimm.f32 $0.0e+00;
	v1 =	vimm.s32 $0x0;
	_ =	strace $0x8000004A;
	s28 =	sadd.s32 s0, s14;
	s0 =	simm.s32 $0x2880  }
.LBB2_1:
0x24: {  	s8 =	simm.s32 $0x0;
	s25 =	simm.s32 $0x200  }
.LBB2_2:
0x25: {  	p0 =	sne.s32 s25, $0x9E00;
	[tilespmem:s8+$0x70] =	vst v0  }
0x26: {  	[tilespmem:s8+$0x0] =	vst v0  }
0x27: {  	[tilespmem:s8+$0x10] =	vst v0  }
.Ltmp0:
0x28: {  	[tilespmem:s8+$0x20] =	vst v0;
	(pc) =	sbr.rel @p0 .LBB2_2-.Ltmp0, $4  }
0x29: {  	[tilespmem:s8+$0x30] =	vst v0  }
0x2a: {  	[tilespmem:s8+$0x40] =	vst v0  }
0x2b: {  	[tilespmem:s8+$0x50] =	vst v0  }
0x2c: {  	[tilespmem:s8+$0x60] =	vst v0;
	s8 =	sshra.s32 s25, $0x2;
	s25 =	sadd.s32 $0x200, s25  }
0x2d: {  	[tilespmem:s8+$0x70] =	vst v0  }
0x2e: {  	[tilespmem:s8+$0x0] =	vst v0  }
0x2f: {  	[tilespmem:s8+$0x10] =	vst v0  }
0x30: {  	[tilespmem:s8+$0x20] =	vst v0  }
0x31: {  	[tilespmem:s8+$0x30] =	vst v0  }
0x32: {  	[tilespmem:s8+$0x40] =	vst v0  }
0x33: {  	[tilespmem:s8+$0x50] =	vst v0  }
0x34: {  	[tilespmem:s8+$0x60] =	vst v0;
	s8 =	simm.s32 $0x40;
	s25 =	simm.s32 $0x0  }
.LBB2_4:
0x35: {  	p0 =	sne.s32 s8, $0x9FC0;
	[tilespmem:s25+$0x5100] =	vst v1;
	s25 =	smov.u32 s8;
	s8 =	sadd.s32 $0x40, s8  }
.Ltmp1:
0x36: {  	(pc) =	sbr.rel @p0 .LBB2_4-.Ltmp1, $2  }
0x37: {  	_ =	sdelay $0x2  }
0x38: {  	s25 =	sshra.s32 s25, $0x2  }
0x39: {  	[tilespmem:s25+$0x5100] =	vst v1;
	s8 =	simm.s32 $0x0  }
0x3a: {  	[spmem:s16] =	stream.linear.scatter [tilespmem:s8], [sflag:$0x3], $0x2800, $0x38;
	[tilespmem:$0x1B900] =	vst v63  }
0x3b: {  	_ =	swait.ge [sflag:s29], $0x2800  }
0x3c: {  	[sflag:s29] =	ssyncset.done $0x0  }
0x3d: {  	[sflag:s29] =	ssyncadd.s32 $0xFFFFD800  }
0x3e: {  	[spmem:s18] =	stream.linear.scatter [tilespmem:s8], [sflag:$0x3], $0x2800, $0x38;
	[tilespmem:$0x1B900] =	vst v63  }
0x3f: {  	_ =	swait.ge [sflag:s29], $0x2800  }
0x40: {  	[sflag:s29] =	ssyncset.done $0x0  }
0x41: {  	[sflag:s29] =	ssyncadd.s32 $0xFFFFD800  }
0x42: {  	[spmem:s19] =	stream.linear.scatter [tilespmem:s8], [sflag:$0x3], $0x2800, $0x38;
	[tilespmem:$0x1B900] =	vst v63  }
0x43: {  	_ =	swait.ge [sflag:s29], $0x2800  }
0x44: {  	[sflag:s29] =	ssyncset.done $0x0  }
0x45: {  	[sflag:s29] =	ssyncadd.s32 $0xFFFFD800  }
0x46: {  	[spmem:s20] =	stream.linear.scatter [tilespmem:s8], [sflag:$0x3], $0x2800, $0x38;
	[tilespmem:$0x1B900] =	vst v63  }
0x47: {  	_ =	swait.ge [sflag:s29], $0x2800  }
0x48: {  	[sflag:s29] =	ssyncset.done $0x0  }
0x49: {  	[sflag:s29] =	ssyncadd.s32 $0xFFFFD800  }
0x4a: {  	[spmem:s21] =	stream.linear.scatter [tilespmem:s8], [sflag:$0x3], $0x2800, $0x38;
	[tilespmem:$0x1B900] =	vst v63  }
0x4b: {  	_ =	swait.ge [sflag:s29], $0x2800  }
0x4c: {  	[sflag:s29] =	ssyncset.done $0x0  }
0x4d: {  	[sflag:s29] =	ssyncadd.s32 $0xFFFFD800  }
0x4e: {  	[spmem:s22] =	stream.linear.scatter [tilespmem:s8], [sflag:$0x3], $0x2800, $0x38;
	[tilespmem:$0x1B900] =	vst v63  }
0x4f: {  	_ =	swait.ge [sflag:s29], $0x2800  }
0x50: {  	[sflag:s29] =	ssyncset.done $0x0  }
0x51: {  	[sflag:s29] =	ssyncadd.s32 $0xFFFFD800  }
0x52: {  	[spmem:s23] =	stream.linear.scatter [tilespmem:s8], [sflag:$0x3], $0x2800, $0x38;
	[tilespmem:$0x1B900] =	vst v63  }
0x53: {  	_ =	swait.ge [sflag:s29], $0x2800  }
0x54: {  	[sflag:s29] =	ssyncset.done $0x0  }
0x55: {  	[sflag:s29] =	ssyncadd.s32 $0xFFFFD800  }
0x56: {  	[spmem:s24] =	stream.linear.scatter [tilespmem:s8], [sflag:$0x3], $0x2800, $0x38;
	[tilespmem:$0x1B900] =	vst v63  }
0x57: {  	_ =	swait.ge [sflag:s29], $0x2800  }
0x58: {  	[sflag:s29] =	ssyncset.done $0x0  }
0x59: {  	[sflag:s29] =	ssyncadd.s32 $0xFFFFD800  }
0x5a: {  	[bflag:$0x0] =	sbarrier.arrive $0xFFFF  }
0x5b: {  	[tilespmem:s30], [sflag:$0x3] =	stream.linear.gather [hbm4b:s15+s8], $0x50, $0x38;
	[tilespmem:$0x1B900] =	vst v63  }
0x5c: {  	_ =	swait.ge [sflag:s29], $0x50  }
0x5d: {  	s26 =	smov.u32 s9;
	[sflag:s29] =	ssyncset.done $0x0  }
0x5e: {  	s25 =	smov.u32 s10;
	s11 =	rddreg [dreg:$0x4];
	[sflag:s29] =	ssyncadd.s32 $0xFFFFFFB0  }
0x5f: {  	[tilespmem:s8], [sflag:$0x1] =	stream.linear.gather [hbm4b:s11+s8], $0x2800, $0x38;
	[tilespmem:$0x1B900] =	vst v63  }
.LBB2_6:
0x60: {  	s11 =	sadd.s32 s8, s28  }
0x61: {  	[tilespmem:s31], [sflag:$0x3] =	stream.linear.gather [hbm4b:s11+s3], $0x50, $0x38;
	[tilespmem:$0x1B900] =	vst v63  }
0x62: {  	_ =	swait.ge [sflag:s29], $0x50  }
0x63: {  	[sflag:s29] =	ssyncset.done $0x0  }
0x64: {  	s11 =	sadd.s32 $0xFFFFFB00, s25;
	[sflag:s29] =	ssyncadd.s32 $0xFFFFFFB0  }
0x65: {  	[tilespmem:s0], [sflag:$0x2] =	stream.linear.gather [hbm4b:s11+s3], $0x2800, $0x38;
	[tilespmem:$0x1B900] =	vst v63  }
0x66: {  	v2 =	vld [tilespmem:$0x2800];
	_ =	sdelay $0x4  }
0x67: {  	(xrf1) =	vunique.msk.u32 $0xffff, v2;
	_ =	sdelay $0xd  }
0x68: {  	v4 =	vld.idx.msk [tilespmem:v2+s2+$0x0], $0xffff;
	_, v3, vm0 =	vpop (xrf1);
	_ =	sdelay $0x4  }
0x69: {  	v3 =	vadd.s32 v4, v3  }
0x6a: {  	[tilespmem:v2+s2+$0x0] =	vst.idx.msk vm0, v3  }
0x6b: {  	v2 =	vld [tilespmem:$0x2810];
	_ =	sdelay $0x4  }
0x6c: {  	(xrf1) =	vunique.msk.u32 $0xffff, v2;
	_ =	sdelay $0xd  }
0x6d: {  	v55 =	vld.idx.msk [tilespmem:v2+s2+$0x0], $0xffff;
	_, v3, vm0 =	vpop (xrf1);
	_ =	sdelay $0x4  }
0x6e: {  	v3 =	vadd.s32 v55, v3  }
0x6f: {  	[tilespmem:v2+s2+$0x0] =	vst.idx.msk vm0, v3  }
0x70: {  	v2 =	vld [tilespmem:$0x2820];
	_ =	sdelay $0x4  }
0x71: {  	(xrf1) =	vunique.msk.u32 $0xffff, v2;
	_ =	sdelay $0xd  }
0x72: {  	v56 =	vld.idx.msk [tilespmem:v2+s2+$0x0], $0xffff;
	_, v3, vm0 =	vpop (xrf1);
	_ =	sdelay $0x4  }
0x73: {  	v3 =	vadd.s32 v56, v3  }
0x74: {  	[tilespmem:v2+s2+$0x0] =	vst.idx.msk vm0, v3  }
0x75: {  	v2 =	vld [tilespmem:$0x2830];
	_ =	sdelay $0x4  }
0x76: {  	(xrf1) =	vunique.msk.u32 $0xffff, v2;
	_ =	sdelay $0xd  }
0x77: {  	v57 =	vld.idx.msk [tilespmem:v2+s2+$0x0], $0xffff;
	_, v3, vm0 =	vpop (xrf1);
	_ =	sdelay $0x4  }
0x78: {  	v3 =	vadd.s32 v57, v3  }
0x79: {  	[tilespmem:v2+s2+$0x0] =	vst.idx.msk vm0, v3  }
0x7a: {  	v2 =	vld [tilespmem:$0x2840];
	_ =	sdelay $0x4  }
0x7b: {  	(xrf1) =	vunique.msk.u32 $0xffff, v2;
	_ =	sdelay $0xd  }
0x7c: {  	v58 =	vld.idx.msk [tilespmem:v2+s2+$0x0], $0xffff;
	_, v3, vm0 =	vpop (xrf1);
	_ =	sdelay $0x4  }
0x7d: {  	v3 =	vadd.s32 v58, v3  }
0x7e: {  	[tilespmem:v2+s2+$0x0] =	vst.idx.msk vm0, v3  }
0x7f: {  	_ =	swait.ge [sflag:s4], $0x2800  }
0x80: {  	[sflag:s4] =	ssyncset.done $0x0  }
0x81: {  	[sflag:s4] =	ssyncadd.s32 $0xFFFFD800  }
0x82: {  	[spmem:s1] =	stream.indirect.scatter.add.f32 [tilespmem:s3], [sflag:$0x3], $0x80, s30, s5, $0xb8;
	[tilespmem:$0x1B900] =	vst v63  }
0x83: {  	_ =	swait.ge [sflag:s29], $0x2800  }
0x84: {  	s11 =	sshrl.u32 s26, $0x3;
	[sflag:s29] =	ssyncset.done $0x0  }
0x85: {  	s11 =	sadd.s32 s14, s11;
	[sflag:s29] =	ssyncadd.s32 $0xFFFFD800  }
0x86: {  	[tilespmem:s30], [sflag:$0x3] =	stream.linear.gather [hbm4b:s11+s3], $0x50, $0x38;
	[tilespmem:$0x1B900] =	vst v63  }
0x87: {  	_ =	swait.ge [sflag:s29], $0x50  }
0x88: {  	[sflag:s29] =	ssyncset.done $0x0  }
0x89: {  	[sflag:s29] =	ssyncadd.s32 $0xFFFFFFB0  }
0x8a: {  	[tilespmem:s3], [sflag:$0x1] =	stream.linear.gather [hbm4b:s25+s3], $0x2800, $0x38;
	[tilespmem:$0x1B900] =	vst v63  }
0x8b: {  	v2 =	vld [tilespmem:$0x5080];
	_ =	sdelay $0x4  }
0x8c: {  	(xrf1) =	vunique.msk.u32 $0xffff, v2;
	_ =	sdelay $0xd  }
0x8d: {  	v59 =	vld.idx.msk [tilespmem:v2+s2+$0x0], $0xffff;
	_, v3, vm0 =	vpop (xrf1);
	_ =	sdelay $0x4  }
0x8e: {  	v3 =	vadd.s32 v59, v3  }
0x8f: {  	[tilespmem:v2+s2+$0x0] =	vst.idx.msk vm0, v3  }
0x90: {  	v2 =	vld [tilespmem:$0x5090];
	_ =	sdelay $0x4  }
0x91: {  	(xrf1) =	vunique.msk.u32 $0xffff, v2;
	_ =	sdelay $0xd  }
0x92: {  	v60 =	vld.idx.msk [tilespmem:v2+s2+$0x0], $0xffff;
	_, v3, vm0 =	vpop (xrf1);
	_ =	sdelay $0x4  }
0x93: {  	v3 =	vadd.s32 v60, v3  }
0x94: {  	[tilespmem:v2+s2+$0x0] =	vst.idx.msk vm0, v3  }
0x95: {  	v2 =	vld [tilespmem:$0x50A0];
	_ =	sdelay $0x4  }
0x96: {  	(xrf1) =	vunique.msk.u32 $0xffff, v2;
	_ =	sdelay $0xd  }
0x97: {  	v61 =	vld.idx.msk [tilespmem:v2+s2+$0x0], $0xffff;
	_, v3, vm0 =	vpop (xrf1);
	_ =	sdelay $0x4  }
0x98: {  	v3 =	vadd.s32 v61, v3  }
0x99: {  	[tilespmem:v2+s2+$0x0] =	vst.idx.msk vm0, v3  }
0x9a: {  	v2 =	vld [tilespmem:$0x50B0];
	_ =	sdelay $0x4  }
0x9b: {  	(xrf1) =	vunique.msk.u32 $0xffff, v2;
	_ =	sdelay $0xd  }
0x9c: {  	v62 =	vld.idx.msk [tilespmem:v2+s2+$0x0], $0xffff;
	_, v3, vm0 =	vpop (xrf1);
	_ =	sdelay $0x4  }
0x9d: {  	v3 =	vadd.s32 v62, v3  }
0x9e: {  	[tilespmem:v2+s2+$0x0] =	vst.idx.msk vm0, v3  }
0x9f: {  	v2 =	vld [tilespmem:$0x50C0];
	_ =	sdelay $0x4  }
0xa0: {  	(xrf1) =	vunique.msk.u32 $0xffff, v2;
	_ =	sdelay $0xd  }
0xa1: {  	v63 =	vld.idx.msk [tilespmem:v2+s2+$0x0], $0xffff;
	_, v3, vm0 =	vpop (xrf1);
	_ =	sdelay $0x4  }
0xa2: {  	v3 =	vadd.s32 v63, v3  }
0xa3: {  	[tilespmem:v2+s2+$0x0] =	vst.idx.msk vm0, v3  }
0xa4: {  	_ =	swait.ge [sflag:s6], $0x2800  }
0xa5: {  	p0 =	sne.s32 s8, $0x4C4;
	[sflag:s6] =	ssyncset.done $0x0  }
.Ltmp2:
0xa6: {  	[sflag:s6] =	ssyncadd.s32 $0xFFFFD800;
	(pc) =	sbr.rel @p0 .LBB2_6-.Ltmp2, $4  }
0xa7: {  	[spmem:s1] =	stream.indirect.scatter.add.f32 [tilespmem:s0], [sflag:$0x3], $0x80, s31, s5, $0xb8;
	[tilespmem:$0x1B900] =	vst v63  }
0xa8: {  	_ =	swait.ge [sflag:s29], $0x2800  }
0xa9: {  	s8 =	sadd.s32 $0x14, s8;
	[sflag:s29] =	ssyncset.done $0x0  }
0xaa: {  	s26 =	sadd.s32 $0xA0, s26;
	s25 =	sadd.s32 $0xA00, s25;
	[sflag:s29] =	ssyncadd.s32 $0xFFFFD800  }
0xab: {  	v2 =	vld [tilespmem:$0x2800];
	_ =	sdelay $0x4  }
0xac: {  	(xrf1) =	vunique.msk.u32 $0xffff, v2;
	_ =	sdelay $0xd  }
0xad: {  	v4 =	vld.idx.msk [tilespmem:v2+s2+$0x0], $0xffff;
	_, v3, vm0 =	vpop (xrf1);
	_ =	sdelay $0x4  }
0xae: {  	v3 =	vadd.s32 v4, v3  }
0xaf: {  	[tilespmem:v2+s2+$0x0] =	vst.idx.msk vm0, v3  }
0xb0: {  	v2 =	vld [tilespmem:$0x2810];
	_ =	sdelay $0x4  }
0xb1: {  	(xrf1) =	vunique.msk.u32 $0xffff, v2;
	_ =	sdelay $0xd  }
0xb2: {  	v60 =	vld.idx.msk [tilespmem:v2+s2+$0x0], $0xffff;
	_, v3, vm0 =	vpop (xrf1);
	_ =	sdelay $0x4  }
0xb3: {  	v3 =	vadd.s32 v60, v3  }
0xb4: {  	[tilespmem:v2+s2+$0x0] =	vst.idx.msk vm0, v3  }
0xb5: {  	v2 =	vld [tilespmem:$0x2820];
	_ =	sdelay $0x4  }
0xb6: {  	(xrf1) =	vunique.msk.u32 $0xffff, v2;
	_ =	sdelay $0xd  }
0xb7: {  	v61 =	vld.idx.msk [tilespmem:v2+s2+$0x0], $0xffff;
	_, v3, vm0 =	vpop (xrf1);
	_ =	sdelay $0x4  }
0xb8: {  	v3 =	vadd.s32 v61, v3  }
0xb9: {  	[tilespmem:v2+s2+$0x0] =	vst.idx.msk vm0, v3  }
0xba: {  	v2 =	vld [tilespmem:$0x2830];
	_ =	sdelay $0x4  }
0xbb: {  	(xrf1) =	vunique.msk.u32 $0xffff, v2;
	_ =	sdelay $0xd  }
0xbc: {  	v62 =	vld.idx.msk [tilespmem:v2+s2+$0x0], $0xffff;
	_, v3, vm0 =	vpop (xrf1);
	_ =	sdelay $0x4  }
0xbd: {  	v3 =	vadd.s32 v62, v3  }
0xbe: {  	[tilespmem:v2+s2+$0x0] =	vst.idx.msk vm0, v3  }
0xbf: {  	v2 =	vld [tilespmem:$0x2840];
	_ =	sdelay $0x4  }
0xc0: {  	(xrf1) =	vunique.msk.u32 $0xffff, v2;
	_ =	sdelay $0xd  }
0xc1: {  	v63 =	vld.idx.msk [tilespmem:v2+s2+$0x0], $0xffff;
	_, v3, vm0 =	vpop (xrf1);
	_ =	sdelay $0x4  }
0xc2: {  	v3 =	vadd.s32 v63, v3  }
0xc3: {  	[tilespmem:v2+s2+$0x0] =	vst.idx.msk vm0, v3  }
0xc4: {  	_ =	swait.ge [sflag:s4], $0x2800  }
0xc5: {  	[sflag:s4] =	ssyncset.done $0x0  }
0xc6: {  	[sflag:s4] =	ssyncadd.s32 $0xFFFFD800  }
0xc7: {  	[spmem:s1] =	stream.indirect.scatter.add.f32 [tilespmem:s3], [sflag:$0x3], $0x80, s30, s5, $0xb8;
	[tilespmem:$0x1B900] =	vst v63  }
0xc8: {  	_ =	swait.ge [sflag:s29], $0x2800  }
0xc9: {  	s11 =	simm.s32 $0x80;
	[sflag:s29] =	ssyncset.done $0x0  }
0xca: {  	s25 =	simm.s32 $0x400;
	s8 =	rddreg [dreg:$0x5];
	[sflag:s29] =	ssyncadd.s32 $0xFFFFD800  }
0xcb: {  	[hbm4b:s8+s11] =	stream.strided.scatter [tilespmem:s2], [sflag:$0x3], $0x2800, s25, s11, $0x38;
	[tilespmem:$0x1B900] =	vst v63  }
0xcc: {  	_ =	swait.ge [sflag:s29], $0x2800  }
0xcd: {  	[sflag:s29] =	ssyncset.done $0x0  }
0xce: {  	[sflag:s29] =	ssyncadd.s32 $0xFFFFD800  }
0xcf: {  	[bflag:$0x0] =	sbarrier.arrive $0xFFFF  }
0xd0: {  	[tilespmem:s3], [sflag:$0x3] =	stream.linear.gather [spmem:s16], $0x2800, $0x38;
	[tilespmem:$0x1B900] =	vst v63  }
0xd1: {  	_ =	swait.ge [sflag:s29], $0x2800  }
0xd2: {  	[sflag:s29] =	ssyncset.done $0x0  }
0xd3: {  	s11 =	rddreg [dreg:$0x6];
	[sflag:s29] =	ssyncadd.s32 $0xFFFFD800  }
0xd4: {  	[hbm4b:s11+s3] =	stream.linear.scatter [tilespmem:s3], [sflag:$0x3], $0x2800, $0x38;
	[tilespmem:$0x1B900] =	vst v63  }
0xd5: {  	_ =	swait.ge [sflag:s29], $0x2800  }
0xd6: {  	[sflag:s29] =	ssyncset.done $0x0  }
0xd7: {  	[sflag:s29] =	ssyncadd.s32 $0xFFFFD800  }
0xd8: {  	[tilespmem:s3], [sflag:$0x3] =	stream.linear.gather [spmem:s18], $0x2800, $0x38;
	[tilespmem:$0x1B900] =	vst v63  }
0xd9: {  	_ =	swait.ge [sflag:s29], $0x2800  }
0xda: {  	[sflag:s29] =	ssyncset.done $0x0  }
0xdb: {  	s25 =	rddreg [dreg:$0x7];
	[sflag:s29] =	ssyncadd.s32 $0xFFFFD800  }
0xdc: {  	[hbm4b:s25+s3] =	stream.linear.scatter [tilespmem:s3], [sflag:$0x3], $0x2800, $0x38;
	[tilespmem:$0x1B900] =	vst v63  }
0xdd: {  	_ =	swait.ge [sflag:s29], $0x2800  }
0xde: {  	[sflag:s29] =	ssyncset.done $0x0  }
0xdf: {  	[sflag:s29] =	ssyncadd.s32 $0xFFFFD800  }
0xe0: {  	[tilespmem:s3], [sflag:$0x3] =	stream.linear.gather [spmem:s19], $0x2800, $0x38;
	[tilespmem:$0x1B900] =	vst v63  }
0xe1: {  	_ =	swait.ge [sflag:s29], $0x2800  }
0xe2: {  	[sflag:s29] =	ssyncset.done $0x0  }
0xe3: {  	s26 =	rddreg [dreg:$0x8];
	[sflag:s29] =	ssyncadd.s32 $0xFFFFD800  }
0xe4: {  	[hbm4b:s26+s3] =	stream.linear.scatter [tilespmem:s3], [sflag:$0x3], $0x2800, $0x38;
	[tilespmem:$0x1B900] =	vst v63  }
0xe5: {  	_ =	swait.ge [sflag:s29], $0x2800  }
0xe6: {  	[sflag:s29] =	ssyncset.done $0x0  }
0xe7: {  	[sflag:s29] =	ssyncadd.s32 $0xFFFFD800  }
0xe8: {  	[tilespmem:s3], [sflag:$0x3] =	stream.linear.gather [spmem:s20], $0x2800, $0x38;
	[tilespmem:$0x1B900] =	vst v63  }
0xe9: {  	_ =	swait.ge [sflag:s29], $0x2800  }
0xea: {  	[sflag:s29] =	ssyncset.done $0x0  }
0xeb: {  	s11 =	rddreg [dreg:$0x9];
	[sflag:s29] =	ssyncadd.s32 $0xFFFFD800  }
0xec: {  	[hbm4b:s11+s3] =	stream.linear.scatter [tilespmem:s3], [sflag:$0x3], $0x2800, $0x38;
	[tilespmem:$0x1B900] =	vst v63  }
0xed: {  	_ =	swait.ge [sflag:s29], $0x2800  }
0xee: {  	[sflag:s29] =	ssyncset.done $0x0  }
0xef: {  	[sflag:s29] =	ssyncadd.s32 $0xFFFFD800  }
0xf0: {  	[tilespmem:s3], [sflag:$0x3] =	stream.linear.gather [spmem:s21], $0x2800, $0x38;
	[tilespmem:$0x1B900] =	vst v63  }
0xf1: {  	_ =	swait.ge [sflag:s29], $0x2800  }
0xf2: {  	[sflag:s29] =	ssyncset.done $0x0  }
0xf3: {  	s25 =	rddreg [dreg:$0xa];
	[sflag:s29] =	ssyncadd.s32 $0xFFFFD800  }
0xf4: {  	[hbm4b:s25+s3] =	stream.linear.scatter [tilespmem:s3], [sflag:$0x3], $0x2800, $0x38;
	[tilespmem:$0x1B900] =	vst v63  }
0xf5: {  	_ =	swait.ge [sflag:s29], $0x2800  }
0xf6: {  	[sflag:s29] =	ssyncset.done $0x0  }
0xf7: {  	[sflag:s29] =	ssyncadd.s32 $0xFFFFD800  }
0xf8: {  	[tilespmem:s3], [sflag:$0x3] =	stream.linear.gather [spmem:s22], $0x2800, $0x38;
	[tilespmem:$0x1B900] =	vst v63  }
0xf9: {  	_ =	swait.ge [sflag:s29], $0x2800  }
0xfa: {  	[sflag:s29] =	ssyncset.done $0x0  }
0xfb: {  	s26 =	rddreg [dreg:$0xb];
	[sflag:s29] =	ssyncadd.s32 $0xFFFFD800  }
0xfc: {  	[hbm4b:s26+s3] =	stream.linear.scatter [tilespmem:s3], [sflag:$0x3], $0x2800, $0x38;
	[tilespmem:$0x1B900] =	vst v63  }
0xfd: {  	_ =	swait.ge [sflag:s29], $0x2800  }
0xfe: {  	[sflag:s29] =	ssyncset.done $0x0  }
0xff: {  	[sflag:s29] =	ssyncadd.s32 $0xFFFFD800  }
0x100: {  	[tilespmem:s3], [sflag:$0x3] =	stream.linear.gather [spmem:s23], $0x2800, $0x38;
	[tilespmem:$0x1B900] =	vst v63  }
0x101: {  	_ =	swait.ge [sflag:s29], $0x2800  }
0x102: {  	[sflag:s29] =	ssyncset.done $0x0  }
0x103: {  	[sflag:s29] =	ssyncadd.s32 $0xFFFFD800  }
0x104: {  	[hbm4b:s12+s3] =	stream.linear.scatter [tilespmem:s3], [sflag:$0x3], $0x2800, $0x38;
	[tilespmem:$0x1B900] =	vst v63  }
0x105: {  	_ =	swait.ge [sflag:s29], $0x2800  }
0x106: {  	[sflag:s29] =	ssyncset.done $0x0  }
0x107: {  	[sflag:s29] =	ssyncadd.s32 $0xFFFFD800  }
0x108: {  	[tilespmem:s3], [sflag:$0x3] =	stream.linear.gather [spmem:s24], $0x2800, $0x38;
	[tilespmem:$0x1B900] =	vst v63  }
0x109: {  	s7 =	sadd.s32 $0x1, s7;
	_ =	swait.ge [sflag:s29], $0x2800  }
0x10a: {  	p0 =	sne.s32 s7, s17;
	[sflag:s29] =	ssyncset.done $0x0  }
.Ltmp3:
0x10b: {  	[sflag:s29] =	ssyncadd.s32 $0xFFFFD800;
	(pc) =	sbr.rel @p0 .LBB2_1-.Ltmp3, $4  }
0x10c: {  	[hbm4b:s13+s3] =	stream.linear.scatter [tilespmem:s3], [sflag:$0x3], $0x2800, $0x38;
	[tilespmem:$0x1B900] =	vst v63  }
0x10d: {  	_ =	swait.ge [sflag:s29], $0x2800  }
0x10e: {  	[sflag:s29] =	ssyncset.done $0x0  }
0x10f: {  	[sflag:s29] =	ssyncadd.s32 $0xFFFFD800  }
0x110: {  	_ =	sfence.sel $0x180000  }
0x111: {  	[bflag:$0x0] =	sbarrier.arrive $0xFFFF  }
0x112: {  	_ =	strace $0x9000004A  }
0x113: {  	s0 =	stileid.u32;
	[bflag:$0x2] =	sbarrier.arrive $0xFFFF  }
0x114: {  	p0 =	sne.s32 s0, $0x0;
	s0 =	rddreg [dreg:$0x3]  }
0x115: {  	s0 =	sadd.s32 @!p0 $0x100000, s0  }
0x116: {  	[sflag:s0] =	ssyncadd.tile.s32 @!p0 $0x1;
	_ =	shalt  }
.Lfunc_end2:
_tile_overlayer_lowered:
.L_overlay_start_2:
0x117: {  	(tag) =	ssettag $0x2  }
0x118: {  	s0 =	rddreg [dreg:$0x0];
	s2 =	stileid.u32  }
0x119: {  	s1 =	rddreg [dreg:$0x1];
	p0 =	sne.s32 s2, $0x0  }
0x11a: {  	s3 =	rddreg [dreg:$0x2];
	[bflag:$0x3] =	sbarrier.arrive $0xFFFF;
	s2 =	simm.s32 @!p0 $0x1C03  }
0x11b: {  	[timem:s3], [sflag:s2] =	dma.local @!p0 [hbm:s0], s1  }
0x11c: {  	s0 =	simm.s32 @!p0 $0x3  }
0x11d: {  	_ =	swait.ge @!p0 [sflag:s0], s1  }
0x11e: {  	s1 =	ssub.s32 @!p0 $0x0, s1;
	[sflag:s0] =	ssyncset.done @!p0 $0x0  }
0x11f: {  	[sflag:s0] =	ssyncadd.s32 @!p0 s1  }
0x120: {  	[bflag:$0x3] =	sbarrier.arrive $0xFFFF  }
0x121: {  	_ =	shalt  }

// kernel: kernel.7.cloned.1.call-start
scs
__scs_entry_jumppad:
0x0: {  	(pc) =	sbr.rel $0x88, $3  }
0x1: {  	(tag) =	ssettag $0x0;
	lr =	simm.s32 $0x1  }
0x2: {  	[smem:$0x3F8D] =	sst lr;
	_ =	strace $0xD0000000  }
0x3: {  	_ = 	snop  }
0x4: {  	_ = 	snop  }
0x5: {  	_ = 	snop  }
0x6: {  	_ = 	snop  }
0x7: {  	_ = 	snop  }
__scs_overlays_trampoline_lowered:
0x8: {  	[smem:$0x3F9C] =	sst s0  }
0x9: {  	[smem:$0x3F9D] =	sst s1  }
0xa: {  	[smem:$0x3F9E] =	sst s2  }
0xb: {  	[smem:$0x3F9F] =	sst s3  }
0xc: {  	[smem:$0x3FA0] =	sst s4  }
0xd: {  	[smem:$0x3FA1] =	sst s5  }
0xe: {  	[smem:$0x3FA2] =	sst s6  }
0xf: {  	[smem:$0x3FA3] =	sst s7  }
0x10: {  	[smem:$0x3FA4] =	sst s8  }
0x11: {  	[smem:$0x3FA5] =	sst s9;
	s0 =	simm.s32 @!p0 $0x0  }
0x12: {  	s1 =	sld [smem:$0x3F8B];
	s0 =	simm.s32 @p0 $0x1  }
0x13: {  	[smem:$0x3FA6] =	sst s0;
	s0 =	simm.s32 @!p1 $0x0  }
0x14: {  	s2 =	sld [smem:$0x3F8A];
	s0 =	simm.s32 @p1 $0x1  }
0x15: {  	[smem:$0x3FA7] =	sst s0;
	s0 =	simm.s32 @!p2 $0x0  }
0x16: {  	s3 =	sld [smem:$0x3FDB];
	s0 =	simm.s32 @p2 $0x1  }
0x17: {  	s4 =	simm.s32 $0x1BF5;
	[smem:$0x3FA9] =	sst s0  }
0x18: {  	s0 =	sld [smem:$0x3F8C];
	_ =	swait.ge [sflag:s4], $0x0  }
0x19: {  	s7 =	sld [smem:$0x3F8D]  }
0x1a: {  	s8 =	sadd.s32 $0xFFFFE003, lr  }
0x1b: {  	s9 =	sadd.s32 $0xFFFFFEF7, lr;
	s5 =	simm.s32 $0xFFFFFFFF;
	p2 =	slt.u32 s8, $0xFFFFF086  }
0x1c: {  	p1 =	slt.u32 s9, $0xF7A;
	s5 =	simm.s32 @!p2 $0x0  }
0x1d: {  	s5 =	simm.s32 @p1 $0x1;
	p0 =	seq.s32 s7, s2  }
0x1e: {  	s7 =	smul.u32 @!p0 $0xF7A, s2;
	p2 =	seq.s32 @!p0 s5, $0x0  }
0x1f: {  	s9 =	smul.u32 $0xF7A, s1;
	s8 =	simm.s32 @!p0 $0x1BF5;
	p2 =	por !p2, p0  }
0x20: {  	[sflag:s8] =	ssyncset.s32 @!p0 $0xFFFFF086;
	s6 =	sadd.s32 @!p0 s3, s7;
	s7 =	simm.s32 @!p0 $0x108  }
0x21: {  	s3 =	sadd.s32 s3, s9;
	s6 =	sadd.s32 @!p0 $0x88, s6;
	s7 =	simm.s32 @p2 $0x1082  }
0x22: {  	[simem:s7], [sflag:s8] =	dma.local @!p0 [hbm:s6], $0xF7A  }
0x23: {  	s9 =	sor.u32 $0xD0000000, s2;
	s6 =	simm.s32 $0x108;
	_ =	swait.ge @!p0 [sflag:s8], $0x0  }
0x24: {  	s3 =	sadd.s32 $0x88, s3;
	s6 =	simm.s32 @!p1 $0x1082;
	[sflag:s4] =	ssyncset.s32 $0xFFFFF086  }
0x25: {  	[simem:s6], [sflag:s4] =	dma.local [hbm:s3], $0xF7A  }
0x26: {  	[smem:$0x3F8D] =	sst s1;
	(tag) =	ssettag s2;
	_ =	strace s9  }
0x27: {  	s1 =	sld [smem:$0x3F9D]  }
0x28: {  	s2 =	sld [smem:$0x3F9E]  }
0x29: {  	s4 =	sld [smem:$0x3FA0]  }
0x2a: {  	p0 =	seq.s32 s5, $0x0;
	s5 =	sld [smem:$0x3FA1]  }
0x2b: {  	s6 =	sld [smem:$0x3FA2]  }
0x2c: {  	s7 =	sld [smem:$0x3FA3]  }
0x2d: {  	s3 =	simm.s32 $0x108;
	s8 =	sld [smem:$0x3FA4]  }
0x2e: {  	s3 =	simm.s32 @!p0 $0x1082;
	s9 =	sld [smem:$0x3FA5]  }
0x2f: {  	lr =	sadd.s32 s0, s3;
	s0 =	sld [smem:$0x3F9C]  }
0x30: {  	s3 =	sld [smem:$0x3F9F]  }
0x31: {  	[smem:$0x3FA8] =	sst s10  }
0x32: {  	s10 =	sld [smem:$0x3FA6];
	_ =	sdelay $0x3  }
0x33: {  	p0 =	seq.s32 s10, $0x1;
	s10 =	sld [smem:$0x3FA8];
	_ =	sdelay $0x3  }
0x34: {  	[smem:$0x3FA8] =	sst s10  }
0x35: {  	s10 =	sld [smem:$0x3FA7];
	_ =	sdelay $0x3  }
0x36: {  	p1 =	seq.s32 s10, $0x1;
	s10 =	sld [smem:$0x3FA8];
	_ =	sdelay $0x3  }
0x37: {  	[smem:$0x3FA8] =	sst s10  }
0x38: {  	s10 =	sld [smem:$0x3FA9]  }
0x39: {  	_ = 	snop;
	(pc) =	sbr.ind lr, $3  }
0x3a: {  	_ = 	snop  }
0x3b: {  	_ = 	snop  }
0x3c: {  	p2 =	seq.s32 s10, $0x1;
	s10 =	sld [smem:$0x3FA8]  }
0x3d: {  	_ =	shalt  }
0x3e: {  	_ =	shalt  }
0x3f: {  	_ =	shalt  }
0x40: {  	_ =	shalt  }
0x41: {  	_ =	shalt  }
0x42: {  	_ =	shalt  }
0x43: {  	_ =	shalt  }
0x44: {  	_ =	shalt  }
0x45: {  	_ =	shalt  }
0x46: {  	_ =	shalt  }
0x47: {  	_ =	shalt  }
0x48: {  	_ =	shalt  }
0x49: {  	_ =	shalt  }
0x4a: {  	_ =	shalt  }
0x4b: {  	_ =	shalt  }
0x4c: {  	_ =	shalt  }
0x4d: {  	_ =	shalt  }
0x4e: {  	_ =	shalt  }
0x4f: {  	_ =	shalt  }
0x50: {  	_ =	shalt  }
0x51: {  	_ =	shalt  }
0x52: {  	_ =	shalt  }
0x53: {  	_ =	shalt  }
0x54: {  	_ =	shalt  }
0x55: {  	_ =	shalt  }
0x56: {  	_ =	shalt  }
0x57: {  	_ =	shalt  }
0x58: {  	_ =	shalt  }
0x59: {  	_ =	shalt  }
0x5a: {  	_ =	shalt  }
0x5b: {  	_ =	shalt  }
0x5c: {  	_ =	shalt  }
0x5d: {  	_ =	shalt  }
0x5e: {  	_ =	shalt  }
0x5f: {  	_ =	shalt  }
0x60: {  	_ =	shalt  }
0x61: {  	_ =	shalt  }
0x62: {  	_ =	shalt  }
0x63: {  	_ =	shalt  }
0x64: {  	_ =	shalt  }
0x65: {  	_ =	shalt  }
0x66: {  	_ =	shalt  }
0x67: {  	_ =	shalt  }
0x68: {  	_ =	shalt  }
0x69: {  	_ =	shalt  }
0x6a: {  	_ =	shalt  }
0x6b: {  	_ =	shalt  }
0x6c: {  	_ =	shalt  }
0x6d: {  	_ =	shalt  }
0x6e: {  	_ =	shalt  }
0x6f: {  	_ =	shalt  }
0x70: {  	_ =	shalt  }
0x71: {  	_ =	shalt  }
0x72: {  	_ =	shalt  }
0x73: {  	_ =	shalt  }
0x74: {  	_ =	shalt  }
0x75: {  	_ =	shalt  }
0x76: {  	_ =	shalt  }
0x77: {  	_ =	shalt  }
0x78: {  	_ =	shalt  }
0x79: {  	_ =	shalt  }
0x7a: {  	_ =	shalt  }
0x7b: {  	_ =	shalt  }
0x7c: {  	_ =	shalt  }
0x7d: {  	_ =	shalt  }
0x7e: {  	_ =	shalt  }
0x7f: {  	_ =	shalt  }
0x80: {  	_ =	shalt  }
0x81: {  	_ =	shalt  }
0x82: {  	_ =	shalt  }
0x83: {  	_ =	shalt  }
0x84: {  	_ =	shalt  }
0x85: {  	_ =	shalt  }
0x86: {  	_ =	shalt  }
0x87: {  	_ =	shalt  }
.Lfunc_end0:
.L_simem_size_0:
called_computation_lowered:
.L_overlay_start_0:
0x88: {  	s2 =	sld [smem:$0x3FD9]  }
0x89: {  	s3 =	sld [smem:$0x3FFE];
	_ =	sdelay $0x1  }
0x8a: {  	s1 =	srdreg.scid  }
0x8b: {  	s0 =	sand.u32 $0x1, s1  }
0x8c: {  	s17 =	sshll.u32 s0, $0xA;
	s2 =	sadd.s32 s3, s2  }
0x8d: {  	s2 =	sadd.s32 s2, s17  }
0x8e: {  	[smem:$0x3FB4] =	sst s2  }
0x8f: {  	_ = 	snop  }
0x90: {  	s2 =	sld [smem:$0x3FD0];
	(tm) =	ssettm $0x1  }
0x91: {  	s18 =	sld [smem:$0x3FFB];
	_ =	sdelay $0x3  }
0x92: {  	_ =	strace s18  }
0x93: {  	s3 =	sld [smem:$0x3FFC];
	_ =	sdelay $0x3  }
0x94: {  	_ =	strace s3  }
0x95: {  	s3 =	sld [smem:$0x3FFD];
	_ =	sdelay $0x3  }
0x96: {  	_ =	strace s3  }
0x97: {  	_ =	strace $0x8FFFFFFF  }
0x98: {  	s19 =	sld [smem:$0x3FDB];
	_ =	sdelay $0x1  }
0x99: {  	s4 =	simm.s32 $_scs_section_size  }
0x9a: {  	s5 =	simm.s32 $_size__tile_overlayer_lowered;
	s6 =	simm.s32 $_tile_overlayer_lowered  }
0x9b: {  	s22 =	simm.s32 $0x1BFF;
	s21 =	sshll.u32 s6, $0x1;
	s3 =	sadd.s32 s4, s19  }
0x9c: {  	s7 =	simm.s32 $0x0;
	s20 =	sshll.u32 s5, $0x1;
	s5 =	sadd.s32 s21, s3  }
0x9d: {  	[timem:s7], [sflag:s22] =	dma.local [hbm:s5], s20  }
0x9e: {  	_ =	swait.ge [sflag:s22], s20  }
0x9f: {  	s4 =	ssub.s32 $0x0, s20;
	[sflag:s22] =	ssyncset.done $0x0  }
0xa0: {  	[sflag:s22] =	ssyncadd.s32 s4;
	_ =	sdelay $0x1  }
0xa1: {  	s23 =	simm.s32 $0x1B8B  }
0xa2: {  	_ =	swait.ge [sflag:s23], $0x1  }
0xa3: {  	[sflag:s23] =	ssyncset.done $0x0  }
0xa4: {  	s25 =	simm.s32 $0x1B8E;
	s24 =	sld [smem:$0x3FFE];
	[sflag:s23] =	ssyncadd.s32 $0xFFFFFFFF  }
0xa5: {  	s26 =	simm.s32 $execute0_lowered;
	[smem:$0x3FD2] =	sst s25  }
0xa6: {  	s5 =	sshll.u32 s26, $0x1;
	_ =	strace $0x80000046;
	[dreg:$0x1] =	wrdreg $0xFFFFFFFF  }
0xa7: {  	s28 =	simm.s32 $_size_execute0_lowered;
	s3 =	sadd.s32 s3, s5;
	[dreg:$0x0] =	wrdreg $0x0  }
0xa8: {  	s5 =	sshll.u32 s28, $0x1;
	[dreg:$0x2] =	wrdreg s3  }
0xa9: {  	[dreg:$0x3] =	wrdreg s5  }
0xaa: {  	[dreg:$0x4] =	wrdreg $0xC0  }
0xab: {  	_ =	task [dreg:s7], $0x5FFFF  }
0xac: {  	[dreg:$0x1] =	wrdreg $0xFFFFFFFF  }
0xad: {  	[dreg:$0x0] =	wrdreg $0x60  }
0xae: {  	[dreg:$0x2] =	wrdreg s2  }
0xaf: {  	[dreg:$0x3] =	wrdreg s24  }
0xb0: {  	[dreg:$0x4] =	wrdreg $0x9  }
0xb1: {  	_ =	task.clear_ibuf [dreg:s7], $0x5FFFF;
	_ =	strace $0x90000046  }
0xb2: {  	s29 =	simm.s32 $0x9;
	_ =	strace $0x80000048  }
0xb3: {  	_ =	swait.ge [sflag:s29], $0x1  }
0xb4: {  	[sflag:s29] =	ssyncadd.s32 $0xFFFFFFFF  }
0xb5: {  	_ =	strace $0x90000048  }
0xb6: {  	_ =	sfence  }
0xb7: {  	s30 =	sld [smem:$0x0];
	_ =	sdelay $0x2  }
0xb8: {  	s31 =	sshll.u32 s1, $0xD;
	s1 =	sshrl.u32 s1, $0x2  }
0xb9: {  	s3 =	sand.u32 $0x4000, s31;
	s1 =	sadd.s32 s1, s30  }
0xba: {  	s0 =	sor.u32 s3, s0;
	s1 =	sshll.u32 s1, $0x11  }
0xbb: {  	s0 =	sor.u32 s1, s0  }
0xbc: {  	s0 =	sadd.s32 $0x8F2B, s0  }
0xbd: {  	[sflag:s0] =	ssyncadd.remote.s32 $0x1  }
0xbe: {  	_ =	sfence.sel $0xFFFF  }
0xbf: {  	[dreg:$0x0] =	wrdreg $0xFFFFFFFF;
	(pc) =	sbr.abs _section_cstart, $3  }
0xc0: {  	[dreg:$0x1] =	wrdreg $0xFFFFFFFF  }
0xc1: {  	_ =	task.clear_ibuf [dreg:s7], $0x2FFFF;
	_ =	strace $0x9FFFFFFF  }
0xc2: {  	(tm) =	ssettm $0x7FFFFFFF  }
0xc3: {  	_ =	shalt  }
tec
execute0_lowered:
.L_overlay_start_1:
0x0: {  	(tag) =	ssettag $0x1  }
0x1: {  	s1 =	rddreg [dreg:$0x0]  }
0x2: {  	s0 =	rddreg [dreg:$0x1]  }
0x3: {  	s2 =	simm.s32 $0x0;
	s3 =	srdreg.scid;
	s5 =	stileid.u32  }
0x4: {  	s28 =	simm.s32 $0x9F80;
	s29 =	simm.s32 $0xC800;
	s30 =	simm.s32 $0xC880  }
0x5: {  	s31 =	simm.s32 $0xC900;
	s7 =	simm.s32 $0x0;
	[smem:$0x7FF] =	sst s2  }
0x6: {  	s4 =	sadd.s32 $0x18A00, s0;
	s6 =	sadd.s32 $0x18400, s0;
	s3 =	sand.u32 $0x1, s3  }
0x7: {  	s5 =	sshll.u32 s5, $0x1;
	s19 =	sadd.s32 $0x17E00, s0;
	s20 =	sadd.s32 $0x17800, s0  }
0x8: {  	s8 =	sadd.s32 $0x3C00, s0;
	s10 =	sadd.s32 $0xDA00, s0;
	s11 =	sadd.s32 $0x49A00, s0  }
0x9: {  	s12 =	sadd.s32 $0x3FC00, s0;
	_ =	strace $0x80000047;
	[dreg:$0x3] =	wrdreg s6  }
0xa: {  	[dreg:$0x4] =	wrdreg s19;
	s5 =	sor.u32 s3, s5;
	s3 =	ssub.s32 $0x2, s3  }
0xb: {  	[dreg:$0x5] =	wrdreg s20;
	s9 =	smul.u32 $0x2710, s5;
	s21 =	sshrl.u32 s3, $0x1  }
0xc: {  	s20 =	simm.s32 $0x3;
	s6 =	simm.s32 $0x2;
	s22 =	ssub.s32 s3, s21  }
0xd: {  	s21 =	simm.s32 $0x2780;
	s23 =	sshrl.u32 s9, $0x3;
	s25 =	sadd.s32 $0x26C0, s9  }
0xe: {  	s15 =	sadd.s32 $0x50, s9;
	s16 =	sadd.s32 $0xA0, s9;
	s0 =	smax.u32 s22, $0x1  }
0xf: {  	s22 =	simm.s32 $0x4F00;
	s24 =	sadd.s32 s8, s23;
	[dreg:$0xa] =	wrdreg s0  }
0x10: {  	s3 =	sadd.s32 s10, s23;
	s26 =	sshll.u32 s25, $0x4;
	[dreg:$0x6] =	wrdreg s24  }
0x11: {  	s23 =	simm.s32 $0x7680;
	[dreg:$0x7] =	wrdreg s3;
	s3 =	sshrl.u32 s25, $0x3  }
0x12: {  	s5 =	sadd.s32 s11, s26;
	s24 =	simm.s32 $0x7700;
	s25 =	simm.s32 $0x50  }
0x13: {  	s26 =	simm.s32 $0x7780;
	[dreg:$0x8] =	wrdreg s5;
	s3 =	sadd.s32 s12, s3  }
0x14: {  	s5 =	simm.s32 $0xC780;
	[dreg:$0x9] =	wrdreg s3;
	s3 =	simm.s32 $0x1  }
.LBB2_1:
0x15: {  	[dreg:$0xb] =	wrdreg s7  }
0x16: {  	s0 =	rddreg [dreg:$0x3]  }
0x17: {  	[tilespmem:s2], [sflag:$0x3] =	stream.linear.gather [hbm4b:s0+s2], $0x2780, $0x38;
	[tilespmem:$0x11980] =	vst v63  }
0x18: {  	_ =	swait.ge [sflag:s20], $0x2780  }
0x19: {  	[sflag:s20] =	ssyncset.done $0x0  }
0x1a: {  	s14 =	rddreg [dreg:$0x4];
	[sflag:s20] =	ssyncadd.s32 $0xFFFFD880  }
0x1b: {  	[tilespmem:s21], [sflag:$0x3] =	stream.linear.gather [hbm4b:s14+s2], $0x2780, $0x38;
	[tilespmem:$0x11980] =	vst v63  }
0x1c: {  	_ =	swait.ge [sflag:s20], $0x2780  }
0x1d: {  	[sflag:s20] =	ssyncset.done $0x0  }
0x1e: {  	s17 =	rddreg [dreg:$0x5];
	[sflag:s20] =	ssyncadd.s32 $0xFFFFD880  }
0x1f: {  	[tilespmem:s22], [sflag:$0x3] =	stream.linear.gather [hbm4b:s17+s2], $0x2780, $0x38;
	[tilespmem:$0x11980] =	vst v63  }
0x20: {  	_ =	swait.ge [sflag:s20], $0x2780  }
0x21: {  	[sflag:s20] =	ssyncset.done $0x0  }
0x22: {  	s18 =	rddreg [dreg:$0x6];
	[sflag:s20] =	ssyncadd.s32 $0xFFFFD880  }
0x23: {  	[tilespmem:s23], [sflag:$0x3] =	stream.linear.gather [hbm4b:s18+s2], $0x50, $0x38;
	[tilespmem:$0x11980] =	vst v63  }
0x24: {  	_ =	swait.ge [sflag:s20], $0x50  }
0x25: {  	[sflag:s20] =	ssyncset.done $0x0  }
0x26: {  	s19 =	rddreg [dreg:$0x7];
	[sflag:s20] =	ssyncadd.s32 $0xFFFFFFB0  }
0x27: {  	[tilespmem:s24], [sflag:$0x3] =	stream.linear.gather [hbm4b:s19+s2], $0x50, $0x38;
	[tilespmem:$0x11980] =	vst v63  }
0x28: {  	_ =	swait.ge [sflag:s20], $0x50  }
0x29: {  	[sflag:s20] =	ssyncset.done $0x0  }
0x2a: {  	[sflag:s20] =	ssyncadd.s32 $0xFFFFFFB0  }
0x2b: {  	[tilespmem:s26], [sflag:$0x1] =	stream.indirect.gather [hbm4b:s1+s25], $0x80, s23, s25, $0xb8;
	[tilespmem:$0x11980] =	vst v63  }
0x2c: {  	s14 =	simm.s32 $0x0  }
0x2d: {  	[tilespmem:s28], [sflag:$0x1] =	stream.indirect.gather [hbm4b:s4+s25], $0x80, s24, s25, $0xb8;
	[tilespmem:$0x11980] =	vst v63  }
.LBB2_2:
0x2e: {  	s19 =	smul.u32 $0xA0, s14;
	_ =	sdelay $0x1  }
0x2f: {  	s18 =	sadd.s32 s19, s15  }
0x30: {  	s17 =	sshrl.u32 s18, $0x3  }
0x31: {  	s13 =	simm.s32 $0x0;
	s0 =	sadd.s32 s8, s17  }
0x32: {  	[tilespmem:s29], [sflag:$0x3] =	stream.linear.gather [hbm4b:s0+s13], $0x50, $0x38;
	[tilespmem:$0x11980] =	vst v63  }
0x33: {  	_ =	swait.ge [sflag:s20], $0x50  }
0x34: {  	[sflag:s20] =	ssyncset.done $0x0  }
0x35: {  	s7 =	sadd.s32 s10, s17;
	[sflag:s20] =	ssyncadd.s32 $0xFFFFFFB0  }
0x36: {  	[tilespmem:s30], [sflag:$0x3] =	stream.linear.gather [hbm4b:s7+s13], $0x50, $0x38;
	[tilespmem:$0x11980] =	vst v63  }
0x37: {  	_ =	swait.ge [sflag:s20], $0x50  }
0x38: {  	[sflag:s20] =	ssyncset.done $0x0  }
0x39: {  	[sflag:s20] =	ssyncadd.s32 $0xFFFFFFB0  }
0x3a: {  	[tilespmem:s31], [sflag:$0x2] =	stream.indirect.gather [hbm4b:s1+s25], $0x80, s29, s25, $0xb8;
	[tilespmem:$0x11980] =	vst v63  }
0x3b: {  	s7 =	simm.s32 $0xF100  }
0x3c: {  	[tilespmem:s7], [sflag:$0x2] =	stream.indirect.gather [hbm4b:s4+s25], $0x80, s30, s25, $0xb8;
	[tilespmem:$0x11980] =	vst v63  }
0x3d: {  	v0 =	vld [tilespmem:$0x7680]  }
0x3e: {  	v1 =	vld [tilespmem:$0x7700];
	_ =	sdelay $0x6  }
0x3f: {  	v2 =	vld.idx.msk [tilespmem:v0+s13+$0x0], $0xffff  }
0x40: {  	v3 =	vld.idx.msk [tilespmem:v1+s13+$0x0], $0xffff  }
0x41: {  	v4 =	vld.idx.msk [tilespmem:v0+s21+$0x0], $0xffff  }
0x42: {  	v5 =	vld.idx.msk [tilespmem:v1+s21+$0x0], $0xffff  }
0x43: {  	v0 =	vld.idx.msk [tilespmem:v0+s22+$0x0], $0xffff  }
0x44: {  	v1 =	vld.idx.msk [tilespmem:v1+s22+$0x0], $0xffff;
	_ =	sdelay $0x2  }
0x45: {  	v2 =	vsub.f32 v2, v3;
	v35 =	vsub.f32 v4, v5  }
0x46: {  	v36 =	vld [tilespmem:$0x7690]  }
0x47: {  	v37 =	vld [tilespmem:$0x7710];
	v0 =	vsub.f32 v0, v1;
	v2 =	vmul.f32 v2, v2;
	v3 =	vmul.f32 v35, v35;
	_ =	sdelay $0x1  }
0x48: {  	v0 =	vmul.f32 v0, v0;
	v2 =	vadd.f32 v3, v2;
	_ =	sdelay $0x1  }
0x49: {  	v0 =	vadd.f32 v0, v2;
	_ =	sdelay $0x1  }
0x4a: {  	[tilespmem:$0xC780] =	vst v0  }
0x4b: {  	v0 =	vld.idx.msk [tilespmem:v36+s13+$0x0], $0xffff  }
0x4c: {  	v38 =	vld.idx.msk [tilespmem:v37+s13+$0x0], $0xffff  }
0x4d: {  	v39 =	vld.idx.msk [tilespmem:v36+s21+$0x0], $0xffff  }
0x4e: {  	v40 =	vld.idx.msk [tilespmem:v37+s21+$0x0], $0xffff  }
0x4f: {  	v4 =	vld.idx.msk [tilespmem:v36+s22+$0x0], $0xffff  }
0x50: {  	v1 =	vld.idx.msk [tilespmem:v37+s22+$0x0], $0xffff;
	_ =	sdelay $0x2  }
0x51: {  	v0 =	vsub.f32 v0, v38;
	v41 =	vsub.f32 v39, v40  }
0x52: {  	v42 =	vld [tilespmem:$0x76A0]  }
0x53: {  	v43 =	vld [tilespmem:$0x7720];
	v1 =	vsub.f32 v4, v1;
	v0 =	vmul.f32 v0, v0;
	v2 =	vmul.f32 v41, v41;
	_ =	sdelay $0x1  }
0x54: {  	v1 =	vmul.f32 v1, v1;
	v0 =	vadd.f32 v2, v0;
	_ =	sdelay $0x1  }
0x55: {  	v0 =	vadd.f32 v1, v0;
	_ =	sdelay $0x1  }
0x56: {  	[tilespmem:$0xC790] =	vst v0  }
0x57: {  	v0 =	vld.idx.msk [tilespmem:v42+s13+$0x0], $0xffff  }
0x58: {  	v44 =	vld.idx.msk [tilespmem:v43+s13+$0x0], $0xffff  }
0x59: {  	v45 =	vld.idx.msk [tilespmem:v42+s21+$0x0], $0xffff  }
0x5a: {  	v46 =	vld.idx.msk [tilespmem:v43+s21+$0x0], $0xffff  }
0x5b: {  	v3 =	vld.idx.msk [tilespmem:v42+s22+$0x0], $0xffff  }
0x5c: {  	v4 =	vld.idx.msk [tilespmem:v43+s22+$0x0], $0xffff;
	_ =	sdelay $0x2  }
0x5d: {  	v0 =	vsub.f32 v0, v44;
	v47 =	vsub.f32 v45, v46  }
0x5e: {  	v48 =	vld [tilespmem:$0x76B0]  }
0x5f: {  	v49 =	vld [tilespmem:$0x7730];
	v3 =	vsub.f32 v3, v4;
	v0 =	vmul.f32 v0, v0;
	v1 =	vmul.f32 v47, v47;
	_ =	sdelay $0x1  }
0x60: {  	v50 =	vmul.f32 v3, v3;
	v0 =	vadd.f32 v1, v0;
	_ =	sdelay $0x1  }
0x61: {  	v0 =	vadd.f32 v50, v0;
	_ =	sdelay $0x1  }
0x62: {  	[tilespmem:$0xC7A0] =	vst v0  }
0x63: {  	v0 =	vld.idx.msk [tilespmem:v48+s13+$0x0], $0xffff  }
0x64: {  	v51 =	vld.idx.msk [tilespmem:v49+s13+$0x0], $0xffff  }
0x65: {  	v52 =	vld.idx.msk [tilespmem:v48+s21+$0x0], $0xffff  }
0x66: {  	v53 =	vld.idx.msk [tilespmem:v49+s21+$0x0], $0xffff  }
0x67: {  	v2 =	vld.idx.msk [tilespmem:v48+s22+$0x0], $0xffff  }
0x68: {  	v4 =	vld.idx.msk [tilespmem:v49+s22+$0x0], $0xffff;
	_ =	sdelay $0x2  }
0x69: {  	v0 =	vsub.f32 v0, v51;
	v54 =	vsub.f32 v52, v53  }
0x6a: {  	v55 =	vld [tilespmem:$0x76C0]  }
0x6b: {  	v56 =	vld [tilespmem:$0x7740];
	v2 =	vsub.f32 v2, v4;
	v0 =	vmul.f32 v0, v0;
	v1 =	vmul.f32 v54, v54;
	_ =	sdelay $0x1  }
0x6c: {  	v57 =	vmul.f32 v2, v2;
	v0 =	vadd.f32 v1, v0;
	_ =	sdelay $0x1  }
0x6d: {  	v0 =	vadd.f32 v57, v0;
	_ =	sdelay $0x1  }
0x6e: {  	[tilespmem:$0xC7B0] =	vst v0  }
0x6f: {  	v0 =	vld.idx.msk [tilespmem:v55+s13+$0x0], $0xffff  }
0x70: {  	v58 =	vld.idx.msk [tilespmem:v56+s13+$0x0], $0xffff  }
0x71: {  	v59 =	vld.idx.msk [tilespmem:v55+s21+$0x0], $0xffff  }
0x72: {  	v60 =	vld.idx.msk [tilespmem:v56+s21+$0x0], $0xffff  }
0x73: {  	v3 =	vld.idx.msk [tilespmem:v55+s22+$0x0], $0xffff  }
0x74: {  	v4 =	vld.idx.msk [tilespmem:v56+s22+$0x0], $0xffff;
	_ =	sdelay $0x2  }
0x75: {  	v0 =	vsub.f32 v0, v58;
	v61 =	vsub.f32 v59, v60;
	_ =	sdelay $0x1  }
0x76: {  	v62 =	vsub.f32 v3, v4;
	v0 =	vmul.f32 v0, v0;
	v1 =	vmul.f32 v61, v61;
	_ =	sdelay $0x1  }
0x77: {  	v63 =	vmul.f32 v62, v62;
	v0 =	vadd.f32 v1, v0;
	_ =	sdelay $0x1  }
0x78: {  	v0 =	vadd.f32 v63, v0;
	_ =	sdelay $0x1  }
0x79: {  	[tilespmem:$0xC7C0] =	vst v0  }
0x7a: {  	_ =	swait.ge [sflag:s3], $0x2800  }
0x7b: {  	[sflag:s3] =	ssyncset.done $0x0  }
0x7c: {  	[sflag:s3] =	ssyncadd.s32 $0xFFFFD800  }
0x7d: {  	_ =	swait.ge [sflag:s3], $0x2800  }
0x7e: {  	[sflag:s3] =	ssyncset.done $0x0  }
0x7f: {  	s0 =	simm.s32 $0x200;
	s13 =	simm.s32 $0x0;
	[sflag:s3] =	ssyncadd.s32 $0xFFFFD800  }
.LBB2_3:
0x80: {  	p0 =	sne.s32 s0, $0x9E00;
	v0 =	vld [tilespmem:s13+$0x9FF0]  }
0x81: {  	v1 =	vld [tilespmem:s13+$0x9F80]  }
0x82: {  	v2 =	vld [tilespmem:s13+$0x9F90]  }
0x83: {  	v3 =	vld [tilespmem:s13+$0x9FA0]  }
0x84: {  	v4 =	vld [tilespmem:s13+$0x9FB0]  }
0x85: {  	[tilespmem:s13+$0x77F0] =	vst.add.f32.msk $0xffff, v0  }
0x86: {  	v0 =	vld [tilespmem:s13+$0x9FC0]  }
0x87: {  	v5 =	vld [tilespmem:s13+$0x9FD0]  }
0x88: {  	v6 =	vld [tilespmem:s13+$0x9FE0]  }
0x89: {  	[tilespmem:s13+$0x7780] =	vst.add.f32.msk $0xffff, v1  }
0x8a: {  	[tilespmem:s13+$0x7790] =	vst.add.f32.msk $0xffff, v2  }
.Ltmp0:
0x8b: {  	[tilespmem:s13+$0x77A0] =	vst.add.f32.msk $0xffff, v3;
	(pc) =	sbr.rel @p0 .LBB2_3-.Ltmp0, $4  }
0x8c: {  	[tilespmem:s13+$0x77B0] =	vst.add.f32.msk $0xffff, v4  }
0x8d: {  	[tilespmem:s13+$0x77C0] =	vst.add.f32.msk $0xffff, v0  }
0x8e: {  	[tilespmem:s13+$0x77D0] =	vst.add.f32.msk $0xffff, v5  }
0x8f: {  	[tilespmem:s13+$0x77E0] =	vst.add.f32.msk $0xffff, v6;
	s13 =	sshra.s32 s0, $0x2;
	s0 =	sadd.s32 $0x200, s0  }
0x90: {  	v0 =	vld [tilespmem:s13+$0x9FF0]  }
0x91: {  	v1 =	vld [tilespmem:s13+$0x9F80]  }
0x92: {  	v2 =	vld [tilespmem:s13+$0x9F90]  }
0x93: {  	v3 =	vld [tilespmem:s13+$0x9FA0]  }
0x94: {  	v4 =	vld [tilespmem:s13+$0x9FB0]  }
0x95: {  	v28 =	vld [tilespmem:s13+$0x9FC0]  }
0x96: {  	v5 =	vld [tilespmem:s13+$0x9FD0]  }
0x97: {  	v6 =	vld [tilespmem:s13+$0x9FE0]  }
0x98: {  	[tilespmem:s13+$0x77F0] =	vst.add.f32.msk $0xffff, v0  }
0x99: {  	[tilespmem:s13+$0x7780] =	vst.add.f32.msk $0xffff, v1  }
0x9a: {  	[tilespmem:s13+$0x7790] =	vst.add.f32.msk $0xffff, v2  }
0x9b: {  	[tilespmem:s13+$0x77A0] =	vst.add.f32.msk $0xffff, v3  }
0x9c: {  	[tilespmem:s13+$0x77B0] =	vst.add.f32.msk $0xffff, v4  }
0x9d: {  	s0 =	sadd.s32 s9, s19;
	[tilespmem:s13+$0x77C0] =	vst.add.f32.msk $0xffff, v28  }
0x9e: {  	s7 =	sshll.u32 s0, $0x4;
	[tilespmem:s13+$0x77D0] =	vst.add.f32.msk $0xffff, v5  }
0x9f: {  	s7 =	sadd.s32 s11, s7;
	[tilespmem:s13+$0x77E0] =	vst.add.f32.msk $0xffff, v6;
	s13 =	simm.s32 $0x0  }
0xa0: {  	[hbm4b:s7+s13] =	stream.linear.scatter [tilespmem:s26], [sflag:$0x3], $0x2800, $0x38;
	[tilespmem:$0x11980] =	vst v63  }
0xa1: {  	_ =	swait.ge [sflag:s20], $0x2800  }
0xa2: {  	s0 =	sshrl.u32 s0, $0x3;
	[sflag:s20] =	ssyncset.done $0x0  }
0xa3: {  	s0 =	sadd.s32 s12, s0;
	[sflag:s20] =	ssyncadd.s32 $0xFFFFD800  }
0xa4: {  	[hbm4b:s0+s13] =	stream.linear.scatter [tilespmem:s5], [sflag:$0x3], $0x50, $0x38;
	[tilespmem:$0x11980] =	vst v63  }
0xa5: {  	s7 =	sadd.s32 s19, s16;
	_ =	swait.ge [sflag:s20], $0x50  }
0xa6: {  	s0 =	sshrl.u32 s7, $0x3;
	[sflag:s20] =	ssyncset.done $0x0  }
0xa7: {  	s19 =	sadd.s32 s8, s0;
	[sflag:s20] =	ssyncadd.s32 $0xFFFFFFB0  }
0xa8: {  	[tilespmem:s23], [sflag:$0x3] =	stream.linear.gather [hbm4b:s19+s13], $0x50, $0x38;
	[tilespmem:$0x11980] =	vst v63  }
0xa9: {  	_ =	swait.ge [sflag:s20], $0x50  }
0xaa: {  	[sflag:s20] =	ssyncset.done $0x0  }
0xab: {  	s0 =	sadd.s32 s10, s0;
	[sflag:s20] =	ssyncadd.s32 $0xFFFFFFB0  }
0xac: {  	[tilespmem:s24], [sflag:$0x3] =	stream.linear.gather [hbm4b:s0+s13], $0x50, $0x38;
	[tilespmem:$0x11980] =	vst v63  }
0xad: {  	_ =	swait.ge [sflag:s20], $0x50  }
0xae: {  	[sflag:s20] =	ssyncset.done $0x0  }
0xaf: {  	[sflag:s20] =	ssyncadd.s32 $0xFFFFFFB0  }
0xb0: {  	[tilespmem:s26], [sflag:$0x1] =	stream.indirect.gather [hbm4b:s1+s25], $0x80, s23, s25, $0xb8;
	[tilespmem:$0x11980] =	vst v63  }
0xb1: {  	_ = 	snop  }
0xb2: {  	[tilespmem:s28], [sflag:$0x1] =	stream.indirect.gather [hbm4b:s4+s25], $0x80, s24, s25, $0xb8;
	[tilespmem:$0x11980] =	vst v63  }
0xb3: {  	v29 =	vld [tilespmem:$0xC800]  }
0xb4: {  	v30 =	vld [tilespmem:$0xC880];
	_ =	sdelay $0x6  }
0xb5: {  	v31 =	vld.idx.msk [tilespmem:v29+s13+$0x0], $0xffff  }
0xb6: {  	v32 =	vld.idx.msk [tilespmem:v30+s13+$0x0], $0xffff  }
0xb7: {  	v33 =	vld.idx.msk [tilespmem:v29+s21+$0x0], $0xffff  }
0xb8: {  	v34 =	vld.idx.msk [tilespmem:v30+s21+$0x0], $0xffff  }
0xb9: {  	v0 =	vld.idx.msk [tilespmem:v29+s22+$0x0], $0xffff  }
0xba: {  	v1 =	vld.idx.msk [tilespmem:v30+s22+$0x0], $0xffff;
	_ =	sdelay $0x2  }
0xbb: {  	v2 =	vsub.f32 v31, v32;
	v35 =	vsub.f32 v33, v34  }
0xbc: {  	v36 =	vld [tilespmem:$0xC810]  }
0xbd: {  	v37 =	vld [tilespmem:$0xC890];
	v0 =	vsub.f32 v0, v1;
	v2 =	vmul.f32 v2, v2;
	v3 =	vmul.f32 v35, v35;
	_ =	sdelay $0x1  }
0xbe: {  	v0 =	vmul.f32 v0, v0;
	v2 =	vadd.f32 v3, v2;
	_ =	sdelay $0x1  }
0xbf: {  	v0 =	vadd.f32 v0, v2;
	_ =	sdelay $0x1  }
0xc0: {  	[tilespmem:$0x11900] =	vst v0  }
0xc1: {  	v0 =	vld.idx.msk [tilespmem:v36+s13+$0x0], $0xffff  }
0xc2: {  	v38 =	vld.idx.msk [tilespmem:v37+s13+$0x0], $0xffff  }
0xc3: {  	v39 =	vld.idx.msk [tilespmem:v36+s21+$0x0], $0xffff  }
0xc4: {  	v40 =	vld.idx.msk [tilespmem:v37+s21+$0x0], $0xffff  }
0xc5: {  	v4 =	vld.idx.msk [tilespmem:v36+s22+$0x0], $0xffff  }
0xc6: {  	v1 =	vld.idx.msk [tilespmem:v37+s22+$0x0], $0xffff;
	_ =	sdelay $0x2  }
0xc7: {  	v0 =	vsub.f32 v0, v38;
	v41 =	vsub.f32 v39, v40  }
0xc8: {  	v42 =	vld [tilespmem:$0xC820]  }
0xc9: {  	v43 =	vld [tilespmem:$0xC8A0];
	v1 =	vsub.f32 v4, v1;
	v0 =	vmul.f32 v0, v0;
	v2 =	vmul.f32 v41, v41;
	_ =	sdelay $0x1  }
0xca: {  	v1 =	vmul.f32 v1, v1;
	v0 =	vadd.f32 v2, v0;
	_ =	sdelay $0x1  }
0xcb: {  	v0 =	vadd.f32 v1, v0;
	_ =	sdelay $0x1  }
0xcc: {  	[tilespmem:$0x11910] =	vst v0  }
0xcd: {  	v0 =	vld.idx.msk [tilespmem:v42+s13+$0x0], $0xffff  }
0xce: {  	v44 =	vld.idx.msk [tilespmem:v43+s13+$0x0], $0xffff  }
0xcf: {  	v45 =	vld.idx.msk [tilespmem:v42+s21+$0x0], $0xffff  }
0xd0: {  	v46 =	vld.idx.msk [tilespmem:v43+s21+$0x0], $0xffff  }
0xd1: {  	v3 =	vld.idx.msk [tilespmem:v42+s22+$0x0], $0xffff  }
0xd2: {  	v4 =	vld.idx.msk [tilespmem:v43+s22+$0x0], $0xffff;
	_ =	sdelay $0x2  }
0xd3: {  	v0 =	vsub.f32 v0, v44;
	v47 =	vsub.f32 v45, v46  }
0xd4: {  	v48 =	vld [tilespmem:$0xC830]  }
0xd5: {  	v49 =	vld [tilespmem:$0xC8B0];
	v3 =	vsub.f32 v3, v4;
	v0 =	vmul.f32 v0, v0;
	v1 =	vmul.f32 v47, v47;
	_ =	sdelay $0x1  }
0xd6: {  	v50 =	vmul.f32 v3, v3;
	v0 =	vadd.f32 v1, v0;
	_ =	sdelay $0x1  }
0xd7: {  	v0 =	vadd.f32 v50, v0;
	_ =	sdelay $0x1  }
0xd8: {  	[tilespmem:$0x11920] =	vst v0  }
0xd9: {  	v0 =	vld.idx.msk [tilespmem:v48+s13+$0x0], $0xffff  }
0xda: {  	v51 =	vld.idx.msk [tilespmem:v49+s13+$0x0], $0xffff  }
0xdb: {  	v52 =	vld.idx.msk [tilespmem:v48+s21+$0x0], $0xffff  }
0xdc: {  	v53 =	vld.idx.msk [tilespmem:v49+s21+$0x0], $0xffff  }
0xdd: {  	v2 =	vld.idx.msk [tilespmem:v48+s22+$0x0], $0xffff  }
0xde: {  	v4 =	vld.idx.msk [tilespmem:v49+s22+$0x0], $0xffff;
	_ =	sdelay $0x2  }
0xdf: {  	v0 =	vsub.f32 v0, v51;
	v54 =	vsub.f32 v52, v53  }
0xe0: {  	v55 =	vld [tilespmem:$0xC840]  }
0xe1: {  	v56 =	vld [tilespmem:$0xC8C0];
	v2 =	vsub.f32 v2, v4;
	v0 =	vmul.f32 v0, v0;
	v1 =	vmul.f32 v54, v54;
	_ =	sdelay $0x1  }
0xe2: {  	v57 =	vmul.f32 v2, v2;
	v0 =	vadd.f32 v1, v0;
	_ =	sdelay $0x1  }
0xe3: {  	v0 =	vadd.f32 v57, v0;
	_ =	sdelay $0x1  }
0xe4: {  	[tilespmem:$0x11930] =	vst v0  }
0xe5: {  	v0 =	vld.idx.msk [tilespmem:v55+s13+$0x0], $0xffff  }
0xe6: {  	v58 =	vld.idx.msk [tilespmem:v56+s13+$0x0], $0xffff  }
0xe7: {  	v59 =	vld.idx.msk [tilespmem:v55+s21+$0x0], $0xffff  }
0xe8: {  	v60 =	vld.idx.msk [tilespmem:v56+s21+$0x0], $0xffff  }
0xe9: {  	v3 =	vld.idx.msk [tilespmem:v55+s22+$0x0], $0xffff  }
0xea: {  	v4 =	vld.idx.msk [tilespmem:v56+s22+$0x0], $0xffff;
	_ =	sdelay $0x2  }
0xeb: {  	v0 =	vsub.f32 v0, v58;
	v61 =	vsub.f32 v59, v60;
	_ =	sdelay $0x1  }
0xec: {  	v62 =	vsub.f32 v3, v4;
	v0 =	vmul.f32 v0, v0;
	v1 =	vmul.f32 v61, v61;
	_ =	sdelay $0x1  }
0xed: {  	v63 =	vmul.f32 v62, v62;
	v0 =	vadd.f32 v1, v0;
	_ =	sdelay $0x1  }
0xee: {  	v0 =	vadd.f32 v63, v0;
	_ =	sdelay $0x1  }
0xef: {  	[tilespmem:$0x11940] =	vst v0  }
0xf0: {  	_ =	swait.ge [sflag:s6], $0x2800  }
0xf1: {  	[sflag:s6] =	ssyncset.done $0x0  }
0xf2: {  	[sflag:s6] =	ssyncadd.s32 $0xFFFFD800  }
0xf3: {  	_ =	swait.ge [sflag:s6], $0x2800  }
0xf4: {  	[sflag:s6] =	ssyncset.done $0x0  }
0xf5: {  	s0 =	simm.s32 $0x200;
	s13 =	simm.s32 $0x0;
	[sflag:s6] =	ssyncadd.s32 $0xFFFFD800  }
.LBB2_5:
0xf6: {  	p0 =	sne.s32 s0, $0x9E00;
	v0 =	vld [tilespmem:s13+$0xF170]  }
0xf7: {  	v1 =	vld [tilespmem:s13+$0xF100]  }
0xf8: {  	v2 =	vld [tilespmem:s13+$0xF110]  }
0xf9: {  	v3 =	vld [tilespmem:s13+$0xF120]  }
0xfa: {  	v4 =	vld [tilespmem:s13+$0xF130]  }
0xfb: {  	[tilespmem:s13+$0xC970] =	vst.add.f32.msk $0xffff, v0  }
0xfc: {  	v0 =	vld [tilespmem:s13+$0xF140]  }
0xfd: {  	v5 =	vld [tilespmem:s13+$0xF150]  }
0xfe: {  	v6 =	vld [tilespmem:s13+$0xF160]  }
0xff: {  	[tilespmem:s13+$0xC900] =	vst.add.f32.msk $0xffff, v1  }
0x100: {  	[tilespmem:s13+$0xC910] =	vst.add.f32.msk $0xffff, v2  }
.Ltmp1:
0x101: {  	[tilespmem:s13+$0xC920] =	vst.add.f32.msk $0xffff, v3;
	(pc) =	sbr.rel @p0 .LBB2_5-.Ltmp1, $4  }
0x102: {  	[tilespmem:s13+$0xC930] =	vst.add.f32.msk $0xffff, v4  }
0x103: {  	[tilespmem:s13+$0xC940] =	vst.add.f32.msk $0xffff, v0  }
0x104: {  	[tilespmem:s13+$0xC950] =	vst.add.f32.msk $0xffff, v5  }
0x105: {  	[tilespmem:s13+$0xC960] =	vst.add.f32.msk $0xffff, v6;
	s13 =	sshra.s32 s0, $0x2;
	s0 =	sadd.s32 $0x200, s0  }
0x106: {  	v0 =	vld [tilespmem:s13+$0xF170]  }
0x107: {  	v1 =	vld [tilespmem:s13+$0xF100]  }
0x108: {  	v2 =	vld [tilespmem:s13+$0xF110]  }
0x109: {  	v3 =	vld [tilespmem:s13+$0xF120]  }
0x10a: {  	v4 =	vld [tilespmem:s13+$0xF130]  }
0x10b: {  	v63 =	vld [tilespmem:s13+$0xF140]  }
0x10c: {  	v5 =	vld [tilespmem:s13+$0xF150]  }
0x10d: {  	v6 =	vld [tilespmem:s13+$0xF160]  }
0x10e: {  	[tilespmem:s13+$0xC970] =	vst.add.f32.msk $0xffff, v0  }
0x10f: {  	[tilespmem:s13+$0xC900] =	vst.add.f32.msk $0xffff, v1  }
0x110: {  	[tilespmem:s13+$0xC910] =	vst.add.f32.msk $0xffff, v2  }
0x111: {  	[tilespmem:s13+$0xC920] =	vst.add.f32.msk $0xffff, v3  }
0x112: {  	[tilespmem:s13+$0xC930] =	vst.add.f32.msk $0xffff, v4  }
0x113: {  	[tilespmem:s13+$0xC940] =	vst.add.f32.msk $0xffff, v63  }
0x114: {  	s0 =	sshll.u32 s18, $0x4;
	[tilespmem:s13+$0xC950] =	vst.add.f32.msk $0xffff, v5  }
0x115: {  	s0 =	sadd.s32 s11, s0;
	[tilespmem:s13+$0xC960] =	vst.add.f32.msk $0xffff, v6  }
0x116: {  	[hbm4b:s0+s2] =	stream.linear.scatter [tilespmem:s31], [sflag:$0x3], $0x2800, $0x38;
	[tilespmem:$0x11980] =	vst v63  }
0x117: {  	s14 =	sadd.s32 $0x1, s14;
	_ =	swait.ge [sflag:s20], $0x2800  }
0x118: {  	s19 =	sadd.s32 s12, s17;
	p0 =	sne.s32 s14, $0x3E;
	[sflag:s20] =	ssyncset.done $0x0  }
.Ltmp2:
0x119: {  	s7 =	simm.s32 $0x11900;
	[sflag:s20] =	ssyncadd.s32 $0xFFFFD800;
	(pc) =	sbr.rel @p0 .LBB2_2-.Ltmp2, $4  }
0x11a: {  	[hbm4b:s19+s2] =	stream.linear.scatter [tilespmem:s7], [sflag:$0x3], $0x50, $0x38;
	[tilespmem:$0x11980] =	vst v63  }
0x11b: {  	_ =	swait.ge [sflag:s20], $0x50  }
0x11c: {  	[sflag:s20] =	ssyncset.done $0x0  }
0x11d: {  	[sflag:s20] =	ssyncadd.s32 $0xFFFFFFB0  }
0x11e: {  	v0 =	vld [tilespmem:$0x7680]  }
0x11f: {  	v1 =	vld [tilespmem:$0x7700];
	_ =	sdelay $0x5  }
0x120: {  	s13 =	simm.s32 $0x0  }
0x121: {  	v2 =	vld.idx.msk [tilespmem:v0+s13+$0x0], $0xffff  }
0x122: {  	v3 =	vld.idx.msk [tilespmem:v1+s13+$0x0], $0xffff  }
0x123: {  	v4 =	vld.idx.msk [tilespmem:v0+s21+$0x0], $0xffff  }
0x124: {  	v5 =	vld.idx.msk [tilespmem:v1+s21+$0x0], $0xffff  }
0x125: {  	v0 =	vld.idx.msk [tilespmem:v0+s22+$0x0], $0xffff  }
0x126: {  	v1 =	vld.idx.msk [tilespmem:v1+s22+$0x0], $0xffff;
	_ =	sdelay $0x2  }
0x127: {  	v2 =	vsub.f32 v2, v3;
	v35 =	vsub.f32 v4, v5  }
0x128: {  	v36 =	vld [tilespmem:$0x7690]  }
0x129: {  	v37 =	vld [tilespmem:$0x7710];
	v0 =	vsub.f32 v0, v1;
	v2 =	vmul.f32 v2, v2;
	v3 =	vmul.f32 v35, v35;
	_ =	sdelay $0x1  }
0x12a: {  	v0 =	vmul.f32 v0, v0;
	v2 =	vadd.f32 v3, v2;
	_ =	sdelay $0x1  }
0x12b: {  	v0 =	vadd.f32 v0, v2;
	_ =	sdelay $0x1  }
0x12c: {  	[tilespmem:$0xC780] =	vst v0  }
0x12d: {  	v0 =	vld.idx.msk [tilespmem:v36+s13+$0x0], $0xffff  }
0x12e: {  	v38 =	vld.idx.msk [tilespmem:v37+s13+$0x0], $0xffff  }
0x12f: {  	v39 =	vld.idx.msk [tilespmem:v36+s21+$0x0], $0xffff  }
0x130: {  	v40 =	vld.idx.msk [tilespmem:v37+s21+$0x0], $0xffff  }
0x131: {  	v4 =	vld.idx.msk [tilespmem:v36+s22+$0x0], $0xffff  }
0x132: {  	v1 =	vld.idx.msk [tilespmem:v37+s22+$0x0], $0xffff;
	_ =	sdelay $0x2  }
0x133: {  	v0 =	vsub.f32 v0, v38;
	v41 =	vsub.f32 v39, v40  }
0x134: {  	v42 =	vld [tilespmem:$0x76A0]  }
0x135: {  	v43 =	vld [tilespmem:$0x7720];
	v1 =	vsub.f32 v4, v1;
	v0 =	vmul.f32 v0, v0;
	v2 =	vmul.f32 v41, v41;
	_ =	sdelay $0x1  }
0x136: {  	v1 =	vmul.f32 v1, v1;
	v0 =	vadd.f32 v2, v0;
	_ =	sdelay $0x1  }
0x137: {  	v0 =	vadd.f32 v1, v0;
	_ =	sdelay $0x1  }
0x138: {  	[tilespmem:$0xC790] =	vst v0  }
0x139: {  	v0 =	vld.idx.msk [tilespmem:v42+s13+$0x0], $0xffff  }
0x13a: {  	v44 =	vld.idx.msk [tilespmem:v43+s13+$0x0], $0xffff  }
0x13b: {  	v45 =	vld.idx.msk [tilespmem:v42+s21+$0x0], $0xffff  }
0x13c: {  	v46 =	vld.idx.msk [tilespmem:v43+s21+$0x0], $0xffff  }
0x13d: {  	v3 =	vld.idx.msk [tilespmem:v42+s22+$0x0], $0xffff  }
0x13e: {  	v4 =	vld.idx.msk [tilespmem:v43+s22+$0x0], $0xffff;
	_ =	sdelay $0x2  }
0x13f: {  	v0 =	vsub.f32 v0, v44;
	v47 =	vsub.f32 v45, v46  }
0x140: {  	v48 =	vld [tilespmem:$0x76B0]  }
0x141: {  	v49 =	vld [tilespmem:$0x7730];
	v3 =	vsub.f32 v3, v4;
	v0 =	vmul.f32 v0, v0;
	v1 =	vmul.f32 v47, v47;
	_ =	sdelay $0x1  }
0x142: {  	v50 =	vmul.f32 v3, v3;
	v0 =	vadd.f32 v1, v0;
	_ =	sdelay $0x1  }
0x143: {  	v0 =	vadd.f32 v50, v0;
	_ =	sdelay $0x1  }
0x144: {  	[tilespmem:$0xC7A0] =	vst v0  }
0x145: {  	v0 =	vld.idx.msk [tilespmem:v48+s13+$0x0], $0xffff  }
0x146: {  	v51 =	vld.idx.msk [tilespmem:v49+s13+$0x0], $0xffff  }
0x147: {  	v52 =	vld.idx.msk [tilespmem:v48+s21+$0x0], $0xffff  }
0x148: {  	v53 =	vld.idx.msk [tilespmem:v49+s21+$0x0], $0xffff  }
0x149: {  	v2 =	vld.idx.msk [tilespmem:v48+s22+$0x0], $0xffff  }
0x14a: {  	v4 =	vld.idx.msk [tilespmem:v49+s22+$0x0], $0xffff;
	_ =	sdelay $0x2  }
0x14b: {  	v0 =	vsub.f32 v0, v51;
	v54 =	vsub.f32 v52, v53  }
0x14c: {  	v55 =	vld [tilespmem:$0x76C0]  }
0x14d: {  	v56 =	vld [tilespmem:$0x7740];
	v2 =	vsub.f32 v2, v4;
	v0 =	vmul.f32 v0, v0;
	v1 =	vmul.f32 v54, v54;
	_ =	sdelay $0x1  }
0x14e: {  	v57 =	vmul.f32 v2, v2;
	v0 =	vadd.f32 v1, v0;
	_ =	sdelay $0x1  }
0x14f: {  	v0 =	vadd.f32 v57, v0;
	_ =	sdelay $0x1  }
0x150: {  	[tilespmem:$0xC7B0] =	vst v0  }
0x151: {  	v0 =	vld.idx.msk [tilespmem:v55+s13+$0x0], $0xffff  }
0x152: {  	v58 =	vld.idx.msk [tilespmem:v56+s13+$0x0], $0xffff  }
0x153: {  	v59 =	vld.idx.msk [tilespmem:v55+s21+$0x0], $0xffff  }
0x154: {  	v60 =	vld.idx.msk [tilespmem:v56+s21+$0x0], $0xffff  }
0x155: {  	v3 =	vld.idx.msk [tilespmem:v55+s22+$0x0], $0xffff  }
0x156: {  	v4 =	vld.idx.msk [tilespmem:v56+s22+$0x0], $0xffff;
	_ =	sdelay $0x2  }
0x157: {  	v0 =	vsub.f32 v0, v58;
	v61 =	vsub.f32 v59, v60;
	_ =	sdelay $0x1  }
0x158: {  	v62 =	vsub.f32 v3, v4;
	v0 =	vmul.f32 v0, v0;
	v1 =	vmul.f32 v61, v61;
	_ =	sdelay $0x1  }
0x159: {  	v63 =	vmul.f32 v62, v62;
	v0 =	vadd.f32 v1, v0;
	_ =	sdelay $0x1  }
0x15a: {  	v0 =	vadd.f32 v63, v0;
	_ =	sdelay $0x1  }
0x15b: {  	[tilespmem:$0xC7C0] =	vst v0  }
0x15c: {  	_ =	swait.ge [sflag:s3], $0x2800  }
0x15d: {  	[sflag:s3] =	ssyncset.done $0x0  }
0x15e: {  	[sflag:s3] =	ssyncadd.s32 $0xFFFFD800  }
0x15f: {  	_ =	swait.ge [sflag:s3], $0x2800  }
0x160: {  	[sflag:s3] =	ssyncset.done $0x0  }
0x161: {  	s0 =	simm.s32 $0x200;
	s13 =	simm.s32 $0x0;
	[sflag:s3] =	ssyncadd.s32 $0xFFFFD800  }
.LBB2_8:
0x162: {  	p0 =	sne.s32 s0, $0x9E00;
	v0 =	vld [tilespmem:s13+$0x9FF0]  }
0x163: {  	v1 =	vld [tilespmem:s13+$0x9F80]  }
0x164: {  	v2 =	vld [tilespmem:s13+$0x9F90]  }
0x165: {  	v3 =	vld [tilespmem:s13+$0x9FA0]  }
0x166: {  	v4 =	vld [tilespmem:s13+$0x9FB0]  }
0x167: {  	[tilespmem:s13+$0x77F0] =	vst.add.f32.msk $0xffff, v0  }
0x168: {  	v0 =	vld [tilespmem:s13+$0x9FC0]  }
0x169: {  	v5 =	vld [tilespmem:s13+$0x9FD0]  }
0x16a: {  	v6 =	vld [tilespmem:s13+$0x9FE0]  }
0x16b: {  	[tilespmem:s13+$0x7780] =	vst.add.f32.msk $0xffff, v1  }
0x16c: {  	[tilespmem:s13+$0x7790] =	vst.add.f32.msk $0xffff, v2  }
.Ltmp3:
0x16d: {  	[tilespmem:s13+$0x77A0] =	vst.add.f32.msk $0xffff, v3;
	(pc) =	sbr.rel @p0 .LBB2_8-.Ltmp3, $4  }
0x16e: {  	[tilespmem:s13+$0x77B0] =	vst.add.f32.msk $0xffff, v4  }
0x16f: {  	[tilespmem:s13+$0x77C0] =	vst.add.f32.msk $0xffff, v0  }
0x170: {  	[tilespmem:s13+$0x77D0] =	vst.add.f32.msk $0xffff, v5  }
0x171: {  	[tilespmem:s13+$0x77E0] =	vst.add.f32.msk $0xffff, v6;
	s13 =	sshra.s32 s0, $0x2;
	s0 =	sadd.s32 $0x200, s0  }
0x172: {  	v0 =	vld [tilespmem:s13+$0x9FF0]  }
0x173: {  	v1 =	vld [tilespmem:s13+$0x9F80]  }
0x174: {  	v2 =	vld [tilespmem:s13+$0x9F90]  }
0x175: {  	v3 =	vld [tilespmem:s13+$0x9FA0]  }
0x176: {  	v4 =	vld [tilespmem:s13+$0x9FB0]  }
0x177: {  	v63 =	vld [tilespmem:s13+$0x9FC0]  }
0x178: {  	v5 =	vld [tilespmem:s13+$0x9FD0]  }
0x179: {  	v6 =	vld [tilespmem:s13+$0x9FE0]  }
0x17a: {  	[tilespmem:s13+$0x77F0] =	vst.add.f32.msk $0xffff, v0  }
0x17b: {  	[tilespmem:s13+$0x7780] =	vst.add.f32.msk $0xffff, v1  }
0x17c: {  	[tilespmem:s13+$0x7790] =	vst.add.f32.msk $0xffff, v2  }
0x17d: {  	[tilespmem:s13+$0x77A0] =	vst.add.f32.msk $0xffff, v3  }
0x17e: {  	[tilespmem:s13+$0x77B0] =	vst.add.f32.msk $0xffff, v4  }
0x17f: {  	[tilespmem:s13+$0x77C0] =	vst.add.f32.msk $0xffff, v63  }
0x180: {  	[tilespmem:s13+$0x77D0] =	vst.add.f32.msk $0xffff, v5  }
0x181: {  	s0 =	rddreg [dreg:$0x8];
	[tilespmem:s13+$0x77E0] =	vst.add.f32.msk $0xffff, v6  }
0x182: {  	[hbm4b:s0+s2] =	stream.linear.scatter [tilespmem:s26], [sflag:$0x3], $0x2800, $0x38;
	[tilespmem:$0x11980] =	vst v63  }
0x183: {  	_ =	swait.ge [sflag:s20], $0x2800  }
0x184: {  	[sflag:s20] =	ssyncset.done $0x0  }
0x185: {  	s18 =	rddreg [dreg:$0x9];
	[sflag:s20] =	ssyncadd.s32 $0xFFFFD800  }
0x186: {  	[hbm4b:s18+s2] =	stream.linear.scatter [tilespmem:s5], [sflag:$0x3], $0x50, $0x38;
	[tilespmem:$0x11980] =	vst v63  }
0x187: {  	_ =	swait.ge [sflag:s20], $0x50  }
0x188: {  	s7 =	rddreg [dreg:$0xb]  }
0x189: {  	s19 =	rddreg [dreg:$0xa];
	s7 =	sadd.s32 $0x1, s7  }
0x18a: {  	p0 =	sne.s32 s7, s19  }
.Ltmp4:
0x18b: {  	_ = 	snop;
	(pc) =	sbr.rel @p0 .LBB2_1-.Ltmp4, $3  }
0x18c: {  	_ =	sdelay $0x1  }
0x18d: {  	[sflag:s20] =	ssyncset.done $0x0  }
0x18e: {  	[sflag:s20] =	ssyncadd.s32 $0xFFFFFFB0  }
0x18f: {  	_ =	sfence.sel $0x180000  }
0x190: {  	[bflag:$0x0] =	sbarrier.arrive $0xFFFF  }
0x191: {  	_ =	strace $0x90000047  }
0x192: {  	s0 =	stileid.u32;
	[bflag:$0x2] =	sbarrier.arrive $0xFFFF  }
0x193: {  	p0 =	sne.s32 s0, $0x0;
	s0 =	rddreg [dreg:$0x2]  }
0x194: {  	s0 =	sadd.s32 @!p0 $0x100000, s0  }
0x195: {  	[sflag:s0] =	ssyncadd.tile.s32 @!p0 $0x1;
	_ =	shalt  }
.Lfunc_end2:
_tile_overlayer_lowered:
.L_overlay_start_2:
0x196: {  	(tag) =	ssettag $0x2  }
0x197: {  	s0 =	rddreg [dreg:$0x0];
	s2 =	stileid.u32  }
0x198: {  	s1 =	rddreg [dreg:$0x1];
	p0 =	sne.s32 s2, $0x0  }
0x199: {  	s3 =	rddreg [dreg:$0x2];
	[bflag:$0x3] =	sbarrier.arrive $0xFFFF;
	s2 =	simm.s32 @!p0 $0x1C03  }
0x19a: {  	[timem:s3], [sflag:s2] =	dma.local @!p0 [hbm:s0], s1  }
0x19b: {  	s0 =	simm.s32 @!p0 $0x3  }
0x19c: {  	_ =	swait.ge @!p0 [sflag:s0], s1  }
0x19d: {  	s1 =	ssub.s32 @!p0 $0x0, s1;
	[sflag:s0] =	ssyncset.done @!p0 $0x0  }
0x19e: {  	[sflag:s0] =	ssyncadd.s32 @!p0 s1  }
0x19f: {  	[bflag:$0x3] =	sbarrier.arrive $0xFFFF  }
0x1a0: {  	_ =	shalt  }

</sc_bundles>
